<compile_context>
chip_gen: v7x
topology: tpu7x:2x2x1
jax: 0.10.2.dev20260603
libtpu: 0.0.44.dev20260713+nightly
codegen_flags: <defaults>
</compile_context>

<pallas_src>
import functools

import jax
import jax.numpy as jnp
from jax import lax
from jax.experimental import pallas as pl
from jax.experimental.pallas import tpu as pltpu
from jax.experimental.pallas import tpu_sc as plsc

N = 10000
E = 160000
D = 256
DH = D // 2
NC, NS, L = 2, 16, 16
EPT = E // NS
CH = 80
NCHUNK = EPT // CH


def _front_tc(x, w2):
    blk = 1000
    nb = N // blk

    def body(x_ref, w_ref, xo_ref, ab_ref):
        c = pl.program_id(1)
        xr = x_ref[...]
        xo_ref[...] = xr.astype(jnp.bfloat16)
        p = jnp.dot(xr, w_ref[...], preferred_element_type=jnp.float32)

        @pl.when(c == 0)
        def _():
            ab_ref[...] = p

        @pl.when(c == 1)
        def _():
            ab_ref[...] += p

    return pl.pallas_call(
        body,
        grid=(nb, 2),
        in_specs=[
            pl.BlockSpec((blk, DH), lambda i, c: (i, c)),
            pl.BlockSpec((DH, 2), lambda i, c: (c, 0)),
        ],
        out_specs=[
            pl.BlockSpec((blk, DH), lambda i, c: (c * nb + i, 0)),
            pl.BlockSpec((blk, 2), lambda i, c: (i, 0)),
        ],
        out_shape=[
            jax.ShapeDtypeStruct((2 * N, DH), jnp.bfloat16),
            jax.ShapeDtypeStruct((N, 2), jnp.float32),
        ],
    )(x, w2)


def _final_tc(agg2, w_lin, b2, x):
    blk = 400
    nb = N // blk
    dn = (((1,), (1,)), ((), ()))

    def body(al_ref, ah_ref, w_ref, b_ref, x_ref, o_ref):
        acc = lax.dot_general(al_ref[...].astype(jnp.float32),
                              w_ref[:, :DH], dn,
                              preferred_element_type=jnp.float32)
        acc += lax.dot_general(ah_ref[...].astype(jnp.float32),
                               w_ref[:, DH:], dn,
                               preferred_element_type=jnp.float32)
        o_ref[...] = acc + b_ref[0:1, :] + x_ref[...]

    return pl.pallas_call(
        body,
        grid=(nb,),
        in_specs=[
            pl.BlockSpec((blk, DH), lambda i: (i, 0)),
            pl.BlockSpec((blk, DH), lambda i: (nb + i, 0)),
            pl.BlockSpec((D, D), lambda i: (0, 0)),
            pl.BlockSpec((8, D), lambda i: (0, 0)),
            pl.BlockSpec((blk, D), lambda i: (i, 0)),
        ],
        out_specs=pl.BlockSpec((blk, D), lambda i: (i, 0)),
        out_shape=jax.ShapeDtypeStruct((N, D), jnp.float32),
    )(agg2, agg2, w_lin, b2, x)


def _sc_kernel(xs2, ei, ab, battn16, zrows):
    mesh = plsc.VectorSubcoreMesh(core_axis_name="c", subcore_axis_name="s")

    @functools.partial(
        pl.kernel,
        out_type=jax.ShapeDtypeStruct((2 * N, DH), jnp.bfloat16),
        mesh=mesh,
        compiler_params=pltpu.CompilerParams(use_tc_tiling_on_sc=False,
                                             needs_layout_passes=False),
        scratch_types=[
            pltpu.VMEM((EPT,), jnp.int32),
            pltpu.VMEM((NCHUNK, CH), jnp.int32),
            pltpu.VMEM((NCHUNK, CH), jnp.int32),
            pltpu.VMEM((NCHUNK, CH), jnp.float32),
            pltpu.VMEM((2 * N,), jnp.float32),
            pltpu.VMEM((CH, DH), jnp.bfloat16),
            pltpu.VMEM((CH, DH), jnp.bfloat16),
            pltpu.VMEM((CH, DH), jnp.bfloat16),
            pltpu.VMEM((CH, DH), jnp.bfloat16),
            pltpu.VMEM((CH, DH), jnp.bfloat16),
            pltpu.VMEM((L,), jnp.float32),
            pltpu.VMEM((2 * NS, L), jnp.float32),
            pltpu.VMEM_SHARED((N, DH), jnp.bfloat16),
            pltpu.VMEM_SHARED((2 * NS, L), jnp.float32),
            pltpu.SemaphoreType.DMA,
            pltpu.SemaphoreType.DMA,
            pltpu.SemaphoreType.DMA,
            pltpu.SemaphoreType.DMA,
            pltpu.SemaphoreType.DMA,
            pltpu.SemaphoreType.DMA,
            pltpu.SemaphoreType.DMA,
            pltpu.SemaphoreType.DMA,
            pltpu.SemaphoreType.DMA,
            pltpu.SemaphoreType.DMA,
        ],
    )
    def k(xs2_h, ei_h, ab_h, battn_h, zrows_h, out_h,
          eflat, rowi, coli, wbuf, abt, rows0, rows1, rows2, rows3, rows4,
          partv, redv, agg_s, red_s,
          semg0, semg1, semg2, semg3, semg4,
          sems0, sems1, sems2, sems3, sems4):
        c = lax.axis_index("c")
        s = lax.axis_index("s")
        coff = c * N
        NB = 5
        rows = (rows0, rows1, rows2, rows3, rows4)
        semg = (semg0, semg1, semg2, semg3, semg4)
        sems = (sems0, sems1, sems2, sems3, sems4)
        o16 = jnp.ones((L,), jnp.int32)

        pltpu.sync_copy(ab_h, abt)
        pltpu.sync_copy(battn_h, partv)
        bav = partv[...]

        def repack(dst):
            def rloop(g, _):
                for j in range(CH // L):
                    dst[g, pl.ds(j * L, L)] = eflat[pl.ds(g * CH + j * L, L)]
                return 0
            lax.fori_loop(0, NCHUNK, rloop, 0)

        pltpu.sync_copy(ei_h.at[pl.ds(s * EPT, EPT)], eflat)
        repack(rowi)
        pltpu.sync_copy(ei_h.at[pl.ds(E + s * EPT, EPT)], eflat)
        repack(coli)

        @pl.when(s < 10)
        def _zero():
            pltpu.sync_copy(zrows_h, agg_s.at[pl.ds(s * 1000, 1000)])

        def score_loop(g, mvec):
            for j in range(CH // L):
                r16 = rowi[g, pl.ds(j * L, L)]
                c16 = coli[g, pl.ds(j * L, L)]
                av = plsc.load_gather(abt, [r16 + r16])
                bv = plsc.load_gather(abt, [c16 + c16 + o16])
                sc = av + bv + bav
                sc = jnp.where(sc >= 0, sc, sc * jnp.float32(0.01))
                mvec = jnp.maximum(mvec, sc)
                wbuf[g, pl.ds(j * L, L)] = sc
                coli[g, pl.ds(j * L, L)] = c16 + coff
            return mvec
        mvec = lax.fori_loop(0, NCHUNK, score_loop,
                             jnp.full((L,), -jnp.inf, jnp.float32))

        for b in range(4):
            pltpu.async_copy(xs2_h.at[coli.at[b]], rows[b], semg[b])

        partv[...] = jnp.full((L,), jnp.max(mvec), jnp.float32)
        pltpu.sync_copy(partv, red_s.at[s])
        plsc.subcore_barrier()
        pltpu.sync_copy(red_s, redv)

        def rmax_loop(i, acc):
            return jnp.maximum(acc, redv[i, :])
        gmax = jnp.max(lax.fori_loop(0, NS, rmax_loop,
                                     jnp.full((L,), -jnp.inf, jnp.float32)))
        gmax16 = jnp.full((L,), gmax, jnp.float32)

        def exp_loop(g, svec):
            for j in range(CH // L):
                ev = jnp.exp(wbuf[g, pl.ds(j * L, L)] - gmax16)
                wbuf[g, pl.ds(j * L, L)] = ev
                svec = svec + ev
            return svec
        svec = lax.fori_loop(0, NCHUNK, exp_loop, jnp.zeros((L,), jnp.float32))

        partv[...] = jnp.full((L,), jnp.sum(svec), jnp.float32)
        pltpu.sync_copy(partv, red_s.at[NS + s])
        plsc.subcore_barrier()
        pltpu.sync_copy(red_s, redv)

        def rsum_loop(i, acc):
            return acc + redv[NS + i, :]
        zsum = jnp.sum(lax.fori_loop(0, NS, rsum_loop,
                                     jnp.zeros((L,), jnp.float32)))
        inv16 = jnp.full((L,), jnp.float32(1.0), jnp.float32) / jnp.full(
            (L,), zsum, jnp.float32)

        def pipe_body(t, _):
            for b in range(NB):
                gi = NB * t + b
                pltpu.make_async_copy(
                    xs2_h.at[coli.at[gi]], rows[b], semg[b]).wait()

                def scale_loop(eo, _2):
                    for kk in range(4):
                        e = eo * 4 + kk
                        w16 = plsc.load_gather(
                            wbuf, [jnp.full((L,), gi, jnp.int32),
                                   jnp.full((L,), e, jnp.int32)]) * inv16
                        w32 = plsc.pack(w16, w16,
                                        format=plsc.PackFormat.INTERLEAVED)
                        for j in range(DH // (2 * L)):
                            sl = pl.ds(j * 2 * L, 2 * L)
                            rows[b][e, sl] = rows[b][e, sl] * w32
                    return 0
                lax.fori_loop(0, CH // 4, scale_loop, 0)
                pltpu.async_copy(rows[b], agg_s.at[rowi.at[gi]], sems[b],
                                 add=True)

                bp = (b + NB - 1) % NB

                @pl.when(gi >= 1)
                def _drain():
                    pltpu.make_async_copy(
                        rows[bp], agg_s.at[rowi.at[gi - 1]],
                        sems[bp]).wait()

                @pl.when(gi + NB - 1 < NCHUNK)
                def _pf():
                    pltpu.async_copy(
                        xs2_h.at[coli.at[gi + NB - 1]], rows[bp], semg[bp])
            return 0
        lax.fori_loop(0, NCHUNK // NB, pipe_body, 0)
        pltpu.make_async_copy(rows[(NCHUNK - 1) % NB],
                              agg_s.at[rowi.at[NCHUNK - 1]],
                              sems[(NCHUNK - 1) % NB]).wait()
        plsc.subcore_barrier()

        @pl.when(s < 10)
        def _writeout():
            pltpu.sync_copy(agg_s.at[pl.ds(s * 1000, 1000)],
                            out_h.at[pl.ds(coff + s * 1000, 1000)])

    return k(xs2, ei, ab, battn16, zrows)


def kernel(x, edge_index, W_lin, b_lin, W_attn, b_attn):
    x = x.astype(jnp.float32)
    ei = edge_index.astype(jnp.int32).reshape(2 * E)

    w2 = jnp.stack([W_attn[0, :D], W_attn[0, D:]], axis=1).astype(jnp.float32)
    xs2, ab = _front_tc(x, w2)

    ab = ab.reshape(2 * N)
    battn16 = jnp.broadcast_to(b_attn.astype(jnp.float32), (L,))
    zrows = jnp.zeros((1000, DH), jnp.bfloat16)

    agg2 = _sc_kernel(xs2, ei, ab, battn16, zrows)

    b2 = jnp.broadcast_to(b_lin.astype(jnp.float32), (8, D))
    out = _final_tc(agg2, W_lin.astype(jnp.float32), b2, x)
    return out

# --- scband reference (transcript-rebuilt; emitter-appended) ---
"""Pipeline reference for scband-gcnconv-52544629899985 (READ-ONLY COPY).

The authoritative reference and input builder live on the scoring server;
editing this copy changes nothing except your own understanding.
"""

import jax, jax.numpy as jnp
import numpy as np

N_NODES = 10000
N_EDGES = 160000
D = 256

def setup_inputs(seed: int = 0) -> dict:
    key = jax.random.key(seed)
    k1, k2, k3, k4, k5, k6 = jax.random.split(key, 6)
    x = jax.random.normal(k1, (N_NODES, D), dtype=jnp.float32)
    edge_index = jax.random.randint(k2, (2, N_EDGES), 0, N_NODES, dtype=jnp.int64)
    # linear: in_channels -> out_channels
    lim_lin = 1.0 / np.sqrt(D)
    W_lin = jax.random.uniform(k3, (D, D), minval=-lim_lin, maxval=lim_lin, dtype=jnp.float32)
    b_lin = jax.random.uniform(k4, (D,), minval=-lim_lin, maxval=lim_lin, dtype=jnp.float32)
    # attn: 2*in_channels -> 1
    lim_attn = 1.0 / np.sqrt(2 * D)
    W_attn = jax.random.uniform(k5, (1, 2 * D), minval=-lim_attn, maxval=lim_attn, dtype=jnp.float32)
    b_attn = jax.random.uniform(k6, (1,), minval=-lim_attn, maxval=lim_attn, dtype=jnp.float32)
    return {"x": x, "edge_index": edge_index, "W_lin": W_lin, "b_lin": b_lin, "W_attn": W_attn, "b_attn": b_attn}

def reference(x, edge_index, W_lin, b_lin, W_attn, b_attn):
    row = edge_index[0]
    col = edge_index[1]
    x_row = jnp.take(x, row, axis=0)
    x_col = jnp.take(x, col, axis=0)
    edge_features = jnp.concatenate([x_row, x_col], axis=1)  # [E, 2D]
    edge_weights = edge_features @ W_attn.T + b_attn          # [E, 1]
    edge_weights = jax.nn.leaky_relu(edge_weights, negative_slope=0.01)
    edge_weights = jax.nn.softmax(edge_weights, axis=0)       # softmax over all edges
    # dropout p=0.0 (eval mode) -> identity
    weighted_features = x_col * edge_weights                  # [E, D]
    out = jnp.zeros((x.shape[0], x.shape[1]), dtype=x.dtype)
    out = out.at[row].add(weighted_features)                  # scatter-add by dst node
    out = out @ W_lin.T + b_lin + x
    return out

if __name__ == "__main__":
    import jax
    _d = setup_inputs()
    print(jax.jit(kernel)(*tuple(_d.values())))

</pallas_src>

<mosaic_0001>
#map = affine_map<(d0, d1) -> (0, 0)>
#map1 = affine_map<(d0, d1) -> (0)>
module attributes {stable_mosaic.version = 14 : i64} {
  func.func @k(%arg0: i32, %arg1: i32, %arg2: memref<20000x128xbf16, #tpu.memory_space<hbm>>, %arg3: memref<320000xi32, #tpu.memory_space<hbm>>, %arg4: memref<20000xf32, #tpu.memory_space<hbm>>, %arg5: memref<16xf32, #tpu.memory_space<hbm>>, %arg6: memref<1000x128xbf16, #tpu.memory_space<hbm>>, %arg7: memref<20000x128xbf16, #tpu.memory_space<hbm>>, %arg8: memref<10000xi32, #tpu.memory_space<vmem>>, %arg9: memref<125x80xi32, #tpu.memory_space<vmem>>, %arg10: memref<125x80xi32, #tpu.memory_space<vmem>>, %arg11: memref<125x80xf32, #tpu.memory_space<vmem>>, %arg12: memref<20000xf32, #tpu.memory_space<vmem>>, %arg13: memref<80x128xbf16, #tpu.memory_space<vmem>>, %arg14: memref<80x128xbf16, #tpu.memory_space<vmem>>, %arg15: memref<80x128xbf16, #tpu.memory_space<vmem>>, %arg16: memref<80x128xbf16, #tpu.memory_space<vmem>>, %arg17: memref<80x128xbf16, #tpu.memory_space<vmem>>, %arg18: memref<16xf32, #tpu.memory_space<vmem>>, %arg19: memref<32x16xf32, #tpu.memory_space<vmem>>, %arg20: memref<10000x128xbf16, #tpu.memory_space<vmem_shared>>, %arg21: memref<32x16xf32, #tpu.memory_space<vmem_shared>>, %arg22: memref<!tpu.dma_semaphore, #tpu.memory_space<semaphore_mem>>, %arg23: memref<!tpu.dma_semaphore, #tpu.memory_space<semaphore_mem>>, %arg24: memref<!tpu.dma_semaphore, #tpu.memory_space<semaphore_mem>>, %arg25: memref<!tpu.dma_semaphore, #tpu.memory_space<semaphore_mem>>, %arg26: memref<!tpu.dma_semaphore, #tpu.memory_space<semaphore_mem>>, %arg27: memref<!tpu.dma_semaphore, #tpu.memory_space<semaphore_mem>>, %arg28: memref<!tpu.dma_semaphore, #tpu.memory_space<semaphore_mem>>, %arg29: memref<!tpu.dma_semaphore, #tpu.memory_space<semaphore_mem>>, %arg30: memref<!tpu.dma_semaphore, #tpu.memory_space<semaphore_mem>>, %arg31: memref<!tpu.dma_semaphore, #tpu.memory_space<semaphore_mem>>) attributes {dimension_semantics = [#tpu.dimension_semantics<core_parallel>, #tpu.dimension_semantics<subcore_parallel>], iteration_bounds = array<i64: 2, 16>, scalar_prefetch = 0 : i64, scratch_operands = 24 : i64, tpu.core_type = #tpu.core_type<sc_vector_subcore>, window_params = [{transform_indices = #map}, {transform_indices = #map1}, {transform_indices = #map1}, {transform_indices = #map1}, {transform_indices = #map}, {transform_indices = #map}]} {
    %mul3A = arith.constant 10000 : i32
    %mul3A_0 = arith.muli %arg0, %mul3A : i32
    %broadcast_in_dim3A = arith.constant 1 : i32
    %broadcast_in_dim3A_1 = vector.broadcast %broadcast_in_dim3A : i32 to vector<16xi32>
    "tpu.region"() ({
      %run_scoped3A = tpu.sem_alloc : memref<!tpu.dma_semaphore, #tpu.memory_space<semaphore_mem>>
      tpu.enqueue_dma source(%arg4 : memref<20000xf32, #tpu.memory_space<hbm>>) target(%arg12 : memref<20000xf32, #tpu.memory_space<vmem>>) target_semaphore(%run_scoped3A : memref<!tpu.dma_semaphore, #tpu.memory_space<semaphore_mem>>)
      tpu.wait_dma2 semaphore(%run_scoped3A : memref<!tpu.dma_semaphore, #tpu.memory_space<semaphore_mem>>) src(%arg4 : memref<20000xf32, #tpu.memory_space<hbm>>) dst(%arg12 : memref<20000xf32, #tpu.memory_space<vmem>>)
      tpu.yield
    }) : () -> ()
    "tpu.region"() ({
      %run_scoped3A = tpu.sem_alloc : memref<!tpu.dma_semaphore, #tpu.memory_space<semaphore_mem>>
      tpu.enqueue_dma source(%arg5 : memref<16xf32, #tpu.memory_space<hbm>>) target(%arg18 : memref<16xf32, #tpu.memory_space<vmem>>) target_semaphore(%run_scoped3A : memref<!tpu.dma_semaphore, #tpu.memory_space<semaphore_mem>>)
      tpu.wait_dma2 semaphore(%run_scoped3A : memref<!tpu.dma_semaphore, #tpu.memory_space<semaphore_mem>>) src(%arg5 : memref<16xf32, #tpu.memory_space<hbm>>) dst(%arg18 : memref<16xf32, #tpu.memory_space<vmem>>)
      tpu.yield
    }) : () -> ()
    %get3A = arith.constant 0 : index
    %get3A_2 = tpu.vector_load %arg18[%get3A] {strides = array<i32>} : memref<16xf32, #tpu.memory_space<vmem>>, vector<16xf32>,
    %mul3A_3 = arith.constant 10000 : i32
    %mul3A_4 = arith.muli %arg1, %mul3A_3 : i32
    "tpu.region"() ({
      %run_scoped3A = tpu.sem_alloc : memref<!tpu.dma_semaphore, #tpu.memory_space<semaphore_mem>>
      %dma_start3A_127 = tpu.memref_slice %arg3[%mul3A_4] : memref<320000xi32, #tpu.memory_space<hbm>> -> memref<10000xi32, #tpu.memory_space<hbm>>
      %dma_start3A_128 = tpu.memref_slice %arg3[%mul3A_4] : memref<320000xi32, #tpu.memory_space<hbm>> -> memref<10000xi32, #tpu.memory_space<hbm>>
      tpu.enqueue_dma source(%dma_start3A_128 : memref<10000xi32, #tpu.memory_space<hbm>>) target(%arg8 : memref<10000xi32, #tpu.memory_space<vmem>>) target_semaphore(%run_scoped3A : memref<!tpu.dma_semaphore, #tpu.memory_space<semaphore_mem>>)
      %dma_wait3A_129 = tpu.memref_slice %arg3[%mul3A_4] : memref<320000xi32, #tpu.memory_space<hbm>> -> memref<10000xi32, #tpu.memory_space<hbm>>
      %dma_wait3A_130 = tpu.memref_slice %arg3[%mul3A_4] : memref<320000xi32, #tpu.memory_space<hbm>> -> memref<10000xi32, #tpu.memory_space<hbm>>
      tpu.wait_dma2 semaphore(%run_scoped3A : memref<!tpu.dma_semaphore, #tpu.memory_space<semaphore_mem>>) src(%dma_wait3A_130 : memref<10000xi32, #tpu.memory_space<hbm>>) dst(%arg8 : memref<10000xi32, #tpu.memory_space<vmem>>)
      tpu.yield
    }) : () -> ()
    %scan3A = arith.constant 0 : i32
    %scan3A_5 = arith.constant 0 : i32
    %scan3A_6 = arith.constant 125 : i32
    %scan3A_7 = arith.addi %scan3A_5, %scan3A_6 : i32
    %scan3A_8 = arith.constant 1 : i32
    %scan3A_9 = scf.for %scan3A_127 = %scan3A_5 to %scan3A_7 step %scan3A_8 iter_args(%scan3A_128 = %scan3A) -> (i32)  : i32 {
      %mul3A_129 = arith.constant 80 : i32
      %mul3A_130 = arith.muli %scan3A_127, %mul3A_129 : i32
      %add3A_131 = arith.constant 0 : i32
      %add3A_132 = arith.addi %mul3A_130, %add3A_131 : i32
      %get3A_133 = arith.index_cast %add3A_132 : i32 to index
      %get3A_134 = tpu.vector_load %arg8[%get3A_133] {strides = array<i32>} : memref<10000xi32, #tpu.memory_space<vmem>>, vector<16xi32>,
      %swap3A_135 = arith.index_cast %scan3A_127 : i32 to index
      %swap3A_136 = arith.constant 0 : index
      %swap3A_137 = tpu.vector_load %arg9[%swap3A_135, %swap3A_136] {strides = array<i32>} : memref<125x80xi32, #tpu.memory_space<vmem>>, vector<16xi32>,
      tpu.vector_store %arg9[%swap3A_135, %swap3A_136], %get3A_134 {strides = array<i32>} : memref<125x80xi32, #tpu.memory_space<vmem>>, vector<16xi32>,
      %mul3A_138 = arith.constant 80 : i32
      %mul3A_139 = arith.muli %scan3A_127, %mul3A_138 : i32
      %add3A_140 = arith.constant 16 : i32
      %add3A_141 = arith.addi %mul3A_139, %add3A_140 : i32
      %get3A_142 = arith.index_cast %add3A_141 : i32 to index
      %get3A_143 = tpu.vector_load %arg8[%get3A_142] {strides = array<i32>} : memref<10000xi32, #tpu.memory_space<vmem>>, vector<16xi32>,
      %swap3A_144 = arith.index_cast %scan3A_127 : i32 to index
      %swap3A_145 = arith.constant 16 : index
      %swap3A_146 = tpu.vector_load %arg9[%swap3A_144, %swap3A_145] {strides = array<i32>} : memref<125x80xi32, #tpu.memory_space<vmem>>, vector<16xi32>,
      tpu.vector_store %arg9[%swap3A_144, %swap3A_145], %get3A_143 {strides = array<i32>} : memref<125x80xi32, #tpu.memory_space<vmem>>, vector<16xi32>,
      %mul3A_147 = arith.constant 80 : i32
      %mul3A_148 = arith.muli %scan3A_127, %mul3A_147 : i32
      %add3A_149 = arith.constant 32 : i32
      %add3A_150 = arith.addi %mul3A_148, %add3A_149 : i32
      %get3A_151 = arith.index_cast %add3A_150 : i32 to index
      %get3A_152 = tpu.vector_load %arg8[%get3A_151] {strides = array<i32>} : memref<10000xi32, #tpu.memory_space<vmem>>, vector<16xi32>,
      %swap3A_153 = arith.index_cast %scan3A_127 : i32 to index
      %swap3A_154 = arith.constant 32 : index
      %swap3A_155 = tpu.vector_load %arg9[%swap3A_153, %swap3A_154] {strides = array<i32>} : memref<125x80xi32, #tpu.memory_space<vmem>>, vector<16xi32>,
      tpu.vector_store %arg9[%swap3A_153, %swap3A_154], %get3A_152 {strides = array<i32>} : memref<125x80xi32, #tpu.memory_space<vmem>>, vector<16xi32>,
      %mul3A_156 = arith.constant 80 : i32
      %mul3A_157 = arith.muli %scan3A_127, %mul3A_156 : i32
      %add3A_158 = arith.constant 48 : i32
      %add3A_159 = arith.addi %mul3A_157, %add3A_158 : i32
      %get3A_160 = arith.index_cast %add3A_159 : i32 to index
      %get3A_161 = tpu.vector_load %arg8[%get3A_160] {strides = array<i32>} : memref<10000xi32, #tpu.memory_space<vmem>>, vector<16xi32>,
      %swap3A_162 = arith.index_cast %scan3A_127 : i32 to index
      %swap3A_163 = arith.constant 48 : index
      %swap3A_164 = tpu.vector_load %arg9[%swap3A_162, %swap3A_163] {strides = array<i32>} : memref<125x80xi32, #tpu.memory_space<vmem>>, vector<16xi32>,
      tpu.vector_store %arg9[%swap3A_162, %swap3A_163], %get3A_161 {strides = array<i32>} : memref<125x80xi32, #tpu.memory_space<vmem>>, vector<16xi32>,
      %mul3A_165 = arith.constant 80 : i32
      %mul3A_166 = arith.muli %scan3A_127, %mul3A_165 : i32
      %add3A_167 = arith.constant 64 : i32
      %add3A_168 = arith.addi %mul3A_166, %add3A_167 : i32
      %get3A_169 = arith.index_cast %add3A_168 : i32 to index
      %get3A_170 = tpu.vector_load %arg8[%get3A_169] {strides = array<i32>} : memref<10000xi32, #tpu.memory_space<vmem>>, vector<16xi32>,
      %swap3A_171 = arith.index_cast %scan3A_127 : i32 to index
      %swap3A_172 = arith.constant 64 : index
      %swap3A_173 = tpu.vector_load %arg9[%swap3A_171, %swap3A_172] {strides = array<i32>} : memref<125x80xi32, #tpu.memory_space<vmem>>, vector<16xi32>,
      tpu.vector_store %arg9[%swap3A_171, %swap3A_172], %get3A_170 {strides = array<i32>} : memref<125x80xi32, #tpu.memory_space<vmem>>, vector<16xi32>,
      %scan3A_174 = arith.constant 0 : i32
      scf.yield %scan3A_174 : i32
    }
    %scan3A_10 = arith.constant 125 : i32
    %mul3A_11 = arith.constant 10000 : i32
    %mul3A_12 = arith.muli %arg1, %mul3A_11 : i32
    %add3A = arith.constant 160000 : i32
    %add3A_13 = arith.addi %add3A, %mul3A_12 : i32
    "tpu.region"() ({
      %run_scoped3A = tpu.sem_alloc : memref<!tpu.dma_semaphore, #tpu.memory_space<semaphore_mem>>
      %dma_start3A_127 = tpu.memref_slice %arg3[%add3A_13] : memref<320000xi32, #tpu.memory_space<hbm>> -> memref<10000xi32, #tpu.memory_space<hbm>>
      %dma_start3A_128 = tpu.memref_slice %arg3[%add3A_13] : memref<320000xi32, #tpu.memory_space<hbm>> -> memref<10000xi32, #tpu.memory_space<hbm>>
      tpu.enqueue_dma source(%dma_start3A_128 : memref<10000xi32, #tpu.memory_space<hbm>>) target(%arg8 : memref<10000xi32, #tpu.memory_space<vmem>>) target_semaphore(%run_scoped3A : memref<!tpu.dma_semaphore, #tpu.memory_space<semaphore_mem>>)
      %dma_wait3A_129 = tpu.memref_slice %arg3[%add3A_13] : memref<320000xi32, #tpu.memory_space<hbm>> -> memref<10000xi32, #tpu.memory_space<hbm>>
      %dma_wait3A_130 = tpu.memref_slice %arg3[%add3A_13] : memref<320000xi32, #tpu.memory_space<hbm>> -> memref<10000xi32, #tpu.memory_space<hbm>>
      tpu.wait_dma2 semaphore(%run_scoped3A : memref<!tpu.dma_semaphore, #tpu.memory_space<semaphore_mem>>) src(%dma_wait3A_130 : memref<10000xi32, #tpu.memory_space<hbm>>) dst(%arg8 : memref<10000xi32, #tpu.memory_space<vmem>>)
      tpu.yield
    }) : () -> ()
    %scan3A_14 = arith.constant 0 : i32
    %scan3A_15 = arith.constant 0 : i32
    %scan3A_16 = arith.constant 125 : i32
    %scan3A_17 = arith.addi %scan3A_15, %scan3A_16 : i32
    %scan3A_18 = arith.constant 1 : i32
    %scan3A_19 = scf.for %scan3A_127 = %scan3A_15 to %scan3A_17 step %scan3A_18 iter_args(%scan3A_128 = %scan3A_14) -> (i32)  : i32 {
      %mul3A_129 = arith.constant 80 : i32
      %mul3A_130 = arith.muli %scan3A_127, %mul3A_129 : i32
      %add3A_131 = arith.constant 0 : i32
      %add3A_132 = arith.addi %mul3A_130, %add3A_131 : i32
      %get3A_133 = arith.index_cast %add3A_132 : i32 to index
      %get3A_134 = tpu.vector_load %arg8[%get3A_133] {strides = array<i32>} : memref<10000xi32, #tpu.memory_space<vmem>>, vector<16xi32>,
      %swap3A_135 = arith.index_cast %scan3A_127 : i32 to index
      %swap3A_136 = arith.constant 0 : index
      %swap3A_137 = tpu.vector_load %arg10[%swap3A_135, %swap3A_136] {strides = array<i32>} : memref<125x80xi32, #tpu.memory_space<vmem>>, vector<16xi32>,
      tpu.vector_store %arg10[%swap3A_135, %swap3A_136], %get3A_134 {strides = array<i32>} : memref<125x80xi32, #tpu.memory_space<vmem>>, vector<16xi32>,
      %mul3A_138 = arith.constant 80 : i32
      %mul3A_139 = arith.muli %scan3A_127, %mul3A_138 : i32
      %add3A_140 = arith.constant 16 : i32
      %add3A_141 = arith.addi %mul3A_139, %add3A_140 : i32
      %get3A_142 = arith.index_cast %add3A_141 : i32 to index
      %get3A_143 = tpu.vector_load %arg8[%get3A_142] {strides = array<i32>} : memref<10000xi32, #tpu.memory_space<vmem>>, vector<16xi32>,
      %swap3A_144 = arith.index_cast %scan3A_127 : i32 to index
      %swap3A_145 = arith.constant 16 : index
      %swap3A_146 = tpu.vector_load %arg10[%swap3A_144, %swap3A_145] {strides = array<i32>} : memref<125x80xi32, #tpu.memory_space<vmem>>, vector<16xi32>,
      tpu.vector_store %arg10[%swap3A_144, %swap3A_145], %get3A_143 {strides = array<i32>} : memref<125x80xi32, #tpu.memory_space<vmem>>, vector<16xi32>,
      %mul3A_147 = arith.constant 80 : i32
      %mul3A_148 = arith.muli %scan3A_127, %mul3A_147 : i32
      %add3A_149 = arith.constant 32 : i32
      %add3A_150 = arith.addi %mul3A_148, %add3A_149 : i32
      %get3A_151 = arith.index_cast %add3A_150 : i32 to index
      %get3A_152 = tpu.vector_load %arg8[%get3A_151] {strides = array<i32>} : memref<10000xi32, #tpu.memory_space<vmem>>, vector<16xi32>,
      %swap3A_153 = arith.index_cast %scan3A_127 : i32 to index
      %swap3A_154 = arith.constant 32 : index
      %swap3A_155 = tpu.vector_load %arg10[%swap3A_153, %swap3A_154] {strides = array<i32>} : memref<125x80xi32, #tpu.memory_space<vmem>>, vector<16xi32>,
      tpu.vector_store %arg10[%swap3A_153, %swap3A_154], %get3A_152 {strides = array<i32>} : memref<125x80xi32, #tpu.memory_space<vmem>>, vector<16xi32>,
      %mul3A_156 = arith.constant 80 : i32
      %mul3A_157 = arith.muli %scan3A_127, %mul3A_156 : i32
      %add3A_158 = arith.constant 48 : i32
      %add3A_159 = arith.addi %mul3A_157, %add3A_158 : i32
      %get3A_160 = arith.index_cast %add3A_159 : i32 to index
      %get3A_161 = tpu.vector_load %arg8[%get3A_160] {strides = array<i32>} : memref<10000xi32, #tpu.memory_space<vmem>>, vector<16xi32>,
      %swap3A_162 = arith.index_cast %scan3A_127 : i32 to index
      %swap3A_163 = arith.constant 48 : index
      %swap3A_164 = tpu.vector_load %arg10[%swap3A_162, %swap3A_163] {strides = array<i32>} : memref<125x80xi32, #tpu.memory_space<vmem>>, vector<16xi32>,
      tpu.vector_store %arg10[%swap3A_162, %swap3A_163], %get3A_161 {strides = array<i32>} : memref<125x80xi32, #tpu.memory_space<vmem>>, vector<16xi32>,
      %mul3A_165 = arith.constant 80 : i32
      %mul3A_166 = arith.muli %scan3A_127, %mul3A_165 : i32
      %add3A_167 = arith.constant 64 : i32
      %add3A_168 = arith.addi %mul3A_166, %add3A_167 : i32
      %get3A_169 = arith.index_cast %add3A_168 : i32 to index
      %get3A_170 = tpu.vector_load %arg8[%get3A_169] {strides = array<i32>} : memref<10000xi32, #tpu.memory_space<vmem>>, vector<16xi32>,
      %swap3A_171 = arith.index_cast %scan3A_127 : i32 to index
      %swap3A_172 = arith.constant 64 : index
      %swap3A_173 = tpu.vector_load %arg10[%swap3A_171, %swap3A_172] {strides = array<i32>} : memref<125x80xi32, #tpu.memory_space<vmem>>, vector<16xi32>,
      tpu.vector_store %arg10[%swap3A_171, %swap3A_172], %get3A_170 {strides = array<i32>} : memref<125x80xi32, #tpu.memory_space<vmem>>, vector<16xi32>,
      %scan3A_174 = arith.constant 0 : i32
      scf.yield %scan3A_174 : i32
    }
    %scan3A_20 = arith.constant 125 : i32
    %lt3A = arith.constant 10 : i32
    %lt3A_21 = arith.cmpi slt, %arg1, %lt3A : i32
    %convert_element_type3A = arith.extui %lt3A_21 : i1 to i32
    %cond3A = arith.constant 0 : i32
    %cond3A_22 = arith.cmpi ne, %convert_element_type3A, %cond3A : i32
    scf.if %cond3A_22 {
      %mul3A_127 = arith.constant 1000 : i32
      %mul3A_128 = arith.muli %arg1, %mul3A_127 : i32
      "tpu.region"() ({
        %run_scoped3A = tpu.sem_alloc : memref<!tpu.dma_semaphore, #tpu.memory_space<semaphore_mem>>
        %dma_start3A_129 = arith.constant 0 : i32
        %dma_start3A_130 = tpu.memref_slice %arg20[%mul3A_128, %dma_start3A_129] : memref<10000x128xbf16, #tpu.memory_space<vmem_shared>> -> memref<1000x128xbf16, #tpu.memory_space<vmem_shared>>
        tpu.enqueue_dma source(%arg6 : memref<1000x128xbf16, #tpu.memory_space<hbm>>) target(%dma_start3A_130 : memref<1000x128xbf16, #tpu.memory_space<vmem_shared>>) target_semaphore(%run_scoped3A : memref<!tpu.dma_semaphore, #tpu.memory_space<semaphore_mem>>)
        %dma_wait3A_131 = arith.constant 0 : i32
        %dma_wait3A_132 = tpu.memref_slice %arg20[%mul3A_128, %dma_wait3A_131] : memref<10000x128xbf16, #tpu.memory_space<vmem_shared>> -> memref<1000x128xbf16, #tpu.memory_space<vmem_shared>>
        tpu.wait_dma2 semaphore(%run_scoped3A : memref<!tpu.dma_semaphore, #tpu.memory_space<semaphore_mem>>) src(%arg6 : memref<1000x128xbf16, #tpu.memory_space<hbm>>) dst(%dma_wait3A_132 : memref<1000x128xbf16, #tpu.memory_space<vmem_shared>>)
        tpu.yield
      }) : () -> ()
    } else {
    }
    %broadcast_in_dim3A_23 = arith.constant 0xFF800000 : f32
    %broadcast_in_dim3A_24 = vector.broadcast %broadcast_in_dim3A_23 : f32 to vector<16xf32>
    %scan3A_25 = arith.constant 0 : i32
    %scan3A_26 = arith.constant 125 : i32
    %scan3A_27 = arith.addi %scan3A_25, %scan3A_26 : i32
    %scan3A_28 = arith.constant 1 : i32
    %scan3A_29 = scf.for %scan3A_127 = %scan3A_25 to %scan3A_27 step %scan3A_28 iter_args(%scan3A_128 = %broadcast_in_dim3A_24) -> (vector<16xf32>)  : i32 {
      %get3A_129 = arith.index_cast %scan3A_127 : i32 to index
      %get3A_130 = arith.constant 0 : index
      %get3A_131 = tpu.vector_load %arg9[%get3A_129, %get3A_130] {strides = array<i32>} : memref<125x80xi32, #tpu.memory_space<vmem>>, vector<16xi32>,
      %get3A_132 = arith.index_cast %scan3A_127 : i32 to index
      %get3A_133 = arith.constant 0 : index
      %get3A_134 = tpu.vector_load %arg10[%get3A_132, %get3A_133] {strides = array<i32>} : memref<125x80xi32, #tpu.memory_space<vmem>>, vector<16xi32>,
      %add3A_135 = arith.addi %get3A_131, %get3A_131 : vector<16xi32>
      %gather3A = tpu.vector_load_idx %arg12[%add3A_135] : memref<20000xf32, #tpu.memory_space<vmem>>[vector<16xi32>], vector<16xf32>,
      %add3A_136 = arith.addi %get3A_134, %get3A_134 : vector<16xi32>
      %add3A_137 = arith.addi %add3A_136, %broadcast_in_dim3A_1 : vector<16xi32>
      %gather3A_138 = tpu.vector_load_idx %arg12[%add3A_137] : memref<20000xf32, #tpu.memory_space<vmem>>[vector<16xi32>], vector<16xf32>,
      %add3A_139 = arith.addf %gather3A, %gather3A_138 : vector<16xf32>
      %add3A_140 = arith.addf %add3A_139, %get3A_2 : vector<16xf32>
      %ge3A = arith.constant 0.000000e+00 : f32
      %ge3A_141 = vector.broadcast %ge3A : f32 to vector<16xf32>
      %ge3A_142 = arith.cmpf oge, %add3A_140, %ge3A_141 : vector<16xf32>
      %mul3A_143 = arith.constant 0.00999999977 : f32
      %mul3A_144 = vector.broadcast %mul3A_143 : f32 to vector<16xf32>
      %mul3A_145 = arith.mulf %add3A_140, %mul3A_144 : vector<16xf32>
      %select_n3A = arith.select %ge3A_142, %add3A_140, %mul3A_145 : vector<16xi1>, vector<16xf32>
      %max3A = arith.maximumf %scan3A_128, %select_n3A : vector<16xf32>
      %swap3A_146 = arith.index_cast %scan3A_127 : i32 to index
      %swap3A_147 = arith.constant 0 : index
      %swap3A_148 = tpu.vector_load %arg11[%swap3A_146, %swap3A_147] {strides = array<i32>} : memref<125x80xf32, #tpu.memory_space<vmem>>, vector<16xf32>,
      tpu.vector_store %arg11[%swap3A_146, %swap3A_147], %select_n3A {strides = array<i32>} : memref<125x80xf32, #tpu.memory_space<vmem>>, vector<16xf32>,
      %add3A_149 = vector.broadcast %mul3A_0 : i32 to vector<16xi32>
      %add3A_150 = arith.addi %get3A_134, %add3A_149 : vector<16xi32>
      %swap3A_151 = arith.index_cast %scan3A_127 : i32 to index
      %swap3A_152 = arith.constant 0 : index
      %swap3A_153 = tpu.vector_load %arg10[%swap3A_151, %swap3A_152] {strides = array<i32>} : memref<125x80xi32, #tpu.memory_space<vmem>>, vector<16xi32>,
      tpu.vector_store %arg10[%swap3A_151, %swap3A_152], %add3A_150 {strides = array<i32>} : memref<125x80xi32, #tpu.memory_space<vmem>>, vector<16xi32>,
      %get3A_154 = arith.index_cast %scan3A_127 : i32 to index
      %get3A_155 = arith.constant 16 : index
      %get3A_156 = tpu.vector_load %arg9[%get3A_154, %get3A_155] {strides = array<i32>} : memref<125x80xi32, #tpu.memory_space<vmem>>, vector<16xi32>,
      %get3A_157 = arith.index_cast %scan3A_127 : i32 to index
      %get3A_158 = arith.constant 16 : index
      %get3A_159 = tpu.vector_load %arg10[%get3A_157, %get3A_158] {strides = array<i32>} : memref<125x80xi32, #tpu.memory_space<vmem>>, vector<16xi32>,
      %add3A_160 = arith.addi %get3A_156, %get3A_156 : vector<16xi32>
      %gather3A_161 = tpu.vector_load_idx %arg12[%add3A_160] : memref<20000xf32, #tpu.memory_space<vmem>>[vector<16xi32>], vector<16xf32>,
      %add3A_162 = arith.addi %get3A_159, %get3A_159 : vector<16xi32>
      %add3A_163 = arith.addi %add3A_162, %broadcast_in_dim3A_1 : vector<16xi32>
      %gather3A_164 = tpu.vector_load_idx %arg12[%add3A_163] : memref<20000xf32, #tpu.memory_space<vmem>>[vector<16xi32>], vector<16xf32>,
      %add3A_165 = arith.addf %gather3A_161, %gather3A_164 : vector<16xf32>
      %add3A_166 = arith.addf %add3A_165, %get3A_2 : vector<16xf32>
      %ge3A_167 = arith.constant 0.000000e+00 : f32
      %ge3A_168 = vector.broadcast %ge3A_167 : f32 to vector<16xf32>
      %ge3A_169 = arith.cmpf oge, %add3A_166, %ge3A_168 : vector<16xf32>
      %mul3A_170 = arith.constant 0.00999999977 : f32
      %mul3A_171 = vector.broadcast %mul3A_170 : f32 to vector<16xf32>
      %mul3A_172 = arith.mulf %add3A_166, %mul3A_171 : vector<16xf32>
      %select_n3A_173 = arith.select %ge3A_169, %add3A_166, %mul3A_172 : vector<16xi1>, vector<16xf32>
      %max3A_174 = arith.maximumf %max3A, %select_n3A_173 : vector<16xf32>
      %swap3A_175 = arith.index_cast %scan3A_127 : i32 to index
      %swap3A_176 = arith.constant 16 : index
      %swap3A_177 = tpu.vector_load %arg11[%swap3A_175, %swap3A_176] {strides = array<i32>} : memref<125x80xf32, #tpu.memory_space<vmem>>, vector<16xf32>,
      tpu.vector_store %arg11[%swap3A_175, %swap3A_176], %select_n3A_173 {strides = array<i32>} : memref<125x80xf32, #tpu.memory_space<vmem>>, vector<16xf32>,
      %add3A_178 = vector.broadcast %mul3A_0 : i32 to vector<16xi32>
      %add3A_179 = arith.addi %get3A_159, %add3A_178 : vector<16xi32>
      %swap3A_180 = arith.index_cast %scan3A_127 : i32 to index
      %swap3A_181 = arith.constant 16 : index
      %swap3A_182 = tpu.vector_load %arg10[%swap3A_180, %swap3A_181] {strides = array<i32>} : memref<125x80xi32, #tpu.memory_space<vmem>>, vector<16xi32>,
      tpu.vector_store %arg10[%swap3A_180, %swap3A_181], %add3A_179 {strides = array<i32>} : memref<125x80xi32, #tpu.memory_space<vmem>>, vector<16xi32>,
      %get3A_183 = arith.index_cast %scan3A_127 : i32 to index
      %get3A_184 = arith.constant 32 : index
      %get3A_185 = tpu.vector_load %arg9[%get3A_183, %get3A_184] {strides = array<i32>} : memref<125x80xi32, #tpu.memory_space<vmem>>, vector<16xi32>,
      %get3A_186 = arith.index_cast %scan3A_127 : i32 to index
      %get3A_187 = arith.constant 32 : index
      %get3A_188 = tpu.vector_load %arg10[%get3A_186, %get3A_187] {strides = array<i32>} : memref<125x80xi32, #tpu.memory_space<vmem>>, vector<16xi32>,
      %add3A_189 = arith.addi %get3A_185, %get3A_185 : vector<16xi32>
      %gather3A_190 = tpu.vector_load_idx %arg12[%add3A_189] : memref<20000xf32, #tpu.memory_space<vmem>>[vector<16xi32>], vector<16xf32>,
      %add3A_191 = arith.addi %get3A_188, %get3A_188 : vector<16xi32>
      %add3A_192 = arith.addi %add3A_191, %broadcast_in_dim3A_1 : vector<16xi32>
      %gather3A_193 = tpu.vector_load_idx %arg12[%add3A_192] : memref<20000xf32, #tpu.memory_space<vmem>>[vector<16xi32>], vector<16xf32>,
      %add3A_194 = arith.addf %gather3A_190, %gather3A_193 : vector<16xf32>
      %add3A_195 = arith.addf %add3A_194, %get3A_2 : vector<16xf32>
      %ge3A_196 = arith.constant 0.000000e+00 : f32
      %ge3A_197 = vector.broadcast %ge3A_196 : f32 to vector<16xf32>
      %ge3A_198 = arith.cmpf oge, %add3A_195, %ge3A_197 : vector<16xf32>
      %mul3A_199 = arith.constant 0.00999999977 : f32
      %mul3A_200 = vector.broadcast %mul3A_199 : f32 to vector<16xf32>
      %mul3A_201 = arith.mulf %add3A_195, %mul3A_200 : vector<16xf32>
      %select_n3A_202 = arith.select %ge3A_198, %add3A_195, %mul3A_201 : vector<16xi1>, vector<16xf32>
      %max3A_203 = arith.maximumf %max3A_174, %select_n3A_202 : vector<16xf32>
      %swap3A_204 = arith.index_cast %scan3A_127 : i32 to index
      %swap3A_205 = arith.constant 32 : index
      %swap3A_206 = tpu.vector_load %arg11[%swap3A_204, %swap3A_205] {strides = array<i32>} : memref<125x80xf32, #tpu.memory_space<vmem>>, vector<16xf32>,
      tpu.vector_store %arg11[%swap3A_204, %swap3A_205], %select_n3A_202 {strides = array<i32>} : memref<125x80xf32, #tpu.memory_space<vmem>>, vector<16xf32>,
      %add3A_207 = vector.broadcast %mul3A_0 : i32 to vector<16xi32>
      %add3A_208 = arith.addi %get3A_188, %add3A_207 : vector<16xi32>
      %swap3A_209 = arith.index_cast %scan3A_127 : i32 to index
      %swap3A_210 = arith.constant 32 : index
      %swap3A_211 = tpu.vector_load %arg10[%swap3A_209, %swap3A_210] {strides = array<i32>} : memref<125x80xi32, #tpu.memory_space<vmem>>, vector<16xi32>,
      tpu.vector_store %arg10[%swap3A_209, %swap3A_210], %add3A_208 {strides = array<i32>} : memref<125x80xi32, #tpu.memory_space<vmem>>, vector<16xi32>,
      %get3A_212 = arith.index_cast %scan3A_127 : i32 to index
      %get3A_213 = arith.constant 48 : index
      %get3A_214 = tpu.vector_load %arg9[%get3A_212, %get3A_213] {strides = array<i32>} : memref<125x80xi32, #tpu.memory_space<vmem>>, vector<16xi32>,
      %get3A_215 = arith.index_cast %scan3A_127 : i32 to index
      %get3A_216 = arith.constant 48 : index
      %get3A_217 = tpu.vector_load %arg10[%get3A_215, %get3A_216] {strides = array<i32>} : memref<125x80xi32, #tpu.memory_space<vmem>>, vector<16xi32>,
      %add3A_218 = arith.addi %get3A_214, %get3A_214 : vector<16xi32>
      %gather3A_219 = tpu.vector_load_idx %arg12[%add3A_218] : memref<20000xf32, #tpu.memory_space<vmem>>[vector<16xi32>], vector<16xf32>,
      %add3A_220 = arith.addi %get3A_217, %get3A_217 : vector<16xi32>
      %add3A_221 = arith.addi %add3A_220, %broadcast_in_dim3A_1 : vector<16xi32>
      %gather3A_222 = tpu.vector_load_idx %arg12[%add3A_221] : memref<20000xf32, #tpu.memory_space<vmem>>[vector<16xi32>], vector<16xf32>,
      %add3A_223 = arith.addf %gather3A_219, %gather3A_222 : vector<16xf32>
      %add3A_224 = arith.addf %add3A_223, %get3A_2 : vector<16xf32>
      %ge3A_225 = arith.constant 0.000000e+00 : f32
      %ge3A_226 = vector.broadcast %ge3A_225 : f32 to vector<16xf32>
      %ge3A_227 = arith.cmpf oge, %add3A_224, %ge3A_226 : vector<16xf32>
      %mul3A_228 = arith.constant 0.00999999977 : f32
      %mul3A_229 = vector.broadcast %mul3A_228 : f32 to vector<16xf32>
      %mul3A_230 = arith.mulf %add3A_224, %mul3A_229 : vector<16xf32>
      %select_n3A_231 = arith.select %ge3A_227, %add3A_224, %mul3A_230 : vector<16xi1>, vector<16xf32>
      %max3A_232 = arith.maximumf %max3A_203, %select_n3A_231 : vector<16xf32>
      %swap3A_233 = arith.index_cast %scan3A_127 : i32 to index
      %swap3A_234 = arith.constant 48 : index
      %swap3A_235 = tpu.vector_load %arg11[%swap3A_233, %swap3A_234] {strides = array<i32>} : memref<125x80xf32, #tpu.memory_space<vmem>>, vector<16xf32>,
      tpu.vector_store %arg11[%swap3A_233, %swap3A_234], %select_n3A_231 {strides = array<i32>} : memref<125x80xf32, #tpu.memory_space<vmem>>, vector<16xf32>,
      %add3A_236 = vector.broadcast %mul3A_0 : i32 to vector<16xi32>
      %add3A_237 = arith.addi %get3A_217, %add3A_236 : vector<16xi32>
      %swap3A_238 = arith.index_cast %scan3A_127 : i32 to index
      %swap3A_239 = arith.constant 48 : index
      %swap3A_240 = tpu.vector_load %arg10[%swap3A_238, %swap3A_239] {strides = array<i32>} : memref<125x80xi32, #tpu.memory_space<vmem>>, vector<16xi32>,
      tpu.vector_store %arg10[%swap3A_238, %swap3A_239], %add3A_237 {strides = array<i32>} : memref<125x80xi32, #tpu.memory_space<vmem>>, vector<16xi32>,
      %get3A_241 = arith.index_cast %scan3A_127 : i32 to index
      %get3A_242 = arith.constant 64 : index
      %get3A_243 = tpu.vector_load %arg9[%get3A_241, %get3A_242] {strides = array<i32>} : memref<125x80xi32, #tpu.memory_space<vmem>>, vector<16xi32>,
      %get3A_244 = arith.index_cast %scan3A_127 : i32 to index
      %get3A_245 = arith.constant 64 : index
      %get3A_246 = tpu.vector_load %arg10[%get3A_244, %get3A_245] {strides = array<i32>} : memref<125x80xi32, #tpu.memory_space<vmem>>, vector<16xi32>,
      %add3A_247 = arith.addi %get3A_243, %get3A_243 : vector<16xi32>
      %gather3A_248 = tpu.vector_load_idx %arg12[%add3A_247] : memref<20000xf32, #tpu.memory_space<vmem>>[vector<16xi32>], vector<16xf32>,
      %add3A_249 = arith.addi %get3A_246, %get3A_246 : vector<16xi32>
      %add3A_250 = arith.addi %add3A_249, %broadcast_in_dim3A_1 : vector<16xi32>
      %gather3A_251 = tpu.vector_load_idx %arg12[%add3A_250] : memref<20000xf32, #tpu.memory_space<vmem>>[vector<16xi32>], vector<16xf32>,
      %add3A_252 = arith.addf %gather3A_248, %gather3A_251 : vector<16xf32>
      %add3A_253 = arith.addf %add3A_252, %get3A_2 : vector<16xf32>
      %ge3A_254 = arith.constant 0.000000e+00 : f32
      %ge3A_255 = vector.broadcast %ge3A_254 : f32 to vector<16xf32>
      %ge3A_256 = arith.cmpf oge, %add3A_253, %ge3A_255 : vector<16xf32>
      %mul3A_257 = arith.constant 0.00999999977 : f32
      %mul3A_258 = vector.broadcast %mul3A_257 : f32 to vector<16xf32>
      %mul3A_259 = arith.mulf %add3A_253, %mul3A_258 : vector<16xf32>
      %select_n3A_260 = arith.select %ge3A_256, %add3A_253, %mul3A_259 : vector<16xi1>, vector<16xf32>
      %max3A_261 = arith.maximumf %max3A_232, %select_n3A_260 : vector<16xf32>
      %swap3A_262 = arith.index_cast %scan3A_127 : i32 to index
      %swap3A_263 = arith.constant 64 : index
      %swap3A_264 = tpu.vector_load %arg11[%swap3A_262, %swap3A_263] {strides = array<i32>} : memref<125x80xf32, #tpu.memory_space<vmem>>, vector<16xf32>,
      tpu.vector_store %arg11[%swap3A_262, %swap3A_263], %select_n3A_260 {strides = array<i32>} : memref<125x80xf32, #tpu.memory_space<vmem>>, vector<16xf32>,
      %add3A_265 = vector.broadcast %mul3A_0 : i32 to vector<16xi32>
      %add3A_266 = arith.addi %get3A_246, %add3A_265 : vector<16xi32>
      %swap3A_267 = arith.index_cast %scan3A_127 : i32 to index
      %swap3A_268 = arith.constant 64 : index
      %swap3A_269 = tpu.vector_load %arg10[%swap3A_267, %swap3A_268] {strides = array<i32>} : memref<125x80xi32, #tpu.memory_space<vmem>>, vector<16xi32>,
      tpu.vector_store %arg10[%swap3A_267, %swap3A_268], %add3A_266 {strides = array<i32>} : memref<125x80xi32, #tpu.memory_space<vmem>>, vector<16xi32>,
      scf.yield %max3A_261 : vector<16xf32>
    }
    %scan3A_30 = arith.constant 125 : i32
    %dma_start3A = arith.constant 0 : i32
    %dma_start3A_31 = arith.constant 0 : i32
    %dma_start3A_32 = tpu.memref_slice %arg10[%dma_start3A, %dma_start3A_31] : memref<125x80xi32, #tpu.memory_space<vmem>> -> memref<1x80xi32, #tpu.memory_space<vmem>>
    %dma_start3A_33 = tpu.memref_squeeze %dma_start3A_32 : memref<1x80xi32, #tpu.memory_space<vmem>> -> memref<80xi32, #tpu.memory_space<vmem>>
    %dma_start3A_34 = arith.constant 0 : i32
    %dma_start3A_35 = arith.constant 0 : i32
    %dma_start3A_36 = tpu.memref_slice %arg2[%dma_start3A_34, %dma_start3A_35] : memref<20000x128xbf16, #tpu.memory_space<hbm>> -> memref<20000x128xbf16, #tpu.memory_space<hbm>>
    tpu.enqueue_indirect_dma source(%dma_start3A_36 : memref<20000x128xbf16, #tpu.memory_space<hbm>>) target(%arg13 : memref<80x128xbf16, #tpu.memory_space<vmem>>) offsets(%dma_start3A_33 : memref<80xi32, #tpu.memory_space<vmem>>) semaphore(%arg22 : memref<!tpu.dma_semaphore, #tpu.memory_space<semaphore_mem>>)
    %dma_start3A_37 = arith.constant 1 : i32
    %dma_start3A_38 = arith.constant 0 : i32
    %dma_start3A_39 = tpu.memref_slice %arg10[%dma_start3A_37, %dma_start3A_38] : memref<125x80xi32, #tpu.memory_space<vmem>> -> memref<1x80xi32, #tpu.memory_space<vmem>>
    %dma_start3A_40 = tpu.memref_squeeze %dma_start3A_39 : memref<1x80xi32, #tpu.memory_space<vmem>> -> memref<80xi32, #tpu.memory_space<vmem>>
    %dma_start3A_41 = arith.constant 0 : i32
    %dma_start3A_42 = arith.constant 0 : i32
    %dma_start3A_43 = tpu.memref_slice %arg2[%dma_start3A_41, %dma_start3A_42] : memref<20000x128xbf16, #tpu.memory_space<hbm>> -> memref<20000x128xbf16, #tpu.memory_space<hbm>>
    tpu.enqueue_indirect_dma source(%dma_start3A_43 : memref<20000x128xbf16, #tpu.memory_space<hbm>>) target(%arg14 : memref<80x128xbf16, #tpu.memory_space<vmem>>) offsets(%dma_start3A_40 : memref<80xi32, #tpu.memory_space<vmem>>) semaphore(%arg23 : memref<!tpu.dma_semaphore, #tpu.memory_space<semaphore_mem>>)
    %dma_start3A_44 = arith.constant 2 : i32
    %dma_start3A_45 = arith.constant 0 : i32
    %dma_start3A_46 = tpu.memref_slice %arg10[%dma_start3A_44, %dma_start3A_45] : memref<125x80xi32, #tpu.memory_space<vmem>> -> memref<1x80xi32, #tpu.memory_space<vmem>>
    %dma_start3A_47 = tpu.memref_squeeze %dma_start3A_46 : memref<1x80xi32, #tpu.memory_space<vmem>> -> memref<80xi32, #tpu.memory_space<vmem>>
    %dma_start3A_48 = arith.constant 0 : i32
    %dma_start3A_49 = arith.constant 0 : i32
    %dma_start3A_50 = tpu.memref_slice %arg2[%dma_start3A_48, %dma_start3A_49] : memref<20000x128xbf16, #tpu.memory_space<hbm>> -> memref<20000x128xbf16, #tpu.memory_space<hbm>>
    tpu.enqueue_indirect_dma source(%dma_start3A_50 : memref<20000x128xbf16, #tpu.memory_space<hbm>>) target(%arg15 : memref<80x128xbf16, #tpu.memory_space<vmem>>) offsets(%dma_start3A_47 : memref<80xi32, #tpu.memory_space<vmem>>) semaphore(%arg24 : memref<!tpu.dma_semaphore, #tpu.memory_space<semaphore_mem>>)
    %dma_start3A_51 = arith.constant 3 : i32
    %dma_start3A_52 = arith.constant 0 : i32
    %dma_start3A_53 = tpu.memref_slice %arg10[%dma_start3A_51, %dma_start3A_52] : memref<125x80xi32, #tpu.memory_space<vmem>> -> memref<1x80xi32, #tpu.memory_space<vmem>>
    %dma_start3A_54 = tpu.memref_squeeze %dma_start3A_53 : memref<1x80xi32, #tpu.memory_space<vmem>> -> memref<80xi32, #tpu.memory_space<vmem>>
    %dma_start3A_55 = arith.constant 0 : i32
    %dma_start3A_56 = arith.constant 0 : i32
    %dma_start3A_57 = tpu.memref_slice %arg2[%dma_start3A_55, %dma_start3A_56] : memref<20000x128xbf16, #tpu.memory_space<hbm>> -> memref<20000x128xbf16, #tpu.memory_space<hbm>>
    tpu.enqueue_indirect_dma source(%dma_start3A_57 : memref<20000x128xbf16, #tpu.memory_space<hbm>>) target(%arg16 : memref<80x128xbf16, #tpu.memory_space<vmem>>) offsets(%dma_start3A_54 : memref<80xi32, #tpu.memory_space<vmem>>) semaphore(%arg25 : memref<!tpu.dma_semaphore, #tpu.memory_space<semaphore_mem>>)
    %reduce_max3A = arith.constant true
    %reduce_max3A_58 = vector.broadcast %reduce_max3A : i1 to vector<16xi1>
    %reduce_max3A_59 = tpu.scan <max>, %scan3A_29 masked %reduce_max3A_58 : vector<16xf32>, vector<16xi1> -> vector<16xf32>
    %reduce_max3A_60 = vector.extract %reduce_max3A_59[15] : f32 from vector<16xf32>
    %broadcast_in_dim3A_61 = vector.broadcast %reduce_max3A_60 : f32 to vector<16xf32>
    %swap3A = arith.constant 0 : index
    %swap3A_62 = tpu.vector_load %arg18[%swap3A] {strides = array<i32>} : memref<16xf32, #tpu.memory_space<vmem>>, vector<16xf32>,
    tpu.vector_store %arg18[%swap3A], %broadcast_in_dim3A_61 {strides = array<i32>} : memref<16xf32, #tpu.memory_space<vmem>>, vector<16xf32>,
    "tpu.region"() ({
      %run_scoped3A = tpu.sem_alloc : memref<!tpu.dma_semaphore, #tpu.memory_space<semaphore_mem>>
      %dma_start3A_127 = arith.constant 0 : i32
      %dma_start3A_128 = tpu.memref_slice %arg21[%arg1, %dma_start3A_127] : memref<32x16xf32, #tpu.memory_space<vmem_shared>> -> memref<1x16xf32, #tpu.memory_space<vmem_shared>>
      %dma_start3A_129 = tpu.memref_squeeze %dma_start3A_128 : memref<1x16xf32, #tpu.memory_space<vmem_shared>> -> memref<16xf32, #tpu.memory_space<vmem_shared>>
      %dma_start3A_130 = arith.constant 0 : i32
      %dma_start3A_131 = tpu.memref_slice %arg21[%arg1, %dma_start3A_130] : memref<32x16xf32, #tpu.memory_space<vmem_shared>> -> memref<1x16xf32, #tpu.memory_space<vmem_shared>>
      %dma_start3A_132 = tpu.memref_squeeze %dma_start3A_131 : memref<1x16xf32, #tpu.memory_space<vmem_shared>> -> memref<16xf32, #tpu.memory_space<vmem_shared>>
      tpu.enqueue_dma source(%arg18 : memref<16xf32, #tpu.memory_space<vmem>>) target(%dma_start3A_132 : memref<16xf32, #tpu.memory_space<vmem_shared>>) target_semaphore(%run_scoped3A : memref<!tpu.dma_semaphore, #tpu.memory_space<semaphore_mem>>)
      %dma_wait3A_133 = arith.constant 0 : i32
      %dma_wait3A_134 = tpu.memref_slice %arg21[%arg1, %dma_wait3A_133] : memref<32x16xf32, #tpu.memory_space<vmem_shared>> -> memref<1x16xf32, #tpu.memory_space<vmem_shared>>
      %dma_wait3A_135 = tpu.memref_squeeze %dma_wait3A_134 : memref<1x16xf32, #tpu.memory_space<vmem_shared>> -> memref<16xf32, #tpu.memory_space<vmem_shared>>
      %dma_wait3A_136 = arith.constant 0 : i32
      %dma_wait3A_137 = tpu.memref_slice %arg21[%arg1, %dma_wait3A_136] : memref<32x16xf32, #tpu.memory_space<vmem_shared>> -> memref<1x16xf32, #tpu.memory_space<vmem_shared>>
      %dma_wait3A_138 = tpu.memref_squeeze %dma_wait3A_137 : memref<1x16xf32, #tpu.memory_space<vmem_shared>> -> memref<16xf32, #tpu.memory_space<vmem_shared>>
      tpu.wait_dma2 semaphore(%run_scoped3A : memref<!tpu.dma_semaphore, #tpu.memory_space<semaphore_mem>>) src(%arg18 : memref<16xf32, #tpu.memory_space<vmem>>) dst(%dma_wait3A_138 : memref<16xf32, #tpu.memory_space<vmem_shared>>)
      tpu.yield
    }) : () -> ()
    %barrier3A = arith.constant 0 : index
    tpu.barrier barrier_id(%barrier3A)
    "tpu.region"() ({
      %run_scoped3A = tpu.sem_alloc : memref<!tpu.dma_semaphore, #tpu.memory_space<semaphore_mem>>
      tpu.enqueue_dma source(%arg21 : memref<32x16xf32, #tpu.memory_space<vmem_shared>>) target(%arg19 : memref<32x16xf32, #tpu.memory_space<vmem>>) target_semaphore(%run_scoped3A : memref<!tpu.dma_semaphore, #tpu.memory_space<semaphore_mem>>)
      tpu.wait_dma2 semaphore(%run_scoped3A : memref<!tpu.dma_semaphore, #tpu.memory_space<semaphore_mem>>) src(%arg21 : memref<32x16xf32, #tpu.memory_space<vmem_shared>>) dst(%arg19 : memref<32x16xf32, #tpu.memory_space<vmem>>)
      tpu.yield
    }) : () -> ()
    %broadcast_in_dim3A_63 = arith.constant 0xFF800000 : f32
    %broadcast_in_dim3A_64 = vector.broadcast %broadcast_in_dim3A_63 : f32 to vector<16xf32>
    %scan3A_65 = arith.constant 0 : i32
    %scan3A_66 = arith.constant 16 : i32
    %scan3A_67 = arith.addi %scan3A_65, %scan3A_66 : i32
    %scan3A_68 = arith.constant 1 : i32
    %scan3A_69 = scf.for %scan3A_127 = %scan3A_65 to %scan3A_67 step %scan3A_68 iter_args(%scan3A_128 = %broadcast_in_dim3A_64) -> (vector<16xf32>)  : i32 {
      %get3A_129 = arith.index_cast %scan3A_127 : i32 to index
      %get3A_130 = arith.constant 0 : index
      %get3A_131 = tpu.vector_load %arg19[%get3A_129, %get3A_130] {strides = array<i32>} : memref<32x16xf32, #tpu.memory_space<vmem>>, vector<16xf32>,
      %max3A = arith.maximumf %scan3A_128, %get3A_131 : vector<16xf32>
      scf.yield %max3A : vector<16xf32>
    }
    %scan3A_70 = arith.constant 16 : i32
    %reduce_max3A_71 = arith.constant true
    %reduce_max3A_72 = vector.broadcast %reduce_max3A_71 : i1 to vector<16xi1>
    %reduce_max3A_73 = tpu.scan <max>, %scan3A_69 masked %reduce_max3A_72 : vector<16xf32>, vector<16xi1> -> vector<16xf32>
    %reduce_max3A_74 = vector.extract %reduce_max3A_73[15] : f32 from vector<16xf32>
    %broadcast_in_dim3A_75 = vector.broadcast %reduce_max3A_74 : f32 to vector<16xf32>
    %broadcast_in_dim3A_76 = arith.constant 0.000000e+00 : f32
    %broadcast_in_dim3A_77 = vector.broadcast %broadcast_in_dim3A_76 : f32 to vector<16xf32>
    %scan3A_78 = arith.constant 0 : i32
    %scan3A_79 = arith.constant 125 : i32
    %scan3A_80 = arith.addi %scan3A_78, %scan3A_79 : i32
    %scan3A_81 = arith.constant 1 : i32
    %scan3A_82 = scf.for %scan3A_127 = %scan3A_78 to %scan3A_80 step %scan3A_81 iter_args(%scan3A_128 = %broadcast_in_dim3A_77) -> (vector<16xf32>)  : i32 {
      %get3A_129 = arith.index_cast %scan3A_127 : i32 to index
      %get3A_130 = arith.constant 0 : index
      %get3A_131 = tpu.vector_load %arg11[%get3A_129, %get3A_130] {strides = array<i32>} : memref<125x80xf32, #tpu.memory_space<vmem>>, vector<16xf32>,
      %sub3A = arith.subf %get3A_131, %broadcast_in_dim3A_75 : vector<16xf32>
      %exp3A = math.exp %sub3A : vector<16xf32>
      %swap3A_132 = arith.index_cast %scan3A_127 : i32 to index
      %swap3A_133 = arith.constant 0 : index
      %swap3A_134 = tpu.vector_load %arg11[%swap3A_132, %swap3A_133] {strides = array<i32>} : memref<125x80xf32, #tpu.memory_space<vmem>>, vector<16xf32>,
      tpu.vector_store %arg11[%swap3A_132, %swap3A_133], %exp3A {strides = array<i32>} : memref<125x80xf32, #tpu.memory_space<vmem>>, vector<16xf32>,
      %add3A_135 = arith.addf %scan3A_128, %exp3A : vector<16xf32>
      %get3A_136 = arith.index_cast %scan3A_127 : i32 to index
      %get3A_137 = arith.constant 16 : index
      %get3A_138 = tpu.vector_load %arg11[%get3A_136, %get3A_137] {strides = array<i32>} : memref<125x80xf32, #tpu.memory_space<vmem>>, vector<16xf32>,
      %sub3A_139 = arith.subf %get3A_138, %broadcast_in_dim3A_75 : vector<16xf32>
      %exp3A_140 = math.exp %sub3A_139 : vector<16xf32>
      %swap3A_141 = arith.index_cast %scan3A_127 : i32 to index
      %swap3A_142 = arith.constant 16 : index
      %swap3A_143 = tpu.vector_load %arg11[%swap3A_141, %swap3A_142] {strides = array<i32>} : memref<125x80xf32, #tpu.memory_space<vmem>>, vector<16xf32>,
      tpu.vector_store %arg11[%swap3A_141, %swap3A_142], %exp3A_140 {strides = array<i32>} : memref<125x80xf32, #tpu.memory_space<vmem>>, vector<16xf32>,
      %add3A_144 = arith.addf %add3A_135, %exp3A_140 : vector<16xf32>
      %get3A_145 = arith.index_cast %scan3A_127 : i32 to index
      %get3A_146 = arith.constant 32 : index
      %get3A_147 = tpu.vector_load %arg11[%get3A_145, %get3A_146] {strides = array<i32>} : memref<125x80xf32, #tpu.memory_space<vmem>>, vector<16xf32>,
      %sub3A_148 = arith.subf %get3A_147, %broadcast_in_dim3A_75 : vector<16xf32>
      %exp3A_149 = math.exp %sub3A_148 : vector<16xf32>
      %swap3A_150 = arith.index_cast %scan3A_127 : i32 to index
      %swap3A_151 = arith.constant 32 : index
      %swap3A_152 = tpu.vector_load %arg11[%swap3A_150, %swap3A_151] {strides = array<i32>} : memref<125x80xf32, #tpu.memory_space<vmem>>, vector<16xf32>,
      tpu.vector_store %arg11[%swap3A_150, %swap3A_151], %exp3A_149 {strides = array<i32>} : memref<125x80xf32, #tpu.memory_space<vmem>>, vector<16xf32>,
      %add3A_153 = arith.addf %add3A_144, %exp3A_149 : vector<16xf32>
      %get3A_154 = arith.index_cast %scan3A_127 : i32 to index
      %get3A_155 = arith.constant 48 : index
      %get3A_156 = tpu.vector_load %arg11[%get3A_154, %get3A_155] {strides = array<i32>} : memref<125x80xf32, #tpu.memory_space<vmem>>, vector<16xf32>,
      %sub3A_157 = arith.subf %get3A_156, %broadcast_in_dim3A_75 : vector<16xf32>
      %exp3A_158 = math.exp %sub3A_157 : vector<16xf32>
      %swap3A_159 = arith.index_cast %scan3A_127 : i32 to index
      %swap3A_160 = arith.constant 48 : index
      %swap3A_161 = tpu.vector_load %arg11[%swap3A_159, %swap3A_160] {strides = array<i32>} : memref<125x80xf32, #tpu.memory_space<vmem>>, vector<16xf32>,
      tpu.vector_store %arg11[%swap3A_159, %swap3A_160], %exp3A_158 {strides = array<i32>} : memref<125x80xf32, #tpu.memory_space<vmem>>, vector<16xf32>,
      %add3A_162 = arith.addf %add3A_153, %exp3A_158 : vector<16xf32>
      %get3A_163 = arith.index_cast %scan3A_127 : i32 to index
      %get3A_164 = arith.constant 64 : index
      %get3A_165 = tpu.vector_load %arg11[%get3A_163, %get3A_164] {strides = array<i32>} : memref<125x80xf32, #tpu.memory_space<vmem>>, vector<16xf32>,
      %sub3A_166 = arith.subf %get3A_165, %broadcast_in_dim3A_75 : vector<16xf32>
      %exp3A_167 = math.exp %sub3A_166 : vector<16xf32>
      %swap3A_168 = arith.index_cast %scan3A_127 : i32 to index
      %swap3A_169 = arith.constant 64 : index
      %swap3A_170 = tpu.vector_load %arg11[%swap3A_168, %swap3A_169] {strides = array<i32>} : memref<125x80xf32, #tpu.memory_space<vmem>>, vector<16xf32>,
      tpu.vector_store %arg11[%swap3A_168, %swap3A_169], %exp3A_167 {strides = array<i32>} : memref<125x80xf32, #tpu.memory_space<vmem>>, vector<16xf32>,
      %add3A_171 = arith.addf %add3A_162, %exp3A_167 : vector<16xf32>
      scf.yield %add3A_171 : vector<16xf32>
    }
    %scan3A_83 = arith.constant 125 : i32
    %reduce_sum3A = arith.constant true
    %reduce_sum3A_84 = vector.broadcast %reduce_sum3A : i1 to vector<16xi1>
    %reduce_sum3A_85 = tpu.scan <sum>, %scan3A_82 masked %reduce_sum3A_84 : vector<16xf32>, vector<16xi1> -> vector<16xf32>
    %reduce_sum3A_86 = vector.extract %reduce_sum3A_85[15] : f32 from vector<16xf32>
    %broadcast_in_dim3A_87 = vector.broadcast %reduce_sum3A_86 : f32 to vector<16xf32>
    %swap3A_88 = arith.constant 0 : index
    %swap3A_89 = tpu.vector_load %arg18[%swap3A_88] {strides = array<i32>} : memref<16xf32, #tpu.memory_space<vmem>>, vector<16xf32>,
    tpu.vector_store %arg18[%swap3A_88], %broadcast_in_dim3A_87 {strides = array<i32>} : memref<16xf32, #tpu.memory_space<vmem>>, vector<16xf32>,
    %add3A_90 = arith.constant 16 : i32
    %add3A_91 = arith.addi %add3A_90, %arg1 : i32
    "tpu.region"() ({
      %run_scoped3A = tpu.sem_alloc : memref<!tpu.dma_semaphore, #tpu.memory_space<semaphore_mem>>
      %dma_start3A_127 = arith.constant 0 : i32
      %dma_start3A_128 = tpu.memref_slice %arg21[%add3A_91, %dma_start3A_127] : memref<32x16xf32, #tpu.memory_space<vmem_shared>> -> memref<1x16xf32, #tpu.memory_space<vmem_shared>>
      %dma_start3A_129 = tpu.memref_squeeze %dma_start3A_128 : memref<1x16xf32, #tpu.memory_space<vmem_shared>> -> memref<16xf32, #tpu.memory_space<vmem_shared>>
      %dma_start3A_130 = arith.constant 0 : i32
      %dma_start3A_131 = tpu.memref_slice %arg21[%add3A_91, %dma_start3A_130] : memref<32x16xf32, #tpu.memory_space<vmem_shared>> -> memref<1x16xf32, #tpu.memory_space<vmem_shared>>
      %dma_start3A_132 = tpu.memref_squeeze %dma_start3A_131 : memref<1x16xf32, #tpu.memory_space<vmem_shared>> -> memref<16xf32, #tpu.memory_space<vmem_shared>>
      tpu.enqueue_dma source(%arg18 : memref<16xf32, #tpu.memory_space<vmem>>) target(%dma_start3A_132 : memref<16xf32, #tpu.memory_space<vmem_shared>>) target_semaphore(%run_scoped3A : memref<!tpu.dma_semaphore, #tpu.memory_space<semaphore_mem>>)
      %dma_wait3A_133 = arith.constant 0 : i32
      %dma_wait3A_134 = tpu.memref_slice %arg21[%add3A_91, %dma_wait3A_133] : memref<32x16xf32, #tpu.memory_space<vmem_shared>> -> memref<1x16xf32, #tpu.memory_space<vmem_shared>>
      %dma_wait3A_135 = tpu.memref_squeeze %dma_wait3A_134 : memref<1x16xf32, #tpu.memory_space<vmem_shared>> -> memref<16xf32, #tpu.memory_space<vmem_shared>>
      %dma_wait3A_136 = arith.constant 0 : i32
      %dma_wait3A_137 = tpu.memref_slice %arg21[%add3A_91, %dma_wait3A_136] : memref<32x16xf32, #tpu.memory_space<vmem_shared>> -> memref<1x16xf32, #tpu.memory_space<vmem_shared>>
      %dma_wait3A_138 = tpu.memref_squeeze %dma_wait3A_137 : memref<1x16xf32, #tpu.memory_space<vmem_shared>> -> memref<16xf32, #tpu.memory_space<vmem_shared>>
      tpu.wait_dma2 semaphore(%run_scoped3A : memref<!tpu.dma_semaphore, #tpu.memory_space<semaphore_mem>>) src(%arg18 : memref<16xf32, #tpu.memory_space<vmem>>) dst(%dma_wait3A_138 : memref<16xf32, #tpu.memory_space<vmem_shared>>)
      tpu.yield
    }) : () -> ()
    %barrier3A_92 = arith.constant 0 : index
    tpu.barrier barrier_id(%barrier3A_92)
    "tpu.region"() ({
      %run_scoped3A = tpu.sem_alloc : memref<!tpu.dma_semaphore, #tpu.memory_space<semaphore_mem>>
      tpu.enqueue_dma source(%arg21 : memref<32x16xf32, #tpu.memory_space<vmem_shared>>) target(%arg19 : memref<32x16xf32, #tpu.memory_space<vmem>>) target_semaphore(%run_scoped3A : memref<!tpu.dma_semaphore, #tpu.memory_space<semaphore_mem>>)
      tpu.wait_dma2 semaphore(%run_scoped3A : memref<!tpu.dma_semaphore, #tpu.memory_space<semaphore_mem>>) src(%arg21 : memref<32x16xf32, #tpu.memory_space<vmem_shared>>) dst(%arg19 : memref<32x16xf32, #tpu.memory_space<vmem>>)
      tpu.yield
    }) : () -> ()
    %broadcast_in_dim3A_93 = arith.constant 0.000000e+00 : f32
    %broadcast_in_dim3A_94 = vector.broadcast %broadcast_in_dim3A_93 : f32 to vector<16xf32>
    %scan3A_95 = arith.constant 0 : i32
    %scan3A_96 = arith.constant 16 : i32
    %scan3A_97 = arith.addi %scan3A_95, %scan3A_96 : i32
    %scan3A_98 = arith.constant 1 : i32
    %scan3A_99 = scf.for %scan3A_127 = %scan3A_95 to %scan3A_97 step %scan3A_98 iter_args(%scan3A_128 = %broadcast_in_dim3A_94) -> (vector<16xf32>)  : i32 {
      %add3A_129 = arith.constant 16 : i32
      %add3A_130 = arith.addi %add3A_129, %scan3A_127 : i32
      %get3A_131 = arith.index_cast %add3A_130 : i32 to index
      %get3A_132 = arith.constant 0 : index
      %get3A_133 = tpu.vector_load %arg19[%get3A_131, %get3A_132] {strides = array<i32>} : memref<32x16xf32, #tpu.memory_space<vmem>>, vector<16xf32>,
      %add3A_134 = arith.addf %scan3A_128, %get3A_133 : vector<16xf32>
      scf.yield %add3A_134 : vector<16xf32>
    }
    %scan3A_100 = arith.constant 16 : i32
    %reduce_sum3A_101 = arith.constant true
    %reduce_sum3A_102 = vector.broadcast %reduce_sum3A_101 : i1 to vector<16xi1>
    %reduce_sum3A_103 = tpu.scan <sum>, %scan3A_99 masked %reduce_sum3A_102 : vector<16xf32>, vector<16xi1> -> vector<16xf32>
    %reduce_sum3A_104 = vector.extract %reduce_sum3A_103[15] : f32 from vector<16xf32>
    %broadcast_in_dim3A_105 = arith.constant 1.000000e+00 : f32
    %broadcast_in_dim3A_106 = vector.broadcast %broadcast_in_dim3A_105 : f32 to vector<16xf32>
    %broadcast_in_dim3A_107 = vector.broadcast %reduce_sum3A_104 : f32 to vector<16xf32>
    %div3A = arith.divf %broadcast_in_dim3A_106, %broadcast_in_dim3A_107 : vector<16xf32>
    %scan3A_108 = arith.constant 0 : i32
    %scan3A_109 = arith.constant 0 : i32
    %scan3A_110 = arith.constant 25 : i32
    %scan3A_111 = arith.addi %scan3A_109, %scan3A_110 : i32
    %scan3A_112 = arith.constant 1 : i32
    %scan3A_113 = scf.for %scan3A_127 = %scan3A_109 to %scan3A_111 step %scan3A_112 iter_args(%scan3A_128 = %scan3A_108) -> (i32)  : i32 {
      %mul3A_129 = arith.constant 5 : i32
      %mul3A_130 = arith.muli %mul3A_129, %scan3A_127 : i32
      %add3A_131 = arith.constant 0 : i32
      %add3A_132 = arith.addi %mul3A_130, %add3A_131 : i32
      %dma_wait3A_133 = arith.constant 0 : i32
      %dma_wait3A_134 = tpu.memref_slice %arg10[%add3A_132, %dma_wait3A_133] : memref<125x80xi32, #tpu.memory_space<vmem>> -> memref<1x80xi32, #tpu.memory_space<vmem>>
      %dma_wait3A_135 = tpu.memref_squeeze %dma_wait3A_134 : memref<1x80xi32, #tpu.memory_space<vmem>> -> memref<80xi32, #tpu.memory_space<vmem>>
      %dma_wait3A_136 = arith.constant 0 : i32
      %dma_wait3A_137 = arith.constant 0 : i32
      %dma_wait3A_138 = tpu.memref_slice %arg2[%dma_wait3A_136, %dma_wait3A_137] : memref<20000x128xbf16, #tpu.memory_space<hbm>> -> memref<20000x128xbf16, #tpu.memory_space<hbm>>
      tpu.wait_indirect_dma semaphore(%arg22 : memref<!tpu.dma_semaphore, #tpu.memory_space<semaphore_mem>>) src(%dma_wait3A_138 : memref<20000x128xbf16, #tpu.memory_space<hbm>>) dst(%arg13 : memref<80x128xbf16, #tpu.memory_space<vmem>>)
      %scan3A_139 = arith.constant 0 : i32
      %scan3A_140 = arith.constant 0 : i32
      %scan3A_141 = arith.constant 20 : i32
      %scan3A_142 = arith.addi %scan3A_140, %scan3A_141 : i32
      %scan3A_143 = arith.constant 1 : i32
      %scan3A_144 = scf.for %scan3A_313 = %scan3A_140 to %scan3A_142 step %scan3A_143 iter_args(%scan3A_314 = %scan3A_139) -> (i32)  : i32 {
        %mul3A_315 = arith.constant 4 : i32
        %mul3A_316 = arith.muli %scan3A_313, %mul3A_315 : i32
        %add3A_317 = arith.constant 0 : i32
        %add3A_318 = arith.addi %mul3A_316, %add3A_317 : i32
        %broadcast_in_dim3A_319 = vector.broadcast %add3A_132 : i32 to vector<16xi32>
        %broadcast_in_dim3A_320 = vector.broadcast %add3A_318 : i32 to vector<16xi32>
        %gather3A = tpu.vector_load_idx %arg11[%broadcast_in_dim3A_319, %broadcast_in_dim3A_320] : memref<125x80xf32, #tpu.memory_space<vmem>>[vector<16xi32>, vector<16xi32>], vector<16xf32>,
        %mul3A_321 = arith.mulf %gather3A, %div3A : vector<16xf32>
        %pack3A = tpu.pack_subelements %mul3A_321, %mul3A_321 {pack_format = #tpu.pack_format<interleaved>, positions = array<i32: 0, 1>} : vector<16xf32>, vector<16xf32> -> vector<32xbf16>
        %get3A_322 = arith.index_cast %add3A_318 : i32 to index
        %get3A_323 = arith.constant 0 : index
        %get3A_324 = tpu.vector_load %arg13[%get3A_322, %get3A_323] {strides = array<i32>} : memref<80x128xbf16, #tpu.memory_space<vmem>>, vector<32xbf16>,
        %mul3A_325 = arith.mulf %get3A_324, %pack3A : vector<32xbf16>
        %swap3A_326 = arith.index_cast %add3A_318 : i32 to index
        %swap3A_327 = arith.constant 0 : index
        %swap3A_328 = tpu.vector_load %arg13[%swap3A_326, %swap3A_327] {strides = array<i32>} : memref<80x128xbf16, #tpu.memory_space<vmem>>, vector<32xbf16>,
        tpu.vector_store %arg13[%swap3A_326, %swap3A_327], %mul3A_325 {strides = array<i32>} : memref<80x128xbf16, #tpu.memory_space<vmem>>, vector<32xbf16>,
        %get3A_329 = arith.index_cast %add3A_318 : i32 to index
        %get3A_330 = arith.constant 32 : index
        %get3A_331 = tpu.vector_load %arg13[%get3A_329, %get3A_330] {strides = array<i32>} : memref<80x128xbf16, #tpu.memory_space<vmem>>, vector<32xbf16>,
        %mul3A_332 = arith.mulf %get3A_331, %pack3A : vector<32xbf16>
        %swap3A_333 = arith.index_cast %add3A_318 : i32 to index
        %swap3A_334 = arith.constant 32 : index
        %swap3A_335 = tpu.vector_load %arg13[%swap3A_333, %swap3A_334] {strides = array<i32>} : memref<80x128xbf16, #tpu.memory_space<vmem>>, vector<32xbf16>,
        tpu.vector_store %arg13[%swap3A_333, %swap3A_334], %mul3A_332 {strides = array<i32>} : memref<80x128xbf16, #tpu.memory_space<vmem>>, vector<32xbf16>,
        %get3A_336 = arith.index_cast %add3A_318 : i32 to index
        %get3A_337 = arith.constant 64 : index
        %get3A_338 = tpu.vector_load %arg13[%get3A_336, %get3A_337] {strides = array<i32>} : memref<80x128xbf16, #tpu.memory_space<vmem>>, vector<32xbf16>,
        %mul3A_339 = arith.mulf %get3A_338, %pack3A : vector<32xbf16>
        %swap3A_340 = arith.index_cast %add3A_318 : i32 to index
        %swap3A_341 = arith.constant 64 : index
        %swap3A_342 = tpu.vector_load %arg13[%swap3A_340, %swap3A_341] {strides = array<i32>} : memref<80x128xbf16, #tpu.memory_space<vmem>>, vector<32xbf16>,
        tpu.vector_store %arg13[%swap3A_340, %swap3A_341], %mul3A_339 {strides = array<i32>} : memref<80x128xbf16, #tpu.memory_space<vmem>>, vector<32xbf16>,
        %get3A_343 = arith.index_cast %add3A_318 : i32 to index
        %get3A_344 = arith.constant 96 : index
        %get3A_345 = tpu.vector_load %arg13[%get3A_343, %get3A_344] {strides = array<i32>} : memref<80x128xbf16, #tpu.memory_space<vmem>>, vector<32xbf16>,
        %mul3A_346 = arith.mulf %get3A_345, %pack3A : vector<32xbf16>
        %swap3A_347 = arith.index_cast %add3A_318 : i32 to index
        %swap3A_348 = arith.constant 96 : index
        %swap3A_349 = tpu.vector_load %arg13[%swap3A_347, %swap3A_348] {strides = array<i32>} : memref<80x128xbf16, #tpu.memory_space<vmem>>, vector<32xbf16>,
        tpu.vector_store %arg13[%swap3A_347, %swap3A_348], %mul3A_346 {strides = array<i32>} : memref<80x128xbf16, #tpu.memory_space<vmem>>, vector<32xbf16>,
        %mul3A_350 = arith.constant 4 : i32
        %mul3A_351 = arith.muli %scan3A_313, %mul3A_350 : i32
        %add3A_352 = arith.constant 1 : i32
        %add3A_353 = arith.addi %mul3A_351, %add3A_352 : i32
        %broadcast_in_dim3A_354 = vector.broadcast %add3A_132 : i32 to vector<16xi32>
        %broadcast_in_dim3A_355 = vector.broadcast %add3A_353 : i32 to vector<16xi32>
        %gather3A_356 = tpu.vector_load_idx %arg11[%broadcast_in_dim3A_354, %broadcast_in_dim3A_355] : memref<125x80xf32, #tpu.memory_space<vmem>>[vector<16xi32>, vector<16xi32>], vector<16xf32>,
        %mul3A_357 = arith.mulf %gather3A_356, %div3A : vector<16xf32>
        %pack3A_358 = tpu.pack_subelements %mul3A_357, %mul3A_357 {pack_format = #tpu.pack_format<interleaved>, positions = array<i32: 0, 1>} : vector<16xf32>, vector<16xf32> -> vector<32xbf16>
        %get3A_359 = arith.index_cast %add3A_353 : i32 to index
        %get3A_360 = arith.constant 0 : index
        %get3A_361 = tpu.vector_load %arg13[%get3A_359, %get3A_360] {strides = array<i32>} : memref<80x128xbf16, #tpu.memory_space<vmem>>, vector<32xbf16>,
        %mul3A_362 = arith.mulf %get3A_361, %pack3A_358 : vector<32xbf16>
        %swap3A_363 = arith.index_cast %add3A_353 : i32 to index
        %swap3A_364 = arith.constant 0 : index
        %swap3A_365 = tpu.vector_load %arg13[%swap3A_363, %swap3A_364] {strides = array<i32>} : memref<80x128xbf16, #tpu.memory_space<vmem>>, vector<32xbf16>,
        tpu.vector_store %arg13[%swap3A_363, %swap3A_364], %mul3A_362 {strides = array<i32>} : memref<80x128xbf16, #tpu.memory_space<vmem>>, vector<32xbf16>,
        %get3A_366 = arith.index_cast %add3A_353 : i32 to index
        %get3A_367 = arith.constant 32 : index
        %get3A_368 = tpu.vector_load %arg13[%get3A_366, %get3A_367] {strides = array<i32>} : memref<80x128xbf16, #tpu.memory_space<vmem>>, vector<32xbf16>,
        %mul3A_369 = arith.mulf %get3A_368, %pack3A_358 : vector<32xbf16>
        %swap3A_370 = arith.index_cast %add3A_353 : i32 to index
        %swap3A_371 = arith.constant 32 : index
        %swap3A_372 = tpu.vector_load %arg13[%swap3A_370, %swap3A_371] {strides = array<i32>} : memref<80x128xbf16, #tpu.memory_space<vmem>>, vector<32xbf16>,
        tpu.vector_store %arg13[%swap3A_370, %swap3A_371], %mul3A_369 {strides = array<i32>} : memref<80x128xbf16, #tpu.memory_space<vmem>>, vector<32xbf16>,
        %get3A_373 = arith.index_cast %add3A_353 : i32 to index
        %get3A_374 = arith.constant 64 : index
        %get3A_375 = tpu.vector_load %arg13[%get3A_373, %get3A_374] {strides = array<i32>} : memref<80x128xbf16, #tpu.memory_space<vmem>>, vector<32xbf16>,
        %mul3A_376 = arith.mulf %get3A_375, %pack3A_358 : vector<32xbf16>
        %swap3A_377 = arith.index_cast %add3A_353 : i32 to index
        %swap3A_378 = arith.constant 64 : index
        %swap3A_379 = tpu.vector_load %arg13[%swap3A_377, %swap3A_378] {strides = array<i32>} : memref<80x128xbf16, #tpu.memory_space<vmem>>, vector<32xbf16>,
        tpu.vector_store %arg13[%swap3A_377, %swap3A_378], %mul3A_376 {strides = array<i32>} : memref<80x128xbf16, #tpu.memory_space<vmem>>, vector<32xbf16>,
        %get3A_380 = arith.index_cast %add3A_353 : i32 to index
        %get3A_381 = arith.constant 96 : index
        %get3A_382 = tpu.vector_load %arg13[%get3A_380, %get3A_381] {strides = array<i32>} : memref<80x128xbf16, #tpu.memory_space<vmem>>, vector<32xbf16>,
        %mul3A_383 = arith.mulf %get3A_382, %pack3A_358 : vector<32xbf16>
        %swap3A_384 = arith.index_cast %add3A_353 : i32 to index
        %swap3A_385 = arith.constant 96 : index
        %swap3A_386 = tpu.vector_load %arg13[%swap3A_384, %swap3A_385] {strides = array<i32>} : memref<80x128xbf16, #tpu.memory_space<vmem>>, vector<32xbf16>,
        tpu.vector_store %arg13[%swap3A_384, %swap3A_385], %mul3A_383 {strides = array<i32>} : memref<80x128xbf16, #tpu.memory_space<vmem>>, vector<32xbf16>,
        %mul3A_387 = arith.constant 4 : i32
        %mul3A_388 = arith.muli %scan3A_313, %mul3A_387 : i32
        %add3A_389 = arith.constant 2 : i32
        %add3A_390 = arith.addi %mul3A_388, %add3A_389 : i32
        %broadcast_in_dim3A_391 = vector.broadcast %add3A_132 : i32 to vector<16xi32>
        %broadcast_in_dim3A_392 = vector.broadcast %add3A_390 : i32 to vector<16xi32>
        %gather3A_393 = tpu.vector_load_idx %arg11[%broadcast_in_dim3A_391, %broadcast_in_dim3A_392] : memref<125x80xf32, #tpu.memory_space<vmem>>[vector<16xi32>, vector<16xi32>], vector<16xf32>,
        %mul3A_394 = arith.mulf %gather3A_393, %div3A : vector<16xf32>
        %pack3A_395 = tpu.pack_subelements %mul3A_394, %mul3A_394 {pack_format = #tpu.pack_format<interleaved>, positions = array<i32: 0, 1>} : vector<16xf32>, vector<16xf32> -> vector<32xbf16>
        %get3A_396 = arith.index_cast %add3A_390 : i32 to index
        %get3A_397 = arith.constant 0 : index
        %get3A_398 = tpu.vector_load %arg13[%get3A_396, %get3A_397] {strides = array<i32>} : memref<80x128xbf16, #tpu.memory_space<vmem>>, vector<32xbf16>,
        %mul3A_399 = arith.mulf %get3A_398, %pack3A_395 : vector<32xbf16>
        %swap3A_400 = arith.index_cast %add3A_390 : i32 to index
        %swap3A_401 = arith.constant 0 : index
        %swap3A_402 = tpu.vector_load %arg13[%swap3A_400, %swap3A_401] {strides = array<i32>} : memref<80x128xbf16, #tpu.memory_space<vmem>>, vector<32xbf16>,
        tpu.vector_store %arg13[%swap3A_400, %swap3A_401], %mul3A_399 {strides = array<i32>} : memref<80x128xbf16, #tpu.memory_space<vmem>>, vector<32xbf16>,
        %get3A_403 = arith.index_cast %add3A_390 : i32 to index
        %get3A_404 = arith.constant 32 : index
        %get3A_405 = tpu.vector_load %arg13[%get3A_403, %get3A_404] {strides = array<i32>} : memref<80x128xbf16, #tpu.memory_space<vmem>>, vector<32xbf16>,
        %mul3A_406 = arith.mulf %get3A_405, %pack3A_395 : vector<32xbf16>
        %swap3A_407 = arith.index_cast %add3A_390 : i32 to index
        %swap3A_408 = arith.constant 32 : index
        %swap3A_409 = tpu.vector_load %arg13[%swap3A_407, %swap3A_408] {strides = array<i32>} : memref<80x128xbf16, #tpu.memory_space<vmem>>, vector<32xbf16>,
        tpu.vector_store %arg13[%swap3A_407, %swap3A_408], %mul3A_406 {strides = array<i32>} : memref<80x128xbf16, #tpu.memory_space<vmem>>, vector<32xbf16>,
        %get3A_410 = arith.index_cast %add3A_390 : i32 to index
        %get3A_411 = arith.constant 64 : index
        %get3A_412 = tpu.vector_load %arg13[%get3A_410, %get3A_411] {strides = array<i32>} : memref<80x128xbf16, #tpu.memory_space<vmem>>, vector<32xbf16>,
        %mul3A_413 = arith.mulf %get3A_412, %pack3A_395 : vector<32xbf16>
        %swap3A_414 = arith.index_cast %add3A_390 : i32 to index
        %swap3A_415 = arith.constant 64 : index
        %swap3A_416 = tpu.vector_load %arg13[%swap3A_414, %swap3A_415] {strides = array<i32>} : memref<80x128xbf16, #tpu.memory_space<vmem>>, vector<32xbf16>,
        tpu.vector_store %arg13[%swap3A_414, %swap3A_415], %mul3A_413 {strides = array<i32>} : memref<80x128xbf16, #tpu.memory_space<vmem>>, vector<32xbf16>,
        %get3A_417 = arith.index_cast %add3A_390 : i32 to index
        %get3A_418 = arith.constant 96 : index
        %get3A_419 = tpu.vector_load %arg13[%get3A_417, %get3A_418] {strides = array<i32>} : memref<80x128xbf16, #tpu.memory_space<vmem>>, vector<32xbf16>,
        %mul3A_420 = arith.mulf %get3A_419, %pack3A_395 : vector<32xbf16>
        %swap3A_421 = arith.index_cast %add3A_390 : i32 to index
        %swap3A_422 = arith.constant 96 : index
        %swap3A_423 = tpu.vector_load %arg13[%swap3A_421, %swap3A_422] {strides = array<i32>} : memref<80x128xbf16, #tpu.memory_space<vmem>>, vector<32xbf16>,
        tpu.vector_store %arg13[%swap3A_421, %swap3A_422], %mul3A_420 {strides = array<i32>} : memref<80x128xbf16, #tpu.memory_space<vmem>>, vector<32xbf16>,
        %mul3A_424 = arith.constant 4 : i32
        %mul3A_425 = arith.muli %scan3A_313, %mul3A_424 : i32
        %add3A_426 = arith.constant 3 : i32
        %add3A_427 = arith.addi %mul3A_425, %add3A_426 : i32
        %broadcast_in_dim3A_428 = vector.broadcast %add3A_132 : i32 to vector<16xi32>
        %broadcast_in_dim3A_429 = vector.broadcast %add3A_427 : i32 to vector<16xi32>
        %gather3A_430 = tpu.vector_load_idx %arg11[%broadcast_in_dim3A_428, %broadcast_in_dim3A_429] : memref<125x80xf32, #tpu.memory_space<vmem>>[vector<16xi32>, vector<16xi32>], vector<16xf32>,
        %mul3A_431 = arith.mulf %gather3A_430, %div3A : vector<16xf32>
        %pack3A_432 = tpu.pack_subelements %mul3A_431, %mul3A_431 {pack_format = #tpu.pack_format<interleaved>, positions = array<i32: 0, 1>} : vector<16xf32>, vector<16xf32> -> vector<32xbf16>
        %get3A_433 = arith.index_cast %add3A_427 : i32 to index
        %get3A_434 = arith.constant 0 : index
        %get3A_435 = tpu.vector_load %arg13[%get3A_433, %get3A_434] {strides = array<i32>} : memref<80x128xbf16, #tpu.memory_space<vmem>>, vector<32xbf16>,
        %mul3A_436 = arith.mulf %get3A_435, %pack3A_432 : vector<32xbf16>
        %swap3A_437 = arith.index_cast %add3A_427 : i32 to index
        %swap3A_438 = arith.constant 0 : index
        %swap3A_439 = tpu.vector_load %arg13[%swap3A_437, %swap3A_438] {strides = array<i32>} : memref<80x128xbf16, #tpu.memory_space<vmem>>, vector<32xbf16>,
        tpu.vector_store %arg13[%swap3A_437, %swap3A_438], %mul3A_436 {strides = array<i32>} : memref<80x128xbf16, #tpu.memory_space<vmem>>, vector<32xbf16>,
        %get3A_440 = arith.index_cast %add3A_427 : i32 to index
        %get3A_441 = arith.constant 32 : index
        %get3A_442 = tpu.vector_load %arg13[%get3A_440, %get3A_441] {strides = array<i32>} : memref<80x128xbf16, #tpu.memory_space<vmem>>, vector<32xbf16>,
        %mul3A_443 = arith.mulf %get3A_442, %pack3A_432 : vector<32xbf16>
        %swap3A_444 = arith.index_cast %add3A_427 : i32 to index
        %swap3A_445 = arith.constant 32 : index
        %swap3A_446 = tpu.vector_load %arg13[%swap3A_444, %swap3A_445] {strides = array<i32>} : memref<80x128xbf16, #tpu.memory_space<vmem>>, vector<32xbf16>,
        tpu.vector_store %arg13[%swap3A_444, %swap3A_445], %mul3A_443 {strides = array<i32>} : memref<80x128xbf16, #tpu.memory_space<vmem>>, vector<32xbf16>,
        %get3A_447 = arith.index_cast %add3A_427 : i32 to index
        %get3A_448 = arith.constant 64 : index
        %get3A_449 = tpu.vector_load %arg13[%get3A_447, %get3A_448] {strides = array<i32>} : memref<80x128xbf16, #tpu.memory_space<vmem>>, vector<32xbf16>,
        %mul3A_450 = arith.mulf %get3A_449, %pack3A_432 : vector<32xbf16>
        %swap3A_451 = arith.index_cast %add3A_427 : i32 to index
        %swap3A_452 = arith.constant 64 : index
        %swap3A_453 = tpu.vector_load %arg13[%swap3A_451, %swap3A_452] {strides = array<i32>} : memref<80x128xbf16, #tpu.memory_space<vmem>>, vector<32xbf16>,
        tpu.vector_store %arg13[%swap3A_451, %swap3A_452], %mul3A_450 {strides = array<i32>} : memref<80x128xbf16, #tpu.memory_space<vmem>>, vector<32xbf16>,
        %get3A_454 = arith.index_cast %add3A_427 : i32 to index
        %get3A_455 = arith.constant 96 : index
        %get3A_456 = tpu.vector_load %arg13[%get3A_454, %get3A_455] {strides = array<i32>} : memref<80x128xbf16, #tpu.memory_space<vmem>>, vector<32xbf16>,
        %mul3A_457 = arith.mulf %get3A_456, %pack3A_432 : vector<32xbf16>
        %swap3A_458 = arith.index_cast %add3A_427 : i32 to index
        %swap3A_459 = arith.constant 96 : index
        %swap3A_460 = tpu.vector_load %arg13[%swap3A_458, %swap3A_459] {strides = array<i32>} : memref<80x128xbf16, #tpu.memory_space<vmem>>, vector<32xbf16>,
        tpu.vector_store %arg13[%swap3A_458, %swap3A_459], %mul3A_457 {strides = array<i32>} : memref<80x128xbf16, #tpu.memory_space<vmem>>, vector<32xbf16>,
        %scan3A_461 = arith.constant 0 : i32
        scf.yield %scan3A_461 : i32
      }
      %scan3A_145 = arith.constant 20 : i32
      %dma_start3A_146 = arith.constant 0 : i32
      %dma_start3A_147 = tpu.memref_slice %arg9[%add3A_132, %dma_start3A_146] : memref<125x80xi32, #tpu.memory_space<vmem>> -> memref<1x80xi32, #tpu.memory_space<vmem>>
      %dma_start3A_148 = tpu.memref_squeeze %dma_start3A_147 : memref<1x80xi32, #tpu.memory_space<vmem>> -> memref<80xi32, #tpu.memory_space<vmem>>
      %dma_start3A_149 = arith.constant 0 : i32
      %dma_start3A_150 = arith.constant 0 : i32
      %dma_start3A_151 = tpu.memref_slice %arg20[%dma_start3A_149, %dma_start3A_150] : memref<10000x128xbf16, #tpu.memory_space<vmem_shared>> -> memref<10000x128xbf16, #tpu.memory_space<vmem_shared>>
      tpu.enqueue_indirect_dma source(%arg13 : memref<80x128xbf16, #tpu.memory_space<vmem>>) target(%dma_start3A_151 : memref<10000x128xbf16, #tpu.memory_space<vmem_shared>>) offsets(%dma_start3A_148 : memref<80xi32, #tpu.memory_space<vmem>>) semaphore(%arg27 : memref<!tpu.dma_semaphore, #tpu.memory_space<semaphore_mem>>) {add = true}
      %ge3A = arith.constant 1 : i32
      %ge3A_152 = arith.cmpi sge, %add3A_132, %ge3A : i32
      %convert_element_type3A_153 = arith.extui %ge3A_152 : i1 to i32
      %cond3A_154 = arith.constant 0 : i32
      %cond3A_155 = arith.cmpi ne, %convert_element_type3A_153, %cond3A_154 : i32
      scf.if %cond3A_155 {
        %sub3A_313 = arith.constant 1 : i32
        %sub3A_314 = arith.subi %add3A_132, %sub3A_313 : i32
        %dma_wait3A_315 = arith.constant 0 : i32
        %dma_wait3A_316 = tpu.memref_slice %arg9[%sub3A_314, %dma_wait3A_315] : memref<125x80xi32, #tpu.memory_space<vmem>> -> memref<1x80xi32, #tpu.memory_space<vmem>>
        %dma_wait3A_317 = tpu.memref_squeeze %dma_wait3A_316 : memref<1x80xi32, #tpu.memory_space<vmem>> -> memref<80xi32, #tpu.memory_space<vmem>>
        %dma_wait3A_318 = arith.constant 0 : i32
        %dma_wait3A_319 = arith.constant 0 : i32
        %dma_wait3A_320 = tpu.memref_slice %arg20[%dma_wait3A_318, %dma_wait3A_319] : memref<10000x128xbf16, #tpu.memory_space<vmem_shared>> -> memref<10000x128xbf16, #tpu.memory_space<vmem_shared>>
        tpu.wait_indirect_dma semaphore(%arg31 : memref<!tpu.dma_semaphore, #tpu.memory_space<semaphore_mem>>) src(%arg17 : memref<80x128xbf16, #tpu.memory_space<vmem>>) dst(%dma_wait3A_320 : memref<10000x128xbf16, #tpu.memory_space<vmem_shared>>)
      } else {
      }
      %add3A_156 = arith.constant 5 : i32
      %add3A_157 = arith.addi %add3A_132, %add3A_156 : i32
      %sub3A = arith.constant 1 : i32
      %sub3A_158 = arith.subi %add3A_157, %sub3A : i32
      %lt3A_159 = arith.constant 125 : i32
      %lt3A_160 = arith.cmpi slt, %sub3A_158, %lt3A_159 : i32
      %convert_element_type3A_161 = arith.extui %lt3A_160 : i1 to i32
      %cond3A_162 = arith.constant 0 : i32
      %cond3A_163 = arith.cmpi ne, %convert_element_type3A_161, %cond3A_162 : i32
      scf.if %cond3A_163 {
        %add3A_313 = arith.constant 5 : i32
        %add3A_314 = arith.addi %add3A_132, %add3A_313 : i32
        %sub3A_315 = arith.constant 1 : i32
        %sub3A_316 = arith.subi %add3A_314, %sub3A_315 : i32
        %dma_start3A_317 = arith.constant 0 : i32
        %dma_start3A_318 = tpu.memref_slice %arg10[%sub3A_316, %dma_start3A_317] : memref<125x80xi32, #tpu.memory_space<vmem>> -> memref<1x80xi32, #tpu.memory_space<vmem>>
        %dma_start3A_319 = tpu.memref_squeeze %dma_start3A_318 : memref<1x80xi32, #tpu.memory_space<vmem>> -> memref<80xi32, #tpu.memory_space<vmem>>
        %dma_start3A_320 = arith.constant 0 : i32
        %dma_start3A_321 = arith.constant 0 : i32
        %dma_start3A_322 = tpu.memref_slice %arg2[%dma_start3A_320, %dma_start3A_321] : memref<20000x128xbf16, #tpu.memory_space<hbm>> -> memref<20000x128xbf16, #tpu.memory_space<hbm>>
        tpu.enqueue_indirect_dma source(%dma_start3A_322 : memref<20000x128xbf16, #tpu.memory_space<hbm>>) target(%arg17 : memref<80x128xbf16, #tpu.memory_space<vmem>>) offsets(%dma_start3A_319 : memref<80xi32, #tpu.memory_space<vmem>>) semaphore(%arg26 : memref<!tpu.dma_semaphore, #tpu.memory_space<semaphore_mem>>)
      } else {
      }
      %mul3A_164 = arith.constant 5 : i32
      %mul3A_165 = arith.muli %mul3A_164, %scan3A_127 : i32
      %add3A_166 = arith.constant 1 : i32
      %add3A_167 = arith.addi %mul3A_165, %add3A_166 : i32
      %dma_wait3A_168 = arith.constant 0 : i32
      %dma_wait3A_169 = tpu.memref_slice %arg10[%add3A_167, %dma_wait3A_168] : memref<125x80xi32, #tpu.memory_space<vmem>> -> memref<1x80xi32, #tpu.memory_space<vmem>>
      %dma_wait3A_170 = tpu.memref_squeeze %dma_wait3A_169 : memref<1x80xi32, #tpu.memory_space<vmem>> -> memref<80xi32, #tpu.memory_space<vmem>>
      %dma_wait3A_171 = arith.constant 0 : i32
      %dma_wait3A_172 = arith.constant 0 : i32
      %dma_wait3A_173 = tpu.memref_slice %arg2[%dma_wait3A_171, %dma_wait3A_172] : memref<20000x128xbf16, #tpu.memory_space<hbm>> -> memref<20000x128xbf16, #tpu.memory_space<hbm>>
      tpu.wait_indirect_dma semaphore(%arg23 : memref<!tpu.dma_semaphore, #tpu.memory_space<semaphore_mem>>) src(%dma_wait3A_173 : memref<20000x128xbf16, #tpu.memory_space<hbm>>) dst(%arg14 : memref<80x128xbf16, #tpu.memory_space<vmem>>)
      %scan3A_174 = arith.constant 0 : i32
      %scan3A_175 = arith.constant 0 : i32
      %scan3A_176 = arith.constant 20 : i32
      %scan3A_177 = arith.addi %scan3A_175, %scan3A_176 : i32
      %scan3A_178 = arith.constant 1 : i32
      %scan3A_179 = scf.for %scan3A_313 = %scan3A_175 to %scan3A_177 step %scan3A_178 iter_args(%scan3A_314 = %scan3A_174) -> (i32)  : i32 {
        %mul3A_315 = arith.constant 4 : i32
        %mul3A_316 = arith.muli %scan3A_313, %mul3A_315 : i32
        %add3A_317 = arith.constant 0 : i32
        %add3A_318 = arith.addi %mul3A_316, %add3A_317 : i32
        %broadcast_in_dim3A_319 = vector.broadcast %add3A_167 : i32 to vector<16xi32>
        %broadcast_in_dim3A_320 = vector.broadcast %add3A_318 : i32 to vector<16xi32>
        %gather3A = tpu.vector_load_idx %arg11[%broadcast_in_dim3A_319, %broadcast_in_dim3A_320] : memref<125x80xf32, #tpu.memory_space<vmem>>[vector<16xi32>, vector<16xi32>], vector<16xf32>,
        %mul3A_321 = arith.mulf %gather3A, %div3A : vector<16xf32>
        %pack3A = tpu.pack_subelements %mul3A_321, %mul3A_321 {pack_format = #tpu.pack_format<interleaved>, positions = array<i32: 0, 1>} : vector<16xf32>, vector<16xf32> -> vector<32xbf16>
        %get3A_322 = arith.index_cast %add3A_318 : i32 to index
        %get3A_323 = arith.constant 0 : index
        %get3A_324 = tpu.vector_load %arg14[%get3A_322, %get3A_323] {strides = array<i32>} : memref<80x128xbf16, #tpu.memory_space<vmem>>, vector<32xbf16>,
        %mul3A_325 = arith.mulf %get3A_324, %pack3A : vector<32xbf16>
        %swap3A_326 = arith.index_cast %add3A_318 : i32 to index
        %swap3A_327 = arith.constant 0 : index
        %swap3A_328 = tpu.vector_load %arg14[%swap3A_326, %swap3A_327] {strides = array<i32>} : memref<80x128xbf16, #tpu.memory_space<vmem>>, vector<32xbf16>,
        tpu.vector_store %arg14[%swap3A_326, %swap3A_327], %mul3A_325 {strides = array<i32>} : memref<80x128xbf16, #tpu.memory_space<vmem>>, vector<32xbf16>,
        %get3A_329 = arith.index_cast %add3A_318 : i32 to index
        %get3A_330 = arith.constant 32 : index
        %get3A_331 = tpu.vector_load %arg14[%get3A_329, %get3A_330] {strides = array<i32>} : memref<80x128xbf16, #tpu.memory_space<vmem>>, vector<32xbf16>,
        %mul3A_332 = arith.mulf %get3A_331, %pack3A : vector<32xbf16>
        %swap3A_333 = arith.index_cast %add3A_318 : i32 to index
        %swap3A_334 = arith.constant 32 : index
        %swap3A_335 = tpu.vector_load %arg14[%swap3A_333, %swap3A_334] {strides = array<i32>} : memref<80x128xbf16, #tpu.memory_space<vmem>>, vector<32xbf16>,
        tpu.vector_store %arg14[%swap3A_333, %swap3A_334], %mul3A_332 {strides = array<i32>} : memref<80x128xbf16, #tpu.memory_space<vmem>>, vector<32xbf16>,
        %get3A_336 = arith.index_cast %add3A_318 : i32 to index
        %get3A_337 = arith.constant 64 : index
        %get3A_338 = tpu.vector_load %arg14[%get3A_336, %get3A_337] {strides = array<i32>} : memref<80x128xbf16, #tpu.memory_space<vmem>>, vector<32xbf16>,
        %mul3A_339 = arith.mulf %get3A_338, %pack3A : vector<32xbf16>
        %swap3A_340 = arith.index_cast %add3A_318 : i32 to index
        %swap3A_341 = arith.constant 64 : index
        %swap3A_342 = tpu.vector_load %arg14[%swap3A_340, %swap3A_341] {strides = array<i32>} : memref<80x128xbf16, #tpu.memory_space<vmem>>, vector<32xbf16>,
        tpu.vector_store %arg14[%swap3A_340, %swap3A_341], %mul3A_339 {strides = array<i32>} : memref<80x128xbf16, #tpu.memory_space<vmem>>, vector<32xbf16>,
        %get3A_343 = arith.index_cast %add3A_318 : i32 to index
        %get3A_344 = arith.constant 96 : index
        %get3A_345 = tpu.vector_load %arg14[%get3A_343, %get3A_344] {strides = array<i32>} : memref<80x128xbf16, #tpu.memory_space<vmem>>, vector<32xbf16>,
        %mul3A_346 = arith.mulf %get3A_345, %pack3A : vector<32xbf16>
        %swap3A_347 = arith.index_cast %add3A_318 : i32 to index
        %swap3A_348 = arith.constant 96 : index
        %swap3A_349 = tpu.vector_load %arg14[%swap3A_347, %swap3A_348] {strides = array<i32>} : memref<80x128xbf16, #tpu.memory_space<vmem>>, vector<32xbf16>,
        tpu.vector_store %arg14[%swap3A_347, %swap3A_348], %mul3A_346 {strides = array<i32>} : memref<80x128xbf16, #tpu.memory_space<vmem>>, vector<32xbf16>,
        %mul3A_350 = arith.constant 4 : i32
        %mul3A_351 = arith.muli %scan3A_313, %mul3A_350 : i32
        %add3A_352 = arith.constant 1 : i32
        %add3A_353 = arith.addi %mul3A_351, %add3A_352 : i32
        %broadcast_in_dim3A_354 = vector.broadcast %add3A_167 : i32 to vector<16xi32>
        %broadcast_in_dim3A_355 = vector.broadcast %add3A_353 : i32 to vector<16xi32>
        %gather3A_356 = tpu.vector_load_idx %arg11[%broadcast_in_dim3A_354, %broadcast_in_dim3A_355] : memref<125x80xf32, #tpu.memory_space<vmem>>[vector<16xi32>, vector<16xi32>], vector<16xf32>,
        %mul3A_357 = arith.mulf %gather3A_356, %div3A : vector<16xf32>
        %pack3A_358 = tpu.pack_subelements %mul3A_357, %mul3A_357 {pack_format = #tpu.pack_format<interleaved>, positions = array<i32: 0, 1>} : vector<16xf32>, vector<16xf32> -> vector<32xbf16>
        %get3A_359 = arith.index_cast %add3A_353 : i32 to index
        %get3A_360 = arith.constant 0 : index
        %get3A_361 = tpu.vector_load %arg14[%get3A_359, %get3A_360] {strides = array<i32>} : memref<80x128xbf16, #tpu.memory_space<vmem>>, vector<32xbf16>,
        %mul3A_362 = arith.mulf %get3A_361, %pack3A_358 : vector<32xbf16>
        %swap3A_363 = arith.index_cast %add3A_353 : i32 to index
        %swap3A_364 = arith.constant 0 : index
        %swap3A_365 = tpu.vector_load %arg14[%swap3A_363, %swap3A_364] {strides = array<i32>} : memref<80x128xbf16, #tpu.memory_space<vmem>>, vector<32xbf16>,
        tpu.vector_store %arg14[%swap3A_363, %swap3A_364], %mul3A_362 {strides = array<i32>} : memref<80x128xbf16, #tpu.memory_space<vmem>>, vector<32xbf16>,
        %get3A_366 = arith.index_cast %add3A_353 : i32 to index
        %get3A_367 = arith.constant 32 : index
        %get3A_368 = tpu.vector_load %arg14[%get3A_366, %get3A_367] {strides = array<i32>} : memref<80x128xbf16, #tpu.memory_space<vmem>>, vector<32xbf16>,
        %mul3A_369 = arith.mulf %get3A_368, %pack3A_358 : vector<32xbf16>
        %swap3A_370 = arith.index_cast %add3A_353 : i32 to index
        %swap3A_371 = arith.constant 32 : index
        %swap3A_372 = tpu.vector_load %arg14[%swap3A_370, %swap3A_371] {strides = array<i32>} : memref<80x128xbf16, #tpu.memory_space<vmem>>, vector<32xbf16>,
        tpu.vector_store %arg14[%swap3A_370, %swap3A_371], %mul3A_369 {strides = array<i32>} : memref<80x128xbf16, #tpu.memory_space<vmem>>, vector<32xbf16>,
        %get3A_373 = arith.index_cast %add3A_353 : i32 to index
        %get3A_374 = arith.constant 64 : index
        %get3A_375 = tpu.vector_load %arg14[%get3A_373, %get3A_374] {strides = array<i32>} : memref<80x128xbf16, #tpu.memory_space<vmem>>, vector<32xbf16>,
        %mul3A_376 = arith.mulf %get3A_375, %pack3A_358 : vector<32xbf16>
        %swap3A_377 = arith.index_cast %add3A_353 : i32 to index
        %swap3A_378 = arith.constant 64 : index
        %swap3A_379 = tpu.vector_load %arg14[%swap3A_377, %swap3A_378] {strides = array<i32>} : memref<80x128xbf16, #tpu.memory_space<vmem>>, vector<32xbf16>,
        tpu.vector_store %arg14[%swap3A_377, %swap3A_378], %mul3A_376 {strides = array<i32>} : memref<80x128xbf16, #tpu.memory_space<vmem>>, vector<32xbf16>,
        %get3A_380 = arith.index_cast %add3A_353 : i32 to index
        %get3A_381 = arith.constant 96 : index
        %get3A_382 = tpu.vector_load %arg14[%get3A_380, %get3A_381] {strides = array<i32>} : memref<80x128xbf16, #tpu.memory_space<vmem>>, vector<32xbf16>,
        %mul3A_383 = arith.mulf %get3A_382, %pack3A_358 : vector<32xbf16>
        %swap3A_384 = arith.index_cast %add3A_353 : i32 to index
        %swap3A_385 = arith.constant 96 : index
        %swap3A_386 = tpu.vector_load %arg14[%swap3A_384, %swap3A_385] {strides = array<i32>} : memref<80x128xbf16, #tpu.memory_space<vmem>>, vector<32xbf16>,
        tpu.vector_store %arg14[%swap3A_384, %swap3A_385], %mul3A_383 {strides = array<i32>} : memref<80x128xbf16, #tpu.memory_space<vmem>>, vector<32xbf16>,
        %mul3A_387 = arith.constant 4 : i32
        %mul3A_388 = arith.muli %scan3A_313, %mul3A_387 : i32
        %add3A_389 = arith.constant 2 : i32
        %add3A_390 = arith.addi %mul3A_388, %add3A_389 : i32
        %broadcast_in_dim3A_391 = vector.broadcast %add3A_167 : i32 to vector<16xi32>
        %broadcast_in_dim3A_392 = vector.broadcast %add3A_390 : i32 to vector<16xi32>
        %gather3A_393 = tpu.vector_load_idx %arg11[%broadcast_in_dim3A_391, %broadcast_in_dim3A_392] : memref<125x80xf32, #tpu.memory_space<vmem>>[vector<16xi32>, vector<16xi32>], vector<16xf32>,
        %mul3A_394 = arith.mulf %gather3A_393, %div3A : vector<16xf32>
        %pack3A_395 = tpu.pack_subelements %mul3A_394, %mul3A_394 {pack_format = #tpu.pack_format<interleaved>, positions = array<i32: 0, 1>} : vector<16xf32>, vector<16xf32> -> vector<32xbf16>
        %get3A_396 = arith.index_cast %add3A_390 : i32 to index
        %get3A_397 = arith.constant 0 : index
        %get3A_398 = tpu.vector_load %arg14[%get3A_396, %get3A_397] {strides = array<i32>} : memref<80x128xbf16, #tpu.memory_space<vmem>>, vector<32xbf16>,
        %mul3A_399 = arith.mulf %get3A_398, %pack3A_395 : vector<32xbf16>
        %swap3A_400 = arith.index_cast %add3A_390 : i32 to index
        %swap3A_401 = arith.constant 0 : index
        %swap3A_402 = tpu.vector_load %arg14[%swap3A_400, %swap3A_401] {strides = array<i32>} : memref<80x128xbf16, #tpu.memory_space<vmem>>, vector<32xbf16>,
        tpu.vector_store %arg14[%swap3A_400, %swap3A_401], %mul3A_399 {strides = array<i32>} : memref<80x128xbf16, #tpu.memory_space<vmem>>, vector<32xbf16>,
        %get3A_403 = arith.index_cast %add3A_390 : i32 to index
        %get3A_404 = arith.constant 32 : index
        %get3A_405 = tpu.vector_load %arg14[%get3A_403, %get3A_404] {strides = array<i32>} : memref<80x128xbf16, #tpu.memory_space<vmem>>, vector<32xbf16>,
        %mul3A_406 = arith.mulf %get3A_405, %pack3A_395 : vector<32xbf16>
        %swap3A_407 = arith.index_cast %add3A_390 : i32 to index
        %swap3A_408 = arith.constant 32 : index
        %swap3A_409 = tpu.vector_load %arg14[%swap3A_407, %swap3A_408] {strides = array<i32>} : memref<80x128xbf16, #tpu.memory_space<vmem>>, vector<32xbf16>,
        tpu.vector_store %arg14[%swap3A_407, %swap3A_408], %mul3A_406 {strides = array<i32>} : memref<80x128xbf16, #tpu.memory_space<vmem>>, vector<32xbf16>,
        %get3A_410 = arith.index_cast %add3A_390 : i32 to index
        %get3A_411 = arith.constant 64 : index
        %get3A_412 = tpu.vector_load %arg14[%get3A_410, %get3A_411] {strides = array<i32>} : memref<80x128xbf16, #tpu.memory_space<vmem>>, vector<32xbf16>,
        %mul3A_413 = arith.mulf %get3A_412, %pack3A_395 : vector<32xbf16>
        %swap3A_414 = arith.index_cast %add3A_390 : i32 to index
        %swap3A_415 = arith.constant 64 : index
        %swap3A_416 = tpu.vector_load %arg14[%swap3A_414, %swap3A_415] {strides = array<i32>} : memref<80x128xbf16, #tpu.memory_space<vmem>>, vector<32xbf16>,
        tpu.vector_store %arg14[%swap3A_414, %swap3A_415], %mul3A_413 {strides = array<i32>} : memref<80x128xbf16, #tpu.memory_space<vmem>>, vector<32xbf16>,
        %get3A_417 = arith.index_cast %add3A_390 : i32 to index
        %get3A_418 = arith.constant 96 : index
        %get3A_419 = tpu.vector_load %arg14[%get3A_417, %get3A_418] {strides = array<i32>} : memref<80x128xbf16, #tpu.memory_space<vmem>>, vector<32xbf16>,
        %mul3A_420 = arith.mulf %get3A_419, %pack3A_395 : vector<32xbf16>
        %swap3A_421 = arith.index_cast %add3A_390 : i32 to index
        %swap3A_422 = arith.constant 96 : index
        %swap3A_423 = tpu.vector_load %arg14[%swap3A_421, %swap3A_422] {strides = array<i32>} : memref<80x128xbf16, #tpu.memory_space<vmem>>, vector<32xbf16>,
        tpu.vector_store %arg14[%swap3A_421, %swap3A_422], %mul3A_420 {strides = array<i32>} : memref<80x128xbf16, #tpu.memory_space<vmem>>, vector<32xbf16>,
        %mul3A_424 = arith.constant 4 : i32
        %mul3A_425 = arith.muli %scan3A_313, %mul3A_424 : i32
        %add3A_426 = arith.constant 3 : i32
        %add3A_427 = arith.addi %mul3A_425, %add3A_426 : i32
        %broadcast_in_dim3A_428 = vector.broadcast %add3A_167 : i32 to vector<16xi32>
        %broadcast_in_dim3A_429 = vector.broadcast %add3A_427 : i32 to vector<16xi32>
        %gather3A_430 = tpu.vector_load_idx %arg11[%broadcast_in_dim3A_428, %broadcast_in_dim3A_429] : memref<125x80xf32, #tpu.memory_space<vmem>>[vector<16xi32>, vector<16xi32>], vector<16xf32>,
        %mul3A_431 = arith.mulf %gather3A_430, %div3A : vector<16xf32>
        %pack3A_432 = tpu.pack_subelements %mul3A_431, %mul3A_431 {pack_format = #tpu.pack_format<interleaved>, positions = array<i32: 0, 1>} : vector<16xf32>, vector<16xf32> -> vector<32xbf16>
        %get3A_433 = arith.index_cast %add3A_427 : i32 to index
        %get3A_434 = arith.constant 0 : index
        %get3A_435 = tpu.vector_load %arg14[%get3A_433, %get3A_434] {strides = array<i32>} : memref<80x128xbf16, #tpu.memory_space<vmem>>, vector<32xbf16>,
        %mul3A_436 = arith.mulf %get3A_435, %pack3A_432 : vector<32xbf16>
        %swap3A_437 = arith.index_cast %add3A_427 : i32 to index
        %swap3A_438 = arith.constant 0 : index
        %swap3A_439 = tpu.vector_load %arg14[%swap3A_437, %swap3A_438] {strides = array<i32>} : memref<80x128xbf16, #tpu.memory_space<vmem>>, vector<32xbf16>,
        tpu.vector_store %arg14[%swap3A_437, %swap3A_438], %mul3A_436 {strides = array<i32>} : memref<80x128xbf16, #tpu.memory_space<vmem>>, vector<32xbf16>,
        %get3A_440 = arith.index_cast %add3A_427 : i32 to index
        %get3A_441 = arith.constant 32 : index
        %get3A_442 = tpu.vector_load %arg14[%get3A_440, %get3A_441] {strides = array<i32>} : memref<80x128xbf16, #tpu.memory_space<vmem>>, vector<32xbf16>,
        %mul3A_443 = arith.mulf %get3A_442, %pack3A_432 : vector<32xbf16>
        %swap3A_444 = arith.index_cast %add3A_427 : i32 to index
        %swap3A_445 = arith.constant 32 : index
        %swap3A_446 = tpu.vector_load %arg14[%swap3A_444, %swap3A_445] {strides = array<i32>} : memref<80x128xbf16, #tpu.memory_space<vmem>>, vector<32xbf16>,
        tpu.vector_store %arg14[%swap3A_444, %swap3A_445], %mul3A_443 {strides = array<i32>} : memref<80x128xbf16, #tpu.memory_space<vmem>>, vector<32xbf16>,
        %get3A_447 = arith.index_cast %add3A_427 : i32 to index
        %get3A_448 = arith.constant 64 : index
        %get3A_449 = tpu.vector_load %arg14[%get3A_447, %get3A_448] {strides = array<i32>} : memref<80x128xbf16, #tpu.memory_space<vmem>>, vector<32xbf16>,
        %mul3A_450 = arith.mulf %get3A_449, %pack3A_432 : vector<32xbf16>
        %swap3A_451 = arith.index_cast %add3A_427 : i32 to index
        %swap3A_452 = arith.constant 64 : index
        %swap3A_453 = tpu.vector_load %arg14[%swap3A_451, %swap3A_452] {strides = array<i32>} : memref<80x128xbf16, #tpu.memory_space<vmem>>, vector<32xbf16>,
        tpu.vector_store %arg14[%swap3A_451, %swap3A_452], %mul3A_450 {strides = array<i32>} : memref<80x128xbf16, #tpu.memory_space<vmem>>, vector<32xbf16>,
        %get3A_454 = arith.index_cast %add3A_427 : i32 to index
        %get3A_455 = arith.constant 96 : index
        %get3A_456 = tpu.vector_load %arg14[%get3A_454, %get3A_455] {strides = array<i32>} : memref<80x128xbf16, #tpu.memory_space<vmem>>, vector<32xbf16>,
        %mul3A_457 = arith.mulf %get3A_456, %pack3A_432 : vector<32xbf16>
        %swap3A_458 = arith.index_cast %add3A_427 : i32 to index
        %swap3A_459 = arith.constant 96 : index
        %swap3A_460 = tpu.vector_load %arg14[%swap3A_458, %swap3A_459] {strides = array<i32>} : memref<80x128xbf16, #tpu.memory_space<vmem>>, vector<32xbf16>,
        tpu.vector_store %arg14[%swap3A_458, %swap3A_459], %mul3A_457 {strides = array<i32>} : memref<80x128xbf16, #tpu.memory_space<vmem>>, vector<32xbf16>,
        %scan3A_461 = arith.constant 0 : i32
        scf.yield %scan3A_461 : i32
      }
      %scan3A_180 = arith.constant 20 : i32
      %dma_start3A_181 = arith.constant 0 : i32
      %dma_start3A_182 = tpu.memref_slice %arg9[%add3A_167, %dma_start3A_181] : memref<125x80xi32, #tpu.memory_space<vmem>> -> memref<1x80xi32, #tpu.memory_space<vmem>>
      %dma_start3A_183 = tpu.memref_squeeze %dma_start3A_182 : memref<1x80xi32, #tpu.memory_space<vmem>> -> memref<80xi32, #tpu.memory_space<vmem>>
      %dma_start3A_184 = arith.constant 0 : i32
      %dma_start3A_185 = arith.constant 0 : i32
      %dma_start3A_186 = tpu.memref_slice %arg20[%dma_start3A_184, %dma_start3A_185] : memref<10000x128xbf16, #tpu.memory_space<vmem_shared>> -> memref<10000x128xbf16, #tpu.memory_space<vmem_shared>>
      tpu.enqueue_indirect_dma source(%arg14 : memref<80x128xbf16, #tpu.memory_space<vmem>>) target(%dma_start3A_186 : memref<10000x128xbf16, #tpu.memory_space<vmem_shared>>) offsets(%dma_start3A_183 : memref<80xi32, #tpu.memory_space<vmem>>) semaphore(%arg28 : memref<!tpu.dma_semaphore, #tpu.memory_space<semaphore_mem>>) {add = true}
      %ge3A_187 = arith.constant 1 : i32
      %ge3A_188 = arith.cmpi sge, %add3A_167, %ge3A_187 : i32
      %convert_element_type3A_189 = arith.extui %ge3A_188 : i1 to i32
      %cond3A_190 = arith.constant 0 : i32
      %cond3A_191 = arith.cmpi ne, %convert_element_type3A_189, %cond3A_190 : i32
      scf.if %cond3A_191 {
        %sub3A_313 = arith.constant 1 : i32
        %sub3A_314 = arith.subi %add3A_167, %sub3A_313 : i32
        %dma_wait3A_315 = arith.constant 0 : i32
        %dma_wait3A_316 = tpu.memref_slice %arg9[%sub3A_314, %dma_wait3A_315] : memref<125x80xi32, #tpu.memory_space<vmem>> -> memref<1x80xi32, #tpu.memory_space<vmem>>
        %dma_wait3A_317 = tpu.memref_squeeze %dma_wait3A_316 : memref<1x80xi32, #tpu.memory_space<vmem>> -> memref<80xi32, #tpu.memory_space<vmem>>
        %dma_wait3A_318 = arith.constant 0 : i32
        %dma_wait3A_319 = arith.constant 0 : i32
        %dma_wait3A_320 = tpu.memref_slice %arg20[%dma_wait3A_318, %dma_wait3A_319] : memref<10000x128xbf16, #tpu.memory_space<vmem_shared>> -> memref<10000x128xbf16, #tpu.memory_space<vmem_shared>>
        tpu.wait_indirect_dma semaphore(%arg27 : memref<!tpu.dma_semaphore, #tpu.memory_space<semaphore_mem>>) src(%arg13 : memref<80x128xbf16, #tpu.memory_space<vmem>>) dst(%dma_wait3A_320 : memref<10000x128xbf16, #tpu.memory_space<vmem_shared>>)
      } else {
      }
      %add3A_192 = arith.constant 5 : i32
      %add3A_193 = arith.addi %add3A_167, %add3A_192 : i32
      %sub3A_194 = arith.constant 1 : i32
      %sub3A_195 = arith.subi %add3A_193, %sub3A_194 : i32
      %lt3A_196 = arith.constant 125 : i32
      %lt3A_197 = arith.cmpi slt, %sub3A_195, %lt3A_196 : i32
      %convert_element_type3A_198 = arith.extui %lt3A_197 : i1 to i32
      %cond3A_199 = arith.constant 0 : i32
      %cond3A_200 = arith.cmpi ne, %convert_element_type3A_198, %cond3A_199 : i32
      scf.if %cond3A_200 {
        %add3A_313 = arith.constant 5 : i32
        %add3A_314 = arith.addi %add3A_167, %add3A_313 : i32
        %sub3A_315 = arith.constant 1 : i32
        %sub3A_316 = arith.subi %add3A_314, %sub3A_315 : i32
        %dma_start3A_317 = arith.constant 0 : i32
        %dma_start3A_318 = tpu.memref_slice %arg10[%sub3A_316, %dma_start3A_317] : memref<125x80xi32, #tpu.memory_space<vmem>> -> memref<1x80xi32, #tpu.memory_space<vmem>>
        %dma_start3A_319 = tpu.memref_squeeze %dma_start3A_318 : memref<1x80xi32, #tpu.memory_space<vmem>> -> memref<80xi32, #tpu.memory_space<vmem>>
        %dma_start3A_320 = arith.constant 0 : i32
        %dma_start3A_321 = arith.constant 0 : i32
        %dma_start3A_322 = tpu.memref_slice %arg2[%dma_start3A_320, %dma_start3A_321] : memref<20000x128xbf16, #tpu.memory_space<hbm>> -> memref<20000x128xbf16, #tpu.memory_space<hbm>>
        tpu.enqueue_indirect_dma source(%dma_start3A_322 : memref<20000x128xbf16, #tpu.memory_space<hbm>>) target(%arg13 : memref<80x128xbf16, #tpu.memory_space<vmem>>) offsets(%dma_start3A_319 : memref<80xi32, #tpu.memory_space<vmem>>) semaphore(%arg22 : memref<!tpu.dma_semaphore, #tpu.memory_space<semaphore_mem>>)
      } else {
      }
      %mul3A_201 = arith.constant 5 : i32
      %mul3A_202 = arith.muli %mul3A_201, %scan3A_127 : i32
      %add3A_203 = arith.constant 2 : i32
      %add3A_204 = arith.addi %mul3A_202, %add3A_203 : i32
      %dma_wait3A_205 = arith.constant 0 : i32
      %dma_wait3A_206 = tpu.memref_slice %arg10[%add3A_204, %dma_wait3A_205] : memref<125x80xi32, #tpu.memory_space<vmem>> -> memref<1x80xi32, #tpu.memory_space<vmem>>
      %dma_wait3A_207 = tpu.memref_squeeze %dma_wait3A_206 : memref<1x80xi32, #tpu.memory_space<vmem>> -> memref<80xi32, #tpu.memory_space<vmem>>
      %dma_wait3A_208 = arith.constant 0 : i32
      %dma_wait3A_209 = arith.constant 0 : i32
      %dma_wait3A_210 = tpu.memref_slice %arg2[%dma_wait3A_208, %dma_wait3A_209] : memref<20000x128xbf16, #tpu.memory_space<hbm>> -> memref<20000x128xbf16, #tpu.memory_space<hbm>>
      tpu.wait_indirect_dma semaphore(%arg24 : memref<!tpu.dma_semaphore, #tpu.memory_space<semaphore_mem>>) src(%dma_wait3A_210 : memref<20000x128xbf16, #tpu.memory_space<hbm>>) dst(%arg15 : memref<80x128xbf16, #tpu.memory_space<vmem>>)
      %scan3A_211 = arith.constant 0 : i32
      %scan3A_212 = arith.constant 0 : i32
      %scan3A_213 = arith.constant 20 : i32
      %scan3A_214 = arith.addi %scan3A_212, %scan3A_213 : i32
      %scan3A_215 = arith.constant 1 : i32
      %scan3A_216 = scf.for %scan3A_313 = %scan3A_212 to %scan3A_214 step %scan3A_215 iter_args(%scan3A_314 = %scan3A_211) -> (i32)  : i32 {
        %mul3A_315 = arith.constant 4 : i32
        %mul3A_316 = arith.muli %scan3A_313, %mul3A_315 : i32
        %add3A_317 = arith.constant 0 : i32
        %add3A_318 = arith.addi %mul3A_316, %add3A_317 : i32
        %broadcast_in_dim3A_319 = vector.broadcast %add3A_204 : i32 to vector<16xi32>
        %broadcast_in_dim3A_320 = vector.broadcast %add3A_318 : i32 to vector<16xi32>
        %gather3A = tpu.vector_load_idx %arg11[%broadcast_in_dim3A_319, %broadcast_in_dim3A_320] : memref<125x80xf32, #tpu.memory_space<vmem>>[vector<16xi32>, vector<16xi32>], vector<16xf32>,
        %mul3A_321 = arith.mulf %gather3A, %div3A : vector<16xf32>
        %pack3A = tpu.pack_subelements %mul3A_321, %mul3A_321 {pack_format = #tpu.pack_format<interleaved>, positions = array<i32: 0, 1>} : vector<16xf32>, vector<16xf32> -> vector<32xbf16>
        %get3A_322 = arith.index_cast %add3A_318 : i32 to index
        %get3A_323 = arith.constant 0 : index
        %get3A_324 = tpu.vector_load %arg15[%get3A_322, %get3A_323] {strides = array<i32>} : memref<80x128xbf16, #tpu.memory_space<vmem>>, vector<32xbf16>,
        %mul3A_325 = arith.mulf %get3A_324, %pack3A : vector<32xbf16>
        %swap3A_326 = arith.index_cast %add3A_318 : i32 to index
        %swap3A_327 = arith.constant 0 : index
        %swap3A_328 = tpu.vector_load %arg15[%swap3A_326, %swap3A_327] {strides = array<i32>} : memref<80x128xbf16, #tpu.memory_space<vmem>>, vector<32xbf16>,
        tpu.vector_store %arg15[%swap3A_326, %swap3A_327], %mul3A_325 {strides = array<i32>} : memref<80x128xbf16, #tpu.memory_space<vmem>>, vector<32xbf16>,
        %get3A_329 = arith.index_cast %add3A_318 : i32 to index
        %get3A_330 = arith.constant 32 : index
        %get3A_331 = tpu.vector_load %arg15[%get3A_329, %get3A_330] {strides = array<i32>} : memref<80x128xbf16, #tpu.memory_space<vmem>>, vector<32xbf16>,
        %mul3A_332 = arith.mulf %get3A_331, %pack3A : vector<32xbf16>
        %swap3A_333 = arith.index_cast %add3A_318 : i32 to index
        %swap3A_334 = arith.constant 32 : index
        %swap3A_335 = tpu.vector_load %arg15[%swap3A_333, %swap3A_334] {strides = array<i32>} : memref<80x128xbf16, #tpu.memory_space<vmem>>, vector<32xbf16>,
        tpu.vector_store %arg15[%swap3A_333, %swap3A_334], %mul3A_332 {strides = array<i32>} : memref<80x128xbf16, #tpu.memory_space<vmem>>, vector<32xbf16>,
        %get3A_336 = arith.index_cast %add3A_318 : i32 to index
        %get3A_337 = arith.constant 64 : index
        %get3A_338 = tpu.vector_load %arg15[%get3A_336, %get3A_337] {strides = array<i32>} : memref<80x128xbf16, #tpu.memory_space<vmem>>, vector<32xbf16>,
        %mul3A_339 = arith.mulf %get3A_338, %pack3A : vector<32xbf16>
        %swap3A_340 = arith.index_cast %add3A_318 : i32 to index
        %swap3A_341 = arith.constant 64 : index
        %swap3A_342 = tpu.vector_load %arg15[%swap3A_340, %swap3A_341] {strides = array<i32>} : memref<80x128xbf16, #tpu.memory_space<vmem>>, vector<32xbf16>,
        tpu.vector_store %arg15[%swap3A_340, %swap3A_341], %mul3A_339 {strides = array<i32>} : memref<80x128xbf16, #tpu.memory_space<vmem>>, vector<32xbf16>,
        %get3A_343 = arith.index_cast %add3A_318 : i32 to index
        %get3A_344 = arith.constant 96 : index
        %get3A_345 = tpu.vector_load %arg15[%get3A_343, %get3A_344] {strides = array<i32>} : memref<80x128xbf16, #tpu.memory_space<vmem>>, vector<32xbf16>,
        %mul3A_346 = arith.mulf %get3A_345, %pack3A : vector<32xbf16>
        %swap3A_347 = arith.index_cast %add3A_318 : i32 to index
        %swap3A_348 = arith.constant 96 : index
        %swap3A_349 = tpu.vector_load %arg15[%swap3A_347, %swap3A_348] {strides = array<i32>} : memref<80x128xbf16, #tpu.memory_space<vmem>>, vector<32xbf16>,
        tpu.vector_store %arg15[%swap3A_347, %swap3A_348], %mul3A_346 {strides = array<i32>} : memref<80x128xbf16, #tpu.memory_space<vmem>>, vector<32xbf16>,
        %mul3A_350 = arith.constant 4 : i32
        %mul3A_351 = arith.muli %scan3A_313, %mul3A_350 : i32
        %add3A_352 = arith.constant 1 : i32
        %add3A_353 = arith.addi %mul3A_351, %add3A_352 : i32
        %broadcast_in_dim3A_354 = vector.broadcast %add3A_204 : i32 to vector<16xi32>
        %broadcast_in_dim3A_355 = vector.broadcast %add3A_353 : i32 to vector<16xi32>
        %gather3A_356 = tpu.vector_load_idx %arg11[%broadcast_in_dim3A_354, %broadcast_in_dim3A_355] : memref<125x80xf32, #tpu.memory_space<vmem>>[vector<16xi32>, vector<16xi32>], vector<16xf32>,
        %mul3A_357 = arith.mulf %gather3A_356, %div3A : vector<16xf32>
        %pack3A_358 = tpu.pack_subelements %mul3A_357, %mul3A_357 {pack_format = #tpu.pack_format<interleaved>, positions = array<i32: 0, 1>} : vector<16xf32>, vector<16xf32> -> vector<32xbf16>
        %get3A_359 = arith.index_cast %add3A_353 : i32 to index
        %get3A_360 = arith.constant 0 : index
        %get3A_361 = tpu.vector_load %arg15[%get3A_359, %get3A_360] {strides = array<i32>} : memref<80x128xbf16, #tpu.memory_space<vmem>>, vector<32xbf16>,
        %mul3A_362 = arith.mulf %get3A_361, %pack3A_358 : vector<32xbf16>
        %swap3A_363 = arith.index_cast %add3A_353 : i32 to index
        %swap3A_364 = arith.constant 0 : index
        %swap3A_365 = tpu.vector_load %arg15[%swap3A_363, %swap3A_364] {strides = array<i32>} : memref<80x128xbf16, #tpu.memory_space<vmem>>, vector<32xbf16>,
        tpu.vector_store %arg15[%swap3A_363, %swap3A_364], %mul3A_362 {strides = array<i32>} : memref<80x128xbf16, #tpu.memory_space<vmem>>, vector<32xbf16>,
        %get3A_366 = arith.index_cast %add3A_353 : i32 to index
        %get3A_367 = arith.constant 32 : index
        %get3A_368 = tpu.vector_load %arg15[%get3A_366, %get3A_367] {strides = array<i32>} : memref<80x128xbf16, #tpu.memory_space<vmem>>, vector<32xbf16>,
        %mul3A_369 = arith.mulf %get3A_368, %pack3A_358 : vector<32xbf16>
        %swap3A_370 = arith.index_cast %add3A_353 : i32 to index
        %swap3A_371 = arith.constant 32 : index
        %swap3A_372 = tpu.vector_load %arg15[%swap3A_370, %swap3A_371] {strides = array<i32>} : memref<80x128xbf16, #tpu.memory_space<vmem>>, vector<32xbf16>,
        tpu.vector_store %arg15[%swap3A_370, %swap3A_371], %mul3A_369 {strides = array<i32>} : memref<80x128xbf16, #tpu.memory_space<vmem>>, vector<32xbf16>,
        %get3A_373 = arith.index_cast %add3A_353 : i32 to index
        %get3A_374 = arith.constant 64 : index
        %get3A_375 = tpu.vector_load %arg15[%get3A_373, %get3A_374] {strides = array<i32>} : memref<80x128xbf16, #tpu.memory_space<vmem>>, vector<32xbf16>,
        %mul3A_376 = arith.mulf %get3A_375, %pack3A_358 : vector<32xbf16>
        %swap3A_377 = arith.index_cast %add3A_353 : i32 to index
        %swap3A_378 = arith.constant 64 : index
        %swap3A_379 = tpu.vector_load %arg15[%swap3A_377, %swap3A_378] {strides = array<i32>} : memref<80x128xbf16, #tpu.memory_space<vmem>>, vector<32xbf16>,
        tpu.vector_store %arg15[%swap3A_377, %swap3A_378], %mul3A_376 {strides = array<i32>} : memref<80x128xbf16, #tpu.memory_space<vmem>>, vector<32xbf16>,
        %get3A_380 = arith.index_cast %add3A_353 : i32 to index
        %get3A_381 = arith.constant 96 : index
        %get3A_382 = tpu.vector_load %arg15[%get3A_380, %get3A_381] {strides = array<i32>} : memref<80x128xbf16, #tpu.memory_space<vmem>>, vector<32xbf16>,
        %mul3A_383 = arith.mulf %get3A_382, %pack3A_358 : vector<32xbf16>
        %swap3A_384 = arith.index_cast %add3A_353 : i32 to index
        %swap3A_385 = arith.constant 96 : index
        %swap3A_386 = tpu.vector_load %arg15[%swap3A_384, %swap3A_385] {strides = array<i32>} : memref<80x128xbf16, #tpu.memory_space<vmem>>, vector<32xbf16>,
        tpu.vector_store %arg15[%swap3A_384, %swap3A_385], %mul3A_383 {strides = array<i32>} : memref<80x128xbf16, #tpu.memory_space<vmem>>, vector<32xbf16>,
        %mul3A_387 = arith.constant 4 : i32
        %mul3A_388 = arith.muli %scan3A_313, %mul3A_387 : i32
        %add3A_389 = arith.constant 2 : i32
        %add3A_390 = arith.addi %mul3A_388, %add3A_389 : i32
        %broadcast_in_dim3A_391 = vector.broadcast %add3A_204 : i32 to vector<16xi32>
        %broadcast_in_dim3A_392 = vector.broadcast %add3A_390 : i32 to vector<16xi32>
        %gather3A_393 = tpu.vector_load_idx %arg11[%broadcast_in_dim3A_391, %broadcast_in_dim3A_392] : memref<125x80xf32, #tpu.memory_space<vmem>>[vector<16xi32>, vector<16xi32>], vector<16xf32>,
        %mul3A_394 = arith.mulf %gather3A_393, %div3A : vector<16xf32>
        %pack3A_395 = tpu.pack_subelements %mul3A_394, %mul3A_394 {pack_format = #tpu.pack_format<interleaved>, positions = array<i32: 0, 1>} : vector<16xf32>, vector<16xf32> -> vector<32xbf16>
        %get3A_396 = arith.index_cast %add3A_390 : i32 to index
        %get3A_397 = arith.constant 0 : index
        %get3A_398 = tpu.vector_load %arg15[%get3A_396, %get3A_397] {strides = array<i32>} : memref<80x128xbf16, #tpu.memory_space<vmem>>, vector<32xbf16>,
        %mul3A_399 = arith.mulf %get3A_398, %pack3A_395 : vector<32xbf16>
        %swap3A_400 = arith.index_cast %add3A_390 : i32 to index
        %swap3A_401 = arith.constant 0 : index
        %swap3A_402 = tpu.vector_load %arg15[%swap3A_400, %swap3A_401] {strides = array<i32>} : memref<80x128xbf16, #tpu.memory_space<vmem>>, vector<32xbf16>,
        tpu.vector_store %arg15[%swap3A_400, %swap3A_401], %mul3A_399 {strides = array<i32>} : memref<80x128xbf16, #tpu.memory_space<vmem>>, vector<32xbf16>,
        %get3A_403 = arith.index_cast %add3A_390 : i32 to index
        %get3A_404 = arith.constant 32 : index
        %get3A_405 = tpu.vector_load %arg15[%get3A_403, %get3A_404] {strides = array<i32>} : memref<80x128xbf16, #tpu.memory_space<vmem>>, vector<32xbf16>,
        %mul3A_406 = arith.mulf %get3A_405, %pack3A_395 : vector<32xbf16>
        %swap3A_407 = arith.index_cast %add3A_390 : i32 to index
        %swap3A_408 = arith.constant 32 : index
        %swap3A_409 = tpu.vector_load %arg15[%swap3A_407, %swap3A_408] {strides = array<i32>} : memref<80x128xbf16, #tpu.memory_space<vmem>>, vector<32xbf16>,
        tpu.vector_store %arg15[%swap3A_407, %swap3A_408], %mul3A_406 {strides = array<i32>} : memref<80x128xbf16, #tpu.memory_space<vmem>>, vector<32xbf16>,
        %get3A_410 = arith.index_cast %add3A_390 : i32 to index
        %get3A_411 = arith.constant 64 : index
        %get3A_412 = tpu.vector_load %arg15[%get3A_410, %get3A_411] {strides = array<i32>} : memref<80x128xbf16, #tpu.memory_space<vmem>>, vector<32xbf16>,
        %mul3A_413 = arith.mulf %get3A_412, %pack3A_395 : vector<32xbf16>
        %swap3A_414 = arith.index_cast %add3A_390 : i32 to index
        %swap3A_415 = arith.constant 64 : index
        %swap3A_416 = tpu.vector_load %arg15[%swap3A_414, %swap3A_415] {strides = array<i32>} : memref<80x128xbf16, #tpu.memory_space<vmem>>, vector<32xbf16>,
        tpu.vector_store %arg15[%swap3A_414, %swap3A_415], %mul3A_413 {strides = array<i32>} : memref<80x128xbf16, #tpu.memory_space<vmem>>, vector<32xbf16>,
        %get3A_417 = arith.index_cast %add3A_390 : i32 to index
        %get3A_418 = arith.constant 96 : index
        %get3A_419 = tpu.vector_load %arg15[%get3A_417, %get3A_418] {strides = array<i32>} : memref<80x128xbf16, #tpu.memory_space<vmem>>, vector<32xbf16>,
        %mul3A_420 = arith.mulf %get3A_419, %pack3A_395 : vector<32xbf16>
        %swap3A_421 = arith.index_cast %add3A_390 : i32 to index
        %swap3A_422 = arith.constant 96 : index
        %swap3A_423 = tpu.vector_load %arg15[%swap3A_421, %swap3A_422] {strides = array<i32>} : memref<80x128xbf16, #tpu.memory_space<vmem>>, vector<32xbf16>,
        tpu.vector_store %arg15[%swap3A_421, %swap3A_422], %mul3A_420 {strides = array<i32>} : memref<80x128xbf16, #tpu.memory_space<vmem>>, vector<32xbf16>,
        %mul3A_424 = arith.constant 4 : i32
        %mul3A_425 = arith.muli %scan3A_313, %mul3A_424 : i32
        %add3A_426 = arith.constant 3 : i32
        %add3A_427 = arith.addi %mul3A_425, %add3A_426 : i32
        %broadcast_in_dim3A_428 = vector.broadcast %add3A_204 : i32 to vector<16xi32>
        %broadcast_in_dim3A_429 = vector.broadcast %add3A_427 : i32 to vector<16xi32>
        %gather3A_430 = tpu.vector_load_idx %arg11[%broadcast_in_dim3A_428, %broadcast_in_dim3A_429] : memref<125x80xf32, #tpu.memory_space<vmem>>[vector<16xi32>, vector<16xi32>], vector<16xf32>,
        %mul3A_431 = arith.mulf %gather3A_430, %div3A : vector<16xf32>
        %pack3A_432 = tpu.pack_subelements %mul3A_431, %mul3A_431 {pack_format = #tpu.pack_format<interleaved>, positions = array<i32: 0, 1>} : vector<16xf32>, vector<16xf32> -> vector<32xbf16>
        %get3A_433 = arith.index_cast %add3A_427 : i32 to index
        %get3A_434 = arith.constant 0 : index
        %get3A_435 = tpu.vector_load %arg15[%get3A_433, %get3A_434] {strides = array<i32>} : memref<80x128xbf16, #tpu.memory_space<vmem>>, vector<32xbf16>,
        %mul3A_436 = arith.mulf %get3A_435, %pack3A_432 : vector<32xbf16>
        %swap3A_437 = arith.index_cast %add3A_427 : i32 to index
        %swap3A_438 = arith.constant 0 : index
        %swap3A_439 = tpu.vector_load %arg15[%swap3A_437, %swap3A_438] {strides = array<i32>} : memref<80x128xbf16, #tpu.memory_space<vmem>>, vector<32xbf16>,
        tpu.vector_store %arg15[%swap3A_437, %swap3A_438], %mul3A_436 {strides = array<i32>} : memref<80x128xbf16, #tpu.memory_space<vmem>>, vector<32xbf16>,
        %get3A_440 = arith.index_cast %add3A_427 : i32 to index
        %get3A_441 = arith.constant 32 : index
        %get3A_442 = tpu.vector_load %arg15[%get3A_440, %get3A_441] {strides = array<i32>} : memref<80x128xbf16, #tpu.memory_space<vmem>>, vector<32xbf16>,
        %mul3A_443 = arith.mulf %get3A_442, %pack3A_432 : vector<32xbf16>
        %swap3A_444 = arith.index_cast %add3A_427 : i32 to index
        %swap3A_445 = arith.constant 32 : index
        %swap3A_446 = tpu.vector_load %arg15[%swap3A_444, %swap3A_445] {strides = array<i32>} : memref<80x128xbf16, #tpu.memory_space<vmem>>, vector<32xbf16>,
        tpu.vector_store %arg15[%swap3A_444, %swap3A_445], %mul3A_443 {strides = array<i32>} : memref<80x128xbf16, #tpu.memory_space<vmem>>, vector<32xbf16>,
        %get3A_447 = arith.index_cast %add3A_427 : i32 to index
        %get3A_448 = arith.constant 64 : index
        %get3A_449 = tpu.vector_load %arg15[%get3A_447, %get3A_448] {strides = array<i32>} : memref<80x128xbf16, #tpu.memory_space<vmem>>, vector<32xbf16>,
        %mul3A_450 = arith.mulf %get3A_449, %pack3A_432 : vector<32xbf16>
        %swap3A_451 = arith.index_cast %add3A_427 : i32 to index
        %swap3A_452 = arith.constant 64 : index
        %swap3A_453 = tpu.vector_load %arg15[%swap3A_451, %swap3A_452] {strides = array<i32>} : memref<80x128xbf16, #tpu.memory_space<vmem>>, vector<32xbf16>,
        tpu.vector_store %arg15[%swap3A_451, %swap3A_452], %mul3A_450 {strides = array<i32>} : memref<80x128xbf16, #tpu.memory_space<vmem>>, vector<32xbf16>,
        %get3A_454 = arith.index_cast %add3A_427 : i32 to index
        %get3A_455 = arith.constant 96 : index
        %get3A_456 = tpu.vector_load %arg15[%get3A_454, %get3A_455] {strides = array<i32>} : memref<80x128xbf16, #tpu.memory_space<vmem>>, vector<32xbf16>,
        %mul3A_457 = arith.mulf %get3A_456, %pack3A_432 : vector<32xbf16>
        %swap3A_458 = arith.index_cast %add3A_427 : i32 to index
        %swap3A_459 = arith.constant 96 : index
        %swap3A_460 = tpu.vector_load %arg15[%swap3A_458, %swap3A_459] {strides = array<i32>} : memref<80x128xbf16, #tpu.memory_space<vmem>>, vector<32xbf16>,
        tpu.vector_store %arg15[%swap3A_458, %swap3A_459], %mul3A_457 {strides = array<i32>} : memref<80x128xbf16, #tpu.memory_space<vmem>>, vector<32xbf16>,
        %scan3A_461 = arith.constant 0 : i32
        scf.yield %scan3A_461 : i32
      }
      %scan3A_217 = arith.constant 20 : i32
      %dma_start3A_218 = arith.constant 0 : i32
      %dma_start3A_219 = tpu.memref_slice %arg9[%add3A_204, %dma_start3A_218] : memref<125x80xi32, #tpu.memory_space<vmem>> -> memref<1x80xi32, #tpu.memory_space<vmem>>
      %dma_start3A_220 = tpu.memref_squeeze %dma_start3A_219 : memref<1x80xi32, #tpu.memory_space<vmem>> -> memref<80xi32, #tpu.memory_space<vmem>>
      %dma_start3A_221 = arith.constant 0 : i32
      %dma_start3A_222 = arith.constant 0 : i32
      %dma_start3A_223 = tpu.memref_slice %arg20[%dma_start3A_221, %dma_start3A_222] : memref<10000x128xbf16, #tpu.memory_space<vmem_shared>> -> memref<10000x128xbf16, #tpu.memory_space<vmem_shared>>
      tpu.enqueue_indirect_dma source(%arg15 : memref<80x128xbf16, #tpu.memory_space<vmem>>) target(%dma_start3A_223 : memref<10000x128xbf16, #tpu.memory_space<vmem_shared>>) offsets(%dma_start3A_220 : memref<80xi32, #tpu.memory_space<vmem>>) semaphore(%arg29 : memref<!tpu.dma_semaphore, #tpu.memory_space<semaphore_mem>>) {add = true}
      %ge3A_224 = arith.constant 1 : i32
      %ge3A_225 = arith.cmpi sge, %add3A_204, %ge3A_224 : i32
      %convert_element_type3A_226 = arith.extui %ge3A_225 : i1 to i32
      %cond3A_227 = arith.constant 0 : i32
      %cond3A_228 = arith.cmpi ne, %convert_element_type3A_226, %cond3A_227 : i32
      scf.if %cond3A_228 {
        %sub3A_313 = arith.constant 1 : i32
        %sub3A_314 = arith.subi %add3A_204, %sub3A_313 : i32
        %dma_wait3A_315 = arith.constant 0 : i32
        %dma_wait3A_316 = tpu.memref_slice %arg9[%sub3A_314, %dma_wait3A_315] : memref<125x80xi32, #tpu.memory_space<vmem>> -> memref<1x80xi32, #tpu.memory_space<vmem>>
        %dma_wait3A_317 = tpu.memref_squeeze %dma_wait3A_316 : memref<1x80xi32, #tpu.memory_space<vmem>> -> memref<80xi32, #tpu.memory_space<vmem>>
        %dma_wait3A_318 = arith.constant 0 : i32
        %dma_wait3A_319 = arith.constant 0 : i32
        %dma_wait3A_320 = tpu.memref_slice %arg20[%dma_wait3A_318, %dma_wait3A_319] : memref<10000x128xbf16, #tpu.memory_space<vmem_shared>> -> memref<10000x128xbf16, #tpu.memory_space<vmem_shared>>
        tpu.wait_indirect_dma semaphore(%arg28 : memref<!tpu.dma_semaphore, #tpu.memory_space<semaphore_mem>>) src(%arg14 : memref<80x128xbf16, #tpu.memory_space<vmem>>) dst(%dma_wait3A_320 : memref<10000x128xbf16, #tpu.memory_space<vmem_shared>>)
      } else {
      }
      %add3A_229 = arith.constant 5 : i32
      %add3A_230 = arith.addi %add3A_204, %add3A_229 : i32
      %sub3A_231 = arith.constant 1 : i32
      %sub3A_232 = arith.subi %add3A_230, %sub3A_231 : i32
      %lt3A_233 = arith.constant 125 : i32
      %lt3A_234 = arith.cmpi slt, %sub3A_232, %lt3A_233 : i32
      %convert_element_type3A_235 = arith.extui %lt3A_234 : i1 to i32
      %cond3A_236 = arith.constant 0 : i32
      %cond3A_237 = arith.cmpi ne, %convert_element_type3A_235, %cond3A_236 : i32
      scf.if %cond3A_237 {
        %add3A_313 = arith.constant 5 : i32
        %add3A_314 = arith.addi %add3A_204, %add3A_313 : i32
        %sub3A_315 = arith.constant 1 : i32
        %sub3A_316 = arith.subi %add3A_314, %sub3A_315 : i32
        %dma_start3A_317 = arith.constant 0 : i32
        %dma_start3A_318 = tpu.memref_slice %arg10[%sub3A_316, %dma_start3A_317] : memref<125x80xi32, #tpu.memory_space<vmem>> -> memref<1x80xi32, #tpu.memory_space<vmem>>
        %dma_start3A_319 = tpu.memref_squeeze %dma_start3A_318 : memref<1x80xi32, #tpu.memory_space<vmem>> -> memref<80xi32, #tpu.memory_space<vmem>>
        %dma_start3A_320 = arith.constant 0 : i32
        %dma_start3A_321 = arith.constant 0 : i32
        %dma_start3A_322 = tpu.memref_slice %arg2[%dma_start3A_320, %dma_start3A_321] : memref<20000x128xbf16, #tpu.memory_space<hbm>> -> memref<20000x128xbf16, #tpu.memory_space<hbm>>
        tpu.enqueue_indirect_dma source(%dma_start3A_322 : memref<20000x128xbf16, #tpu.memory_space<hbm>>) target(%arg14 : memref<80x128xbf16, #tpu.memory_space<vmem>>) offsets(%dma_start3A_319 : memref<80xi32, #tpu.memory_space<vmem>>) semaphore(%arg23 : memref<!tpu.dma_semaphore, #tpu.memory_space<semaphore_mem>>)
      } else {
      }
      %mul3A_238 = arith.constant 5 : i32
      %mul3A_239 = arith.muli %mul3A_238, %scan3A_127 : i32
      %add3A_240 = arith.constant 3 : i32
      %add3A_241 = arith.addi %mul3A_239, %add3A_240 : i32
      %dma_wait3A_242 = arith.constant 0 : i32
      %dma_wait3A_243 = tpu.memref_slice %arg10[%add3A_241, %dma_wait3A_242] : memref<125x80xi32, #tpu.memory_space<vmem>> -> memref<1x80xi32, #tpu.memory_space<vmem>>
      %dma_wait3A_244 = tpu.memref_squeeze %dma_wait3A_243 : memref<1x80xi32, #tpu.memory_space<vmem>> -> memref<80xi32, #tpu.memory_space<vmem>>
      %dma_wait3A_245 = arith.constant 0 : i32
      %dma_wait3A_246 = arith.constant 0 : i32
      %dma_wait3A_247 = tpu.memref_slice %arg2[%dma_wait3A_245, %dma_wait3A_246] : memref<20000x128xbf16, #tpu.memory_space<hbm>> -> memref<20000x128xbf16, #tpu.memory_space<hbm>>
      tpu.wait_indirect_dma semaphore(%arg25 : memref<!tpu.dma_semaphore, #tpu.memory_space<semaphore_mem>>) src(%dma_wait3A_247 : memref<20000x128xbf16, #tpu.memory_space<hbm>>) dst(%arg16 : memref<80x128xbf16, #tpu.memory_space<vmem>>)
      %scan3A_248 = arith.constant 0 : i32
      %scan3A_249 = arith.constant 0 : i32
      %scan3A_250 = arith.constant 20 : i32
      %scan3A_251 = arith.addi %scan3A_249, %scan3A_250 : i32
      %scan3A_252 = arith.constant 1 : i32
      %scan3A_253 = scf.for %scan3A_313 = %scan3A_249 to %scan3A_251 step %scan3A_252 iter_args(%scan3A_314 = %scan3A_248) -> (i32)  : i32 {
        %mul3A_315 = arith.constant 4 : i32
        %mul3A_316 = arith.muli %scan3A_313, %mul3A_315 : i32
        %add3A_317 = arith.constant 0 : i32
        %add3A_318 = arith.addi %mul3A_316, %add3A_317 : i32
        %broadcast_in_dim3A_319 = vector.broadcast %add3A_241 : i32 to vector<16xi32>
        %broadcast_in_dim3A_320 = vector.broadcast %add3A_318 : i32 to vector<16xi32>
        %gather3A = tpu.vector_load_idx %arg11[%broadcast_in_dim3A_319, %broadcast_in_dim3A_320] : memref<125x80xf32, #tpu.memory_space<vmem>>[vector<16xi32>, vector<16xi32>], vector<16xf32>,
        %mul3A_321 = arith.mulf %gather3A, %div3A : vector<16xf32>
        %pack3A = tpu.pack_subelements %mul3A_321, %mul3A_321 {pack_format = #tpu.pack_format<interleaved>, positions = array<i32: 0, 1>} : vector<16xf32>, vector<16xf32> -> vector<32xbf16>
        %get3A_322 = arith.index_cast %add3A_318 : i32 to index
        %get3A_323 = arith.constant 0 : index
        %get3A_324 = tpu.vector_load %arg16[%get3A_322, %get3A_323] {strides = array<i32>} : memref<80x128xbf16, #tpu.memory_space<vmem>>, vector<32xbf16>,
        %mul3A_325 = arith.mulf %get3A_324, %pack3A : vector<32xbf16>
        %swap3A_326 = arith.index_cast %add3A_318 : i32 to index
        %swap3A_327 = arith.constant 0 : index
        %swap3A_328 = tpu.vector_load %arg16[%swap3A_326, %swap3A_327] {strides = array<i32>} : memref<80x128xbf16, #tpu.memory_space<vmem>>, vector<32xbf16>,
        tpu.vector_store %arg16[%swap3A_326, %swap3A_327], %mul3A_325 {strides = array<i32>} : memref<80x128xbf16, #tpu.memory_space<vmem>>, vector<32xbf16>,
        %get3A_329 = arith.index_cast %add3A_318 : i32 to index
        %get3A_330 = arith.constant 32 : index
        %get3A_331 = tpu.vector_load %arg16[%get3A_329, %get3A_330] {strides = array<i32>} : memref<80x128xbf16, #tpu.memory_space<vmem>>, vector<32xbf16>,
        %mul3A_332 = arith.mulf %get3A_331, %pack3A : vector<32xbf16>
        %swap3A_333 = arith.index_cast %add3A_318 : i32 to index
        %swap3A_334 = arith.constant 32 : index
        %swap3A_335 = tpu.vector_load %arg16[%swap3A_333, %swap3A_334] {strides = array<i32>} : memref<80x128xbf16, #tpu.memory_space<vmem>>, vector<32xbf16>,
        tpu.vector_store %arg16[%swap3A_333, %swap3A_334], %mul3A_332 {strides = array<i32>} : memref<80x128xbf16, #tpu.memory_space<vmem>>, vector<32xbf16>,
        %get3A_336 = arith.index_cast %add3A_318 : i32 to index
        %get3A_337 = arith.constant 64 : index
        %get3A_338 = tpu.vector_load %arg16[%get3A_336, %get3A_337] {strides = array<i32>} : memref<80x128xbf16, #tpu.memory_space<vmem>>, vector<32xbf16>,
        %mul3A_339 = arith.mulf %get3A_338, %pack3A : vector<32xbf16>
        %swap3A_340 = arith.index_cast %add3A_318 : i32 to index
        %swap3A_341 = arith.constant 64 : index
        %swap3A_342 = tpu.vector_load %arg16[%swap3A_340, %swap3A_341] {strides = array<i32>} : memref<80x128xbf16, #tpu.memory_space<vmem>>, vector<32xbf16>,
        tpu.vector_store %arg16[%swap3A_340, %swap3A_341], %mul3A_339 {strides = array<i32>} : memref<80x128xbf16, #tpu.memory_space<vmem>>, vector<32xbf16>,
        %get3A_343 = arith.index_cast %add3A_318 : i32 to index
        %get3A_344 = arith.constant 96 : index
        %get3A_345 = tpu.vector_load %arg16[%get3A_343, %get3A_344] {strides = array<i32>} : memref<80x128xbf16, #tpu.memory_space<vmem>>, vector<32xbf16>,
        %mul3A_346 = arith.mulf %get3A_345, %pack3A : vector<32xbf16>
        %swap3A_347 = arith.index_cast %add3A_318 : i32 to index
        %swap3A_348 = arith.constant 96 : index
        %swap3A_349 = tpu.vector_load %arg16[%swap3A_347, %swap3A_348] {strides = array<i32>} : memref<80x128xbf16, #tpu.memory_space<vmem>>, vector<32xbf16>,
        tpu.vector_store %arg16[%swap3A_347, %swap3A_348], %mul3A_346 {strides = array<i32>} : memref<80x128xbf16, #tpu.memory_space<vmem>>, vector<32xbf16>,
        %mul3A_350 = arith.constant 4 : i32
        %mul3A_351 = arith.muli %scan3A_313, %mul3A_350 : i32
        %add3A_352 = arith.constant 1 : i32
        %add3A_353 = arith.addi %mul3A_351, %add3A_352 : i32
        %broadcast_in_dim3A_354 = vector.broadcast %add3A_241 : i32 to vector<16xi32>
        %broadcast_in_dim3A_355 = vector.broadcast %add3A_353 : i32 to vector<16xi32>
        %gather3A_356 = tpu.vector_load_idx %arg11[%broadcast_in_dim3A_354, %broadcast_in_dim3A_355] : memref<125x80xf32, #tpu.memory_space<vmem>>[vector<16xi32>, vector<16xi32>], vector<16xf32>,
        %mul3A_357 = arith.mulf %gather3A_356, %div3A : vector<16xf32>
        %pack3A_358 = tpu.pack_subelements %mul3A_357, %mul3A_357 {pack_format = #tpu.pack_format<interleaved>, positions = array<i32: 0, 1>} : vector<16xf32>, vector<16xf32> -> vector<32xbf16>
        %get3A_359 = arith.index_cast %add3A_353 : i32 to index
        %get3A_360 = arith.constant 0 : index
        %get3A_361 = tpu.vector_load %arg16[%get3A_359, %get3A_360] {strides = array<i32>} : memref<80x128xbf16, #tpu.memory_space<vmem>>, vector<32xbf16>,
        %mul3A_362 = arith.mulf %get3A_361, %pack3A_358 : vector<32xbf16>
        %swap3A_363 = arith.index_cast %add3A_353 : i32 to index
        %swap3A_364 = arith.constant 0 : index
        %swap3A_365 = tpu.vector_load %arg16[%swap3A_363, %swap3A_364] {strides = array<i32>} : memref<80x128xbf16, #tpu.memory_space<vmem>>, vector<32xbf16>,
        tpu.vector_store %arg16[%swap3A_363, %swap3A_364], %mul3A_362 {strides = array<i32>} : memref<80x128xbf16, #tpu.memory_space<vmem>>, vector<32xbf16>,
        %get3A_366 = arith.index_cast %add3A_353 : i32 to index
        %get3A_367 = arith.constant 32 : index
        %get3A_368 = tpu.vector_load %arg16[%get3A_366, %get3A_367] {strides = array<i32>} : memref<80x128xbf16, #tpu.memory_space<vmem>>, vector<32xbf16>,
        %mul3A_369 = arith.mulf %get3A_368, %pack3A_358 : vector<32xbf16>
        %swap3A_370 = arith.index_cast %add3A_353 : i32 to index
        %swap3A_371 = arith.constant 32 : index
        %swap3A_372 = tpu.vector_load %arg16[%swap3A_370, %swap3A_371] {strides = array<i32>} : memref<80x128xbf16, #tpu.memory_space<vmem>>, vector<32xbf16>,
        tpu.vector_store %arg16[%swap3A_370, %swap3A_371], %mul3A_369 {strides = array<i32>} : memref<80x128xbf16, #tpu.memory_space<vmem>>, vector<32xbf16>,
        %get3A_373 = arith.index_cast %add3A_353 : i32 to index
        %get3A_374 = arith.constant 64 : index
        %get3A_375 = tpu.vector_load %arg16[%get3A_373, %get3A_374] {strides = array<i32>} : memref<80x128xbf16, #tpu.memory_space<vmem>>, vector<32xbf16>,
        %mul3A_376 = arith.mulf %get3A_375, %pack3A_358 : vector<32xbf16>
        %swap3A_377 = arith.index_cast %add3A_353 : i32 to index
        %swap3A_378 = arith.constant 64 : index
        %swap3A_379 = tpu.vector_load %arg16[%swap3A_377, %swap3A_378] {strides = array<i32>} : memref<80x128xbf16, #tpu.memory_space<vmem>>, vector<32xbf16>,
        tpu.vector_store %arg16[%swap3A_377, %swap3A_378], %mul3A_376 {strides = array<i32>} : memref<80x128xbf16, #tpu.memory_space<vmem>>, vector<32xbf16>,
        %get3A_380 = arith.index_cast %add3A_353 : i32 to index
        %get3A_381 = arith.constant 96 : index
        %get3A_382 = tpu.vector_load %arg16[%get3A_380, %get3A_381] {strides = array<i32>} : memref<80x128xbf16, #tpu.memory_space<vmem>>, vector<32xbf16>,
        %mul3A_383 = arith.mulf %get3A_382, %pack3A_358 : vector<32xbf16>
        %swap3A_384 = arith.index_cast %add3A_353 : i32 to index
        %swap3A_385 = arith.constant 96 : index
        %swap3A_386 = tpu.vector_load %arg16[%swap3A_384, %swap3A_385] {strides = array<i32>} : memref<80x128xbf16, #tpu.memory_space<vmem>>, vector<32xbf16>,
        tpu.vector_store %arg16[%swap3A_384, %swap3A_385], %mul3A_383 {strides = array<i32>} : memref<80x128xbf16, #tpu.memory_space<vmem>>, vector<32xbf16>,
        %mul3A_387 = arith.constant 4 : i32
        %mul3A_388 = arith.muli %scan3A_313, %mul3A_387 : i32
        %add3A_389 = arith.constant 2 : i32
        %add3A_390 = arith.addi %mul3A_388, %add3A_389 : i32
        %broadcast_in_dim3A_391 = vector.broadcast %add3A_241 : i32 to vector<16xi32>
        %broadcast_in_dim3A_392 = vector.broadcast %add3A_390 : i32 to vector<16xi32>
        %gather3A_393 = tpu.vector_load_idx %arg11[%broadcast_in_dim3A_391, %broadcast_in_dim3A_392] : memref<125x80xf32, #tpu.memory_space<vmem>>[vector<16xi32>, vector<16xi32>], vector<16xf32>,
        %mul3A_394 = arith.mulf %gather3A_393, %div3A : vector<16xf32>
        %pack3A_395 = tpu.pack_subelements %mul3A_394, %mul3A_394 {pack_format = #tpu.pack_format<interleaved>, positions = array<i32: 0, 1>} : vector<16xf32>, vector<16xf32> -> vector<32xbf16>
        %get3A_396 = arith.index_cast %add3A_390 : i32 to index
        %get3A_397 = arith.constant 0 : index
        %get3A_398 = tpu.vector_load %arg16[%get3A_396, %get3A_397] {strides = array<i32>} : memref<80x128xbf16, #tpu.memory_space<vmem>>, vector<32xbf16>,
        %mul3A_399 = arith.mulf %get3A_398, %pack3A_395 : vector<32xbf16>
        %swap3A_400 = arith.index_cast %add3A_390 : i32 to index
        %swap3A_401 = arith.constant 0 : index
        %swap3A_402 = tpu.vector_load %arg16[%swap3A_400, %swap3A_401] {strides = array<i32>} : memref<80x128xbf16, #tpu.memory_space<vmem>>, vector<32xbf16>,
        tpu.vector_store %arg16[%swap3A_400, %swap3A_401], %mul3A_399 {strides = array<i32>} : memref<80x128xbf16, #tpu.memory_space<vmem>>, vector<32xbf16>,
        %get3A_403 = arith.index_cast %add3A_390 : i32 to index
        %get3A_404 = arith.constant 32 : index
        %get3A_405 = tpu.vector_load %arg16[%get3A_403, %get3A_404] {strides = array<i32>} : memref<80x128xbf16, #tpu.memory_space<vmem>>, vector<32xbf16>,
        %mul3A_406 = arith.mulf %get3A_405, %pack3A_395 : vector<32xbf16>
        %swap3A_407 = arith.index_cast %add3A_390 : i32 to index
        %swap3A_408 = arith.constant 32 : index
        %swap3A_409 = tpu.vector_load %arg16[%swap3A_407, %swap3A_408] {strides = array<i32>} : memref<80x128xbf16, #tpu.memory_space<vmem>>, vector<32xbf16>,
        tpu.vector_store %arg16[%swap3A_407, %swap3A_408], %mul3A_406 {strides = array<i32>} : memref<80x128xbf16, #tpu.memory_space<vmem>>, vector<32xbf16>,
        %get3A_410 = arith.index_cast %add3A_390 : i32 to index
        %get3A_411 = arith.constant 64 : index
        %get3A_412 = tpu.vector_load %arg16[%get3A_410, %get3A_411] {strides = array<i32>} : memref<80x128xbf16, #tpu.memory_space<vmem>>, vector<32xbf16>,
        %mul3A_413 = arith.mulf %get3A_412, %pack3A_395 : vector<32xbf16>
        %swap3A_414 = arith.index_cast %add3A_390 : i32 to index
        %swap3A_415 = arith.constant 64 : index
        %swap3A_416 = tpu.vector_load %arg16[%swap3A_414, %swap3A_415] {strides = array<i32>} : memref<80x128xbf16, #tpu.memory_space<vmem>>, vector<32xbf16>,
        tpu.vector_store %arg16[%swap3A_414, %swap3A_415], %mul3A_413 {strides = array<i32>} : memref<80x128xbf16, #tpu.memory_space<vmem>>, vector<32xbf16>,
        %get3A_417 = arith.index_cast %add3A_390 : i32 to index
        %get3A_418 = arith.constant 96 : index
        %get3A_419 = tpu.vector_load %arg16[%get3A_417, %get3A_418] {strides = array<i32>} : memref<80x128xbf16, #tpu.memory_space<vmem>>, vector<32xbf16>,
        %mul3A_420 = arith.mulf %get3A_419, %pack3A_395 : vector<32xbf16>
        %swap3A_421 = arith.index_cast %add3A_390 : i32 to index
        %swap3A_422 = arith.constant 96 : index
        %swap3A_423 = tpu.vector_load %arg16[%swap3A_421, %swap3A_422] {strides = array<i32>} : memref<80x128xbf16, #tpu.memory_space<vmem>>, vector<32xbf16>,
        tpu.vector_store %arg16[%swap3A_421, %swap3A_422], %mul3A_420 {strides = array<i32>} : memref<80x128xbf16, #tpu.memory_space<vmem>>, vector<32xbf16>,
        %mul3A_424 = arith.constant 4 : i32
        %mul3A_425 = arith.muli %scan3A_313, %mul3A_424 : i32
        %add3A_426 = arith.constant 3 : i32
        %add3A_427 = arith.addi %mul3A_425, %add3A_426 : i32
        %broadcast_in_dim3A_428 = vector.broadcast %add3A_241 : i32 to vector<16xi32>
        %broadcast_in_dim3A_429 = vector.broadcast %add3A_427 : i32 to vector<16xi32>
        %gather3A_430 = tpu.vector_load_idx %arg11[%broadcast_in_dim3A_428, %broadcast_in_dim3A_429] : memref<125x80xf32, #tpu.memory_space<vmem>>[vector<16xi32>, vector<16xi32>], vector<16xf32>,
        %mul3A_431 = arith.mulf %gather3A_430, %div3A : vector<16xf32>
        %pack3A_432 = tpu.pack_subelements %mul3A_431, %mul3A_431 {pack_format = #tpu.pack_format<interleaved>, positions = array<i32: 0, 1>} : vector<16xf32>, vector<16xf32> -> vector<32xbf16>
        %get3A_433 = arith.index_cast %add3A_427 : i32 to index
        %get3A_434 = arith.constant 0 : index
        %get3A_435 = tpu.vector_load %arg16[%get3A_433, %get3A_434] {strides = array<i32>} : memref<80x128xbf16, #tpu.memory_space<vmem>>, vector<32xbf16>,
        %mul3A_436 = arith.mulf %get3A_435, %pack3A_432 : vector<32xbf16>
        %swap3A_437 = arith.index_cast %add3A_427 : i32 to index
        %swap3A_438 = arith.constant 0 : index
        %swap3A_439 = tpu.vector_load %arg16[%swap3A_437, %swap3A_438] {strides = array<i32>} : memref<80x128xbf16, #tpu.memory_space<vmem>>, vector<32xbf16>,
        tpu.vector_store %arg16[%swap3A_437, %swap3A_438], %mul3A_436 {strides = array<i32>} : memref<80x128xbf16, #tpu.memory_space<vmem>>, vector<32xbf16>,
        %get3A_440 = arith.index_cast %add3A_427 : i32 to index
        %get3A_441 = arith.constant 32 : index
        %get3A_442 = tpu.vector_load %arg16[%get3A_440, %get3A_441] {strides = array<i32>} : memref<80x128xbf16, #tpu.memory_space<vmem>>, vector<32xbf16>,
        %mul3A_443 = arith.mulf %get3A_442, %pack3A_432 : vector<32xbf16>
        %swap3A_444 = arith.index_cast %add3A_427 : i32 to index
        %swap3A_445 = arith.constant 32 : index
        %swap3A_446 = tpu.vector_load %arg16[%swap3A_444, %swap3A_445] {strides = array<i32>} : memref<80x128xbf16, #tpu.memory_space<vmem>>, vector<32xbf16>,
        tpu.vector_store %arg16[%swap3A_444, %swap3A_445], %mul3A_443 {strides = array<i32>} : memref<80x128xbf16, #tpu.memory_space<vmem>>, vector<32xbf16>,
        %get3A_447 = arith.index_cast %add3A_427 : i32 to index
        %get3A_448 = arith.constant 64 : index
        %get3A_449 = tpu.vector_load %arg16[%get3A_447, %get3A_448] {strides = array<i32>} : memref<80x128xbf16, #tpu.memory_space<vmem>>, vector<32xbf16>,
        %mul3A_450 = arith.mulf %get3A_449, %pack3A_432 : vector<32xbf16>
        %swap3A_451 = arith.index_cast %add3A_427 : i32 to index
        %swap3A_452 = arith.constant 64 : index
        %swap3A_453 = tpu.vector_load %arg16[%swap3A_451, %swap3A_452] {strides = array<i32>} : memref<80x128xbf16, #tpu.memory_space<vmem>>, vector<32xbf16>,
        tpu.vector_store %arg16[%swap3A_451, %swap3A_452], %mul3A_450 {strides = array<i32>} : memref<80x128xbf16, #tpu.memory_space<vmem>>, vector<32xbf16>,
        %get3A_454 = arith.index_cast %add3A_427 : i32 to index
        %get3A_455 = arith.constant 96 : index
        %get3A_456 = tpu.vector_load %arg16[%get3A_454, %get3A_455] {strides = array<i32>} : memref<80x128xbf16, #tpu.memory_space<vmem>>, vector<32xbf16>,
        %mul3A_457 = arith.mulf %get3A_456, %pack3A_432 : vector<32xbf16>
        %swap3A_458 = arith.index_cast %add3A_427 : i32 to index
        %swap3A_459 = arith.constant 96 : index
        %swap3A_460 = tpu.vector_load %arg16[%swap3A_458, %swap3A_459] {strides = array<i32>} : memref<80x128xbf16, #tpu.memory_space<vmem>>, vector<32xbf16>,
        tpu.vector_store %arg16[%swap3A_458, %swap3A_459], %mul3A_457 {strides = array<i32>} : memref<80x128xbf16, #tpu.memory_space<vmem>>, vector<32xbf16>,
        %scan3A_461 = arith.constant 0 : i32
        scf.yield %scan3A_461 : i32
      }
      %scan3A_254 = arith.constant 20 : i32
      %dma_start3A_255 = arith.constant 0 : i32
      %dma_start3A_256 = tpu.memref_slice %arg9[%add3A_241, %dma_start3A_255] : memref<125x80xi32, #tpu.memory_space<vmem>> -> memref<1x80xi32, #tpu.memory_space<vmem>>
      %dma_start3A_257 = tpu.memref_squeeze %dma_start3A_256 : memref<1x80xi32, #tpu.memory_space<vmem>> -> memref<80xi32, #tpu.memory_space<vmem>>
      %dma_start3A_258 = arith.constant 0 : i32
      %dma_start3A_259 = arith.constant 0 : i32
      %dma_start3A_260 = tpu.memref_slice %arg20[%dma_start3A_258, %dma_start3A_259] : memref<10000x128xbf16, #tpu.memory_space<vmem_shared>> -> memref<10000x128xbf16, #tpu.memory_space<vmem_shared>>
      tpu.enqueue_indirect_dma source(%arg16 : memref<80x128xbf16, #tpu.memory_space<vmem>>) target(%dma_start3A_260 : memref<10000x128xbf16, #tpu.memory_space<vmem_shared>>) offsets(%dma_start3A_257 : memref<80xi32, #tpu.memory_space<vmem>>) semaphore(%arg30 : memref<!tpu.dma_semaphore, #tpu.memory_space<semaphore_mem>>) {add = true}
      %ge3A_261 = arith.constant 1 : i32
      %ge3A_262 = arith.cmpi sge, %add3A_241, %ge3A_261 : i32
      %convert_element_type3A_263 = arith.extui %ge3A_262 : i1 to i32
      %cond3A_264 = arith.constant 0 : i32
      %cond3A_265 = arith.cmpi ne, %convert_element_type3A_263, %cond3A_264 : i32
      scf.if %cond3A_265 {
        %sub3A_313 = arith.constant 1 : i32
        %sub3A_314 = arith.subi %add3A_241, %sub3A_313 : i32
        %dma_wait3A_315 = arith.constant 0 : i32
        %dma_wait3A_316 = tpu.memref_slice %arg9[%sub3A_314, %dma_wait3A_315] : memref<125x80xi32, #tpu.memory_space<vmem>> -> memref<1x80xi32, #tpu.memory_space<vmem>>
        %dma_wait3A_317 = tpu.memref_squeeze %dma_wait3A_316 : memref<1x80xi32, #tpu.memory_space<vmem>> -> memref<80xi32, #tpu.memory_space<vmem>>
        %dma_wait3A_318 = arith.constant 0 : i32
        %dma_wait3A_319 = arith.constant 0 : i32
        %dma_wait3A_320 = tpu.memref_slice %arg20[%dma_wait3A_318, %dma_wait3A_319] : memref<10000x128xbf16, #tpu.memory_space<vmem_shared>> -> memref<10000x128xbf16, #tpu.memory_space<vmem_shared>>
        tpu.wait_indirect_dma semaphore(%arg29 : memref<!tpu.dma_semaphore, #tpu.memory_space<semaphore_mem>>) src(%arg15 : memref<80x128xbf16, #tpu.memory_space<vmem>>) dst(%dma_wait3A_320 : memref<10000x128xbf16, #tpu.memory_space<vmem_shared>>)
      } else {
      }
      %add3A_266 = arith.constant 5 : i32
      %add3A_267 = arith.addi %add3A_241, %add3A_266 : i32
      %sub3A_268 = arith.constant 1 : i32
      %sub3A_269 = arith.subi %add3A_267, %sub3A_268 : i32
      %lt3A_270 = arith.constant 125 : i32
      %lt3A_271 = arith.cmpi slt, %sub3A_269, %lt3A_270 : i32
      %convert_element_type3A_272 = arith.extui %lt3A_271 : i1 to i32
      %cond3A_273 = arith.constant 0 : i32
      %cond3A_274 = arith.cmpi ne, %convert_element_type3A_272, %cond3A_273 : i32
      scf.if %cond3A_274 {
        %add3A_313 = arith.constant 5 : i32
        %add3A_314 = arith.addi %add3A_241, %add3A_313 : i32
        %sub3A_315 = arith.constant 1 : i32
        %sub3A_316 = arith.subi %add3A_314, %sub3A_315 : i32
        %dma_start3A_317 = arith.constant 0 : i32
        %dma_start3A_318 = tpu.memref_slice %arg10[%sub3A_316, %dma_start3A_317] : memref<125x80xi32, #tpu.memory_space<vmem>> -> memref<1x80xi32, #tpu.memory_space<vmem>>
        %dma_start3A_319 = tpu.memref_squeeze %dma_start3A_318 : memref<1x80xi32, #tpu.memory_space<vmem>> -> memref<80xi32, #tpu.memory_space<vmem>>
        %dma_start3A_320 = arith.constant 0 : i32
        %dma_start3A_321 = arith.constant 0 : i32
        %dma_start3A_322 = tpu.memref_slice %arg2[%dma_start3A_320, %dma_start3A_321] : memref<20000x128xbf16, #tpu.memory_space<hbm>> -> memref<20000x128xbf16, #tpu.memory_space<hbm>>
        tpu.enqueue_indirect_dma source(%dma_start3A_322 : memref<20000x128xbf16, #tpu.memory_space<hbm>>) target(%arg15 : memref<80x128xbf16, #tpu.memory_space<vmem>>) offsets(%dma_start3A_319 : memref<80xi32, #tpu.memory_space<vmem>>) semaphore(%arg24 : memref<!tpu.dma_semaphore, #tpu.memory_space<semaphore_mem>>)
      } else {
      }
      %mul3A_275 = arith.constant 5 : i32
      %mul3A_276 = arith.muli %mul3A_275, %scan3A_127 : i32
      %add3A_277 = arith.constant 4 : i32
      %add3A_278 = arith.addi %mul3A_276, %add3A_277 : i32
      %dma_wait3A_279 = arith.constant 0 : i32
      %dma_wait3A_280 = tpu.memref_slice %arg10[%add3A_278, %dma_wait3A_279] : memref<125x80xi32, #tpu.memory_space<vmem>> -> memref<1x80xi32, #tpu.memory_space<vmem>>
      %dma_wait3A_281 = tpu.memref_squeeze %dma_wait3A_280 : memref<1x80xi32, #tpu.memory_space<vmem>> -> memref<80xi32, #tpu.memory_space<vmem>>
      %dma_wait3A_282 = arith.constant 0 : i32
      %dma_wait3A_283 = arith.constant 0 : i32
      %dma_wait3A_284 = tpu.memref_slice %arg2[%dma_wait3A_282, %dma_wait3A_283] : memref<20000x128xbf16, #tpu.memory_space<hbm>> -> memref<20000x128xbf16, #tpu.memory_space<hbm>>
      tpu.wait_indirect_dma semaphore(%arg26 : memref<!tpu.dma_semaphore, #tpu.memory_space<semaphore_mem>>) src(%dma_wait3A_284 : memref<20000x128xbf16, #tpu.memory_space<hbm>>) dst(%arg17 : memref<80x128xbf16, #tpu.memory_space<vmem>>)
      %scan3A_285 = arith.constant 0 : i32
      %scan3A_286 = arith.constant 0 : i32
      %scan3A_287 = arith.constant 20 : i32
      %scan3A_288 = arith.addi %scan3A_286, %scan3A_287 : i32
      %scan3A_289 = arith.constant 1 : i32
      %scan3A_290 = scf.for %scan3A_313 = %scan3A_286 to %scan3A_288 step %scan3A_289 iter_args(%scan3A_314 = %scan3A_285) -> (i32)  : i32 {
        %mul3A_315 = arith.constant 4 : i32
        %mul3A_316 = arith.muli %scan3A_313, %mul3A_315 : i32
        %add3A_317 = arith.constant 0 : i32
        %add3A_318 = arith.addi %mul3A_316, %add3A_317 : i32
        %broadcast_in_dim3A_319 = vector.broadcast %add3A_278 : i32 to vector<16xi32>
        %broadcast_in_dim3A_320 = vector.broadcast %add3A_318 : i32 to vector<16xi32>
        %gather3A = tpu.vector_load_idx %arg11[%broadcast_in_dim3A_319, %broadcast_in_dim3A_320] : memref<125x80xf32, #tpu.memory_space<vmem>>[vector<16xi32>, vector<16xi32>], vector<16xf32>,
        %mul3A_321 = arith.mulf %gather3A, %div3A : vector<16xf32>
        %pack3A = tpu.pack_subelements %mul3A_321, %mul3A_321 {pack_format = #tpu.pack_format<interleaved>, positions = array<i32: 0, 1>} : vector<16xf32>, vector<16xf32> -> vector<32xbf16>
        %get3A_322 = arith.index_cast %add3A_318 : i32 to index
        %get3A_323 = arith.constant 0 : index
        %get3A_324 = tpu.vector_load %arg17[%get3A_322, %get3A_323] {strides = array<i32>} : memref<80x128xbf16, #tpu.memory_space<vmem>>, vector<32xbf16>,
        %mul3A_325 = arith.mulf %get3A_324, %pack3A : vector<32xbf16>
        %swap3A_326 = arith.index_cast %add3A_318 : i32 to index
        %swap3A_327 = arith.constant 0 : index
        %swap3A_328 = tpu.vector_load %arg17[%swap3A_326, %swap3A_327] {strides = array<i32>} : memref<80x128xbf16, #tpu.memory_space<vmem>>, vector<32xbf16>,
        tpu.vector_store %arg17[%swap3A_326, %swap3A_327], %mul3A_325 {strides = array<i32>} : memref<80x128xbf16, #tpu.memory_space<vmem>>, vector<32xbf16>,
        %get3A_329 = arith.index_cast %add3A_318 : i32 to index
        %get3A_330 = arith.constant 32 : index
        %get3A_331 = tpu.vector_load %arg17[%get3A_329, %get3A_330] {strides = array<i32>} : memref<80x128xbf16, #tpu.memory_space<vmem>>, vector<32xbf16>,
        %mul3A_332 = arith.mulf %get3A_331, %pack3A : vector<32xbf16>
        %swap3A_333 = arith.index_cast %add3A_318 : i32 to index
        %swap3A_334 = arith.constant 32 : index
        %swap3A_335 = tpu.vector_load %arg17[%swap3A_333, %swap3A_334] {strides = array<i32>} : memref<80x128xbf16, #tpu.memory_space<vmem>>, vector<32xbf16>,
        tpu.vector_store %arg17[%swap3A_333, %swap3A_334], %mul3A_332 {strides = array<i32>} : memref<80x128xbf16, #tpu.memory_space<vmem>>, vector<32xbf16>,
        %get3A_336 = arith.index_cast %add3A_318 : i32 to index
        %get3A_337 = arith.constant 64 : index
        %get3A_338 = tpu.vector_load %arg17[%get3A_336, %get3A_337] {strides = array<i32>} : memref<80x128xbf16, #tpu.memory_space<vmem>>, vector<32xbf16>,
        %mul3A_339 = arith.mulf %get3A_338, %pack3A : vector<32xbf16>
        %swap3A_340 = arith.index_cast %add3A_318 : i32 to index
        %swap3A_341 = arith.constant 64 : index
        %swap3A_342 = tpu.vector_load %arg17[%swap3A_340, %swap3A_341] {strides = array<i32>} : memref<80x128xbf16, #tpu.memory_space<vmem>>, vector<32xbf16>,
        tpu.vector_store %arg17[%swap3A_340, %swap3A_341], %mul3A_339 {strides = array<i32>} : memref<80x128xbf16, #tpu.memory_space<vmem>>, vector<32xbf16>,
        %get3A_343 = arith.index_cast %add3A_318 : i32 to index
        %get3A_344 = arith.constant 96 : index
        %get3A_345 = tpu.vector_load %arg17[%get3A_343, %get3A_344] {strides = array<i32>} : memref<80x128xbf16, #tpu.memory_space<vmem>>, vector<32xbf16>,
        %mul3A_346 = arith.mulf %get3A_345, %pack3A : vector<32xbf16>
        %swap3A_347 = arith.index_cast %add3A_318 : i32 to index
        %swap3A_348 = arith.constant 96 : index
        %swap3A_349 = tpu.vector_load %arg17[%swap3A_347, %swap3A_348] {strides = array<i32>} : memref<80x128xbf16, #tpu.memory_space<vmem>>, vector<32xbf16>,
        tpu.vector_store %arg17[%swap3A_347, %swap3A_348], %mul3A_346 {strides = array<i32>} : memref<80x128xbf16, #tpu.memory_space<vmem>>, vector<32xbf16>,
        %mul3A_350 = arith.constant 4 : i32
        %mul3A_351 = arith.muli %scan3A_313, %mul3A_350 : i32
        %add3A_352 = arith.constant 1 : i32
        %add3A_353 = arith.addi %mul3A_351, %add3A_352 : i32
        %broadcast_in_dim3A_354 = vector.broadcast %add3A_278 : i32 to vector<16xi32>
        %broadcast_in_dim3A_355 = vector.broadcast %add3A_353 : i32 to vector<16xi32>
        %gather3A_356 = tpu.vector_load_idx %arg11[%broadcast_in_dim3A_354, %broadcast_in_dim3A_355] : memref<125x80xf32, #tpu.memory_space<vmem>>[vector<16xi32>, vector<16xi32>], vector<16xf32>,
        %mul3A_357 = arith.mulf %gather3A_356, %div3A : vector<16xf32>
        %pack3A_358 = tpu.pack_subelements %mul3A_357, %mul3A_357 {pack_format = #tpu.pack_format<interleaved>, positions = array<i32: 0, 1>} : vector<16xf32>, vector<16xf32> -> vector<32xbf16>
        %get3A_359 = arith.index_cast %add3A_353 : i32 to index
        %get3A_360 = arith.constant 0 : index
        %get3A_361 = tpu.vector_load %arg17[%get3A_359, %get3A_360] {strides = array<i32>} : memref<80x128xbf16, #tpu.memory_space<vmem>>, vector<32xbf16>,
        %mul3A_362 = arith.mulf %get3A_361, %pack3A_358 : vector<32xbf16>
        %swap3A_363 = arith.index_cast %add3A_353 : i32 to index
        %swap3A_364 = arith.constant 0 : index
        %swap3A_365 = tpu.vector_load %arg17[%swap3A_363, %swap3A_364] {strides = array<i32>} : memref<80x128xbf16, #tpu.memory_space<vmem>>, vector<32xbf16>,
        tpu.vector_store %arg17[%swap3A_363, %swap3A_364], %mul3A_362 {strides = array<i32>} : memref<80x128xbf16, #tpu.memory_space<vmem>>, vector<32xbf16>,
        %get3A_366 = arith.index_cast %add3A_353 : i32 to index
        %get3A_367 = arith.constant 32 : index
        %get3A_368 = tpu.vector_load %arg17[%get3A_366, %get3A_367] {strides = array<i32>} : memref<80x128xbf16, #tpu.memory_space<vmem>>, vector<32xbf16>,
        %mul3A_369 = arith.mulf %get3A_368, %pack3A_358 : vector<32xbf16>
        %swap3A_370 = arith.index_cast %add3A_353 : i32 to index
        %swap3A_371 = arith.constant 32 : index
        %swap3A_372 = tpu.vector_load %arg17[%swap3A_370, %swap3A_371] {strides = array<i32>} : memref<80x128xbf16, #tpu.memory_space<vmem>>, vector<32xbf16>,
        tpu.vector_store %arg17[%swap3A_370, %swap3A_371], %mul3A_369 {strides = array<i32>} : memref<80x128xbf16, #tpu.memory_space<vmem>>, vector<32xbf16>,
        %get3A_373 = arith.index_cast %add3A_353 : i32 to index
        %get3A_374 = arith.constant 64 : index
        %get3A_375 = tpu.vector_load %arg17[%get3A_373, %get3A_374] {strides = array<i32>} : memref<80x128xbf16, #tpu.memory_space<vmem>>, vector<32xbf16>,
        %mul3A_376 = arith.mulf %get3A_375, %pack3A_358 : vector<32xbf16>
        %swap3A_377 = arith.index_cast %add3A_353 : i32 to index
        %swap3A_378 = arith.constant 64 : index
        %swap3A_379 = tpu.vector_load %arg17[%swap3A_377, %swap3A_378] {strides = array<i32>} : memref<80x128xbf16, #tpu.memory_space<vmem>>, vector<32xbf16>,
        tpu.vector_store %arg17[%swap3A_377, %swap3A_378], %mul3A_376 {strides = array<i32>} : memref<80x128xbf16, #tpu.memory_space<vmem>>, vector<32xbf16>,
        %get3A_380 = arith.index_cast %add3A_353 : i32 to index
        %get3A_381 = arith.constant 96 : index
        %get3A_382 = tpu.vector_load %arg17[%get3A_380, %get3A_381] {strides = array<i32>} : memref<80x128xbf16, #tpu.memory_space<vmem>>, vector<32xbf16>,
        %mul3A_383 = arith.mulf %get3A_382, %pack3A_358 : vector<32xbf16>
        %swap3A_384 = arith.index_cast %add3A_353 : i32 to index
        %swap3A_385 = arith.constant 96 : index
        %swap3A_386 = tpu.vector_load %arg17[%swap3A_384, %swap3A_385] {strides = array<i32>} : memref<80x128xbf16, #tpu.memory_space<vmem>>, vector<32xbf16>,
        tpu.vector_store %arg17[%swap3A_384, %swap3A_385], %mul3A_383 {strides = array<i32>} : memref<80x128xbf16, #tpu.memory_space<vmem>>, vector<32xbf16>,
        %mul3A_387 = arith.constant 4 : i32
        %mul3A_388 = arith.muli %scan3A_313, %mul3A_387 : i32
        %add3A_389 = arith.constant 2 : i32
        %add3A_390 = arith.addi %mul3A_388, %add3A_389 : i32
        %broadcast_in_dim3A_391 = vector.broadcast %add3A_278 : i32 to vector<16xi32>
        %broadcast_in_dim3A_392 = vector.broadcast %add3A_390 : i32 to vector<16xi32>
        %gather3A_393 = tpu.vector_load_idx %arg11[%broadcast_in_dim3A_391, %broadcast_in_dim3A_392] : memref<125x80xf32, #tpu.memory_space<vmem>>[vector<16xi32>, vector<16xi32>], vector<16xf32>,
        %mul3A_394 = arith.mulf %gather3A_393, %div3A : vector<16xf32>
        %pack3A_395 = tpu.pack_subelements %mul3A_394, %mul3A_394 {pack_format = #tpu.pack_format<interleaved>, positions = array<i32: 0, 1>} : vector<16xf32>, vector<16xf32> -> vector<32xbf16>
        %get3A_396 = arith.index_cast %add3A_390 : i32 to index
        %get3A_397 = arith.constant 0 : index
        %get3A_398 = tpu.vector_load %arg17[%get3A_396, %get3A_397] {strides = array<i32>} : memref<80x128xbf16, #tpu.memory_space<vmem>>, vector<32xbf16>,
        %mul3A_399 = arith.mulf %get3A_398, %pack3A_395 : vector<32xbf16>
        %swap3A_400 = arith.index_cast %add3A_390 : i32 to index
        %swap3A_401 = arith.constant 0 : index
        %swap3A_402 = tpu.vector_load %arg17[%swap3A_400, %swap3A_401] {strides = array<i32>} : memref<80x128xbf16, #tpu.memory_space<vmem>>, vector<32xbf16>,
        tpu.vector_store %arg17[%swap3A_400, %swap3A_401], %mul3A_399 {strides = array<i32>} : memref<80x128xbf16, #tpu.memory_space<vmem>>, vector<32xbf16>,
        %get3A_403 = arith.index_cast %add3A_390 : i32 to index
        %get3A_404 = arith.constant 32 : index
        %get3A_405 = tpu.vector_load %arg17[%get3A_403, %get3A_404] {strides = array<i32>} : memref<80x128xbf16, #tpu.memory_space<vmem>>, vector<32xbf16>,
        %mul3A_406 = arith.mulf %get3A_405, %pack3A_395 : vector<32xbf16>
        %swap3A_407 = arith.index_cast %add3A_390 : i32 to index
        %swap3A_408 = arith.constant 32 : index
        %swap3A_409 = tpu.vector_load %arg17[%swap3A_407, %swap3A_408] {strides = array<i32>} : memref<80x128xbf16, #tpu.memory_space<vmem>>, vector<32xbf16>,
        tpu.vector_store %arg17[%swap3A_407, %swap3A_408], %mul3A_406 {strides = array<i32>} : memref<80x128xbf16, #tpu.memory_space<vmem>>, vector<32xbf16>,
        %get3A_410 = arith.index_cast %add3A_390 : i32 to index
        %get3A_411 = arith.constant 64 : index
        %get3A_412 = tpu.vector_load %arg17[%get3A_410, %get3A_411] {strides = array<i32>} : memref<80x128xbf16, #tpu.memory_space<vmem>>, vector<32xbf16>,
        %mul3A_413 = arith.mulf %get3A_412, %pack3A_395 : vector<32xbf16>
        %swap3A_414 = arith.index_cast %add3A_390 : i32 to index
        %swap3A_415 = arith.constant 64 : index
        %swap3A_416 = tpu.vector_load %arg17[%swap3A_414, %swap3A_415] {strides = array<i32>} : memref<80x128xbf16, #tpu.memory_space<vmem>>, vector<32xbf16>,
        tpu.vector_store %arg17[%swap3A_414, %swap3A_415], %mul3A_413 {strides = array<i32>} : memref<80x128xbf16, #tpu.memory_space<vmem>>, vector<32xbf16>,
        %get3A_417 = arith.index_cast %add3A_390 : i32 to index
        %get3A_418 = arith.constant 96 : index
        %get3A_419 = tpu.vector_load %arg17[%get3A_417, %get3A_418] {strides = array<i32>} : memref<80x128xbf16, #tpu.memory_space<vmem>>, vector<32xbf16>,
        %mul3A_420 = arith.mulf %get3A_419, %pack3A_395 : vector<32xbf16>
        %swap3A_421 = arith.index_cast %add3A_390 : i32 to index
        %swap3A_422 = arith.constant 96 : index
        %swap3A_423 = tpu.vector_load %arg17[%swap3A_421, %swap3A_422] {strides = array<i32>} : memref<80x128xbf16, #tpu.memory_space<vmem>>, vector<32xbf16>,
        tpu.vector_store %arg17[%swap3A_421, %swap3A_422], %mul3A_420 {strides = array<i32>} : memref<80x128xbf16, #tpu.memory_space<vmem>>, vector<32xbf16>,
        %mul3A_424 = arith.constant 4 : i32
        %mul3A_425 = arith.muli %scan3A_313, %mul3A_424 : i32
        %add3A_426 = arith.constant 3 : i32
        %add3A_427 = arith.addi %mul3A_425, %add3A_426 : i32
        %broadcast_in_dim3A_428 = vector.broadcast %add3A_278 : i32 to vector<16xi32>
        %broadcast_in_dim3A_429 = vector.broadcast %add3A_427 : i32 to vector<16xi32>
        %gather3A_430 = tpu.vector_load_idx %arg11[%broadcast_in_dim3A_428, %broadcast_in_dim3A_429] : memref<125x80xf32, #tpu.memory_space<vmem>>[vector<16xi32>, vector<16xi32>], vector<16xf32>,
        %mul3A_431 = arith.mulf %gather3A_430, %div3A : vector<16xf32>
        %pack3A_432 = tpu.pack_subelements %mul3A_431, %mul3A_431 {pack_format = #tpu.pack_format<interleaved>, positions = array<i32: 0, 1>} : vector<16xf32>, vector<16xf32> -> vector<32xbf16>
        %get3A_433 = arith.index_cast %add3A_427 : i32 to index
        %get3A_434 = arith.constant 0 : index
        %get3A_435 = tpu.vector_load %arg17[%get3A_433, %get3A_434] {strides = array<i32>} : memref<80x128xbf16, #tpu.memory_space<vmem>>, vector<32xbf16>,
        %mul3A_436 = arith.mulf %get3A_435, %pack3A_432 : vector<32xbf16>
        %swap3A_437 = arith.index_cast %add3A_427 : i32 to index
        %swap3A_438 = arith.constant 0 : index
        %swap3A_439 = tpu.vector_load %arg17[%swap3A_437, %swap3A_438] {strides = array<i32>} : memref<80x128xbf16, #tpu.memory_space<vmem>>, vector<32xbf16>,
        tpu.vector_store %arg17[%swap3A_437, %swap3A_438], %mul3A_436 {strides = array<i32>} : memref<80x128xbf16, #tpu.memory_space<vmem>>, vector<32xbf16>,
        %get3A_440 = arith.index_cast %add3A_427 : i32 to index
        %get3A_441 = arith.constant 32 : index
        %get3A_442 = tpu.vector_load %arg17[%get3A_440, %get3A_441] {strides = array<i32>} : memref<80x128xbf16, #tpu.memory_space<vmem>>, vector<32xbf16>,
        %mul3A_443 = arith.mulf %get3A_442, %pack3A_432 : vector<32xbf16>
        %swap3A_444 = arith.index_cast %add3A_427 : i32 to index
        %swap3A_445 = arith.constant 32 : index
        %swap3A_446 = tpu.vector_load %arg17[%swap3A_444, %swap3A_445] {strides = array<i32>} : memref<80x128xbf16, #tpu.memory_space<vmem>>, vector<32xbf16>,
        tpu.vector_store %arg17[%swap3A_444, %swap3A_445], %mul3A_443 {strides = array<i32>} : memref<80x128xbf16, #tpu.memory_space<vmem>>, vector<32xbf16>,
        %get3A_447 = arith.index_cast %add3A_427 : i32 to index
        %get3A_448 = arith.constant 64 : index
        %get3A_449 = tpu.vector_load %arg17[%get3A_447, %get3A_448] {strides = array<i32>} : memref<80x128xbf16, #tpu.memory_space<vmem>>, vector<32xbf16>,
        %mul3A_450 = arith.mulf %get3A_449, %pack3A_432 : vector<32xbf16>
        %swap3A_451 = arith.index_cast %add3A_427 : i32 to index
        %swap3A_452 = arith.constant 64 : index
        %swap3A_453 = tpu.vector_load %arg17[%swap3A_451, %swap3A_452] {strides = array<i32>} : memref<80x128xbf16, #tpu.memory_space<vmem>>, vector<32xbf16>,
        tpu.vector_store %arg17[%swap3A_451, %swap3A_452], %mul3A_450 {strides = array<i32>} : memref<80x128xbf16, #tpu.memory_space<vmem>>, vector<32xbf16>,
        %get3A_454 = arith.index_cast %add3A_427 : i32 to index
        %get3A_455 = arith.constant 96 : index
        %get3A_456 = tpu.vector_load %arg17[%get3A_454, %get3A_455] {strides = array<i32>} : memref<80x128xbf16, #tpu.memory_space<vmem>>, vector<32xbf16>,
        %mul3A_457 = arith.mulf %get3A_456, %pack3A_432 : vector<32xbf16>
        %swap3A_458 = arith.index_cast %add3A_427 : i32 to index
        %swap3A_459 = arith.constant 96 : index
        %swap3A_460 = tpu.vector_load %arg17[%swap3A_458, %swap3A_459] {strides = array<i32>} : memref<80x128xbf16, #tpu.memory_space<vmem>>, vector<32xbf16>,
        tpu.vector_store %arg17[%swap3A_458, %swap3A_459], %mul3A_457 {strides = array<i32>} : memref<80x128xbf16, #tpu.memory_space<vmem>>, vector<32xbf16>,
        %scan3A_461 = arith.constant 0 : i32
        scf.yield %scan3A_461 : i32
      }
      %scan3A_291 = arith.constant 20 : i32
      %dma_start3A_292 = arith.constant 0 : i32
      %dma_start3A_293 = tpu.memref_slice %arg9[%add3A_278, %dma_start3A_292] : memref<125x80xi32, #tpu.memory_space<vmem>> -> memref<1x80xi32, #tpu.memory_space<vmem>>
      %dma_start3A_294 = tpu.memref_squeeze %dma_start3A_293 : memref<1x80xi32, #tpu.memory_space<vmem>> -> memref<80xi32, #tpu.memory_space<vmem>>
      %dma_start3A_295 = arith.constant 0 : i32
      %dma_start3A_296 = arith.constant 0 : i32
      %dma_start3A_297 = tpu.memref_slice %arg20[%dma_start3A_295, %dma_start3A_296] : memref<10000x128xbf16, #tpu.memory_space<vmem_shared>> -> memref<10000x128xbf16, #tpu.memory_space<vmem_shared>>
      tpu.enqueue_indirect_dma source(%arg17 : memref<80x128xbf16, #tpu.memory_space<vmem>>) target(%dma_start3A_297 : memref<10000x128xbf16, #tpu.memory_space<vmem_shared>>) offsets(%dma_start3A_294 : memref<80xi32, #tpu.memory_space<vmem>>) semaphore(%arg31 : memref<!tpu.dma_semaphore, #tpu.memory_space<semaphore_mem>>) {add = true}
      %ge3A_298 = arith.constant 1 : i32
      %ge3A_299 = arith.cmpi sge, %add3A_278, %ge3A_298 : i32
      %convert_element_type3A_300 = arith.extui %ge3A_299 : i1 to i32
      %cond3A_301 = arith.constant 0 : i32
      %cond3A_302 = arith.cmpi ne, %convert_element_type3A_300, %cond3A_301 : i32
      scf.if %cond3A_302 {
        %sub3A_313 = arith.constant 1 : i32
        %sub3A_314 = arith.subi %add3A_278, %sub3A_313 : i32
        %dma_wait3A_315 = arith.constant 0 : i32
        %dma_wait3A_316 = tpu.memref_slice %arg9[%sub3A_314, %dma_wait3A_315] : memref<125x80xi32, #tpu.memory_space<vmem>> -> memref<1x80xi32, #tpu.memory_space<vmem>>
        %dma_wait3A_317 = tpu.memref_squeeze %dma_wait3A_316 : memref<1x80xi32, #tpu.memory_space<vmem>> -> memref<80xi32, #tpu.memory_space<vmem>>
        %dma_wait3A_318 = arith.constant 0 : i32
        %dma_wait3A_319 = arith.constant 0 : i32
        %dma_wait3A_320 = tpu.memref_slice %arg20[%dma_wait3A_318, %dma_wait3A_319] : memref<10000x128xbf16, #tpu.memory_space<vmem_shared>> -> memref<10000x128xbf16, #tpu.memory_space<vmem_shared>>
        tpu.wait_indirect_dma semaphore(%arg30 : memref<!tpu.dma_semaphore, #tpu.memory_space<semaphore_mem>>) src(%arg16 : memref<80x128xbf16, #tpu.memory_space<vmem>>) dst(%dma_wait3A_320 : memref<10000x128xbf16, #tpu.memory_space<vmem_shared>>)
      } else {
      }
      %add3A_303 = arith.constant 5 : i32
      %add3A_304 = arith.addi %add3A_278, %add3A_303 : i32
      %sub3A_305 = arith.constant 1 : i32
      %sub3A_306 = arith.subi %add3A_304, %sub3A_305 : i32
      %lt3A_307 = arith.constant 125 : i32
      %lt3A_308 = arith.cmpi slt, %sub3A_306, %lt3A_307 : i32
      %convert_element_type3A_309 = arith.extui %lt3A_308 : i1 to i32
      %cond3A_310 = arith.constant 0 : i32
      %cond3A_311 = arith.cmpi ne, %convert_element_type3A_309, %cond3A_310 : i32
      scf.if %cond3A_311 {
        %add3A_313 = arith.constant 5 : i32
        %add3A_314 = arith.addi %add3A_278, %add3A_313 : i32
        %sub3A_315 = arith.constant 1 : i32
        %sub3A_316 = arith.subi %add3A_314, %sub3A_315 : i32
        %dma_start3A_317 = arith.constant 0 : i32
        %dma_start3A_318 = tpu.memref_slice %arg10[%sub3A_316, %dma_start3A_317] : memref<125x80xi32, #tpu.memory_space<vmem>> -> memref<1x80xi32, #tpu.memory_space<vmem>>
        %dma_start3A_319 = tpu.memref_squeeze %dma_start3A_318 : memref<1x80xi32, #tpu.memory_space<vmem>> -> memref<80xi32, #tpu.memory_space<vmem>>
        %dma_start3A_320 = arith.constant 0 : i32
        %dma_start3A_321 = arith.constant 0 : i32
        %dma_start3A_322 = tpu.memref_slice %arg2[%dma_start3A_320, %dma_start3A_321] : memref<20000x128xbf16, #tpu.memory_space<hbm>> -> memref<20000x128xbf16, #tpu.memory_space<hbm>>
        tpu.enqueue_indirect_dma source(%dma_start3A_322 : memref<20000x128xbf16, #tpu.memory_space<hbm>>) target(%arg16 : memref<80x128xbf16, #tpu.memory_space<vmem>>) offsets(%dma_start3A_319 : memref<80xi32, #tpu.memory_space<vmem>>) semaphore(%arg25 : memref<!tpu.dma_semaphore, #tpu.memory_space<semaphore_mem>>)
      } else {
      }
      %scan3A_312 = arith.constant 0 : i32
      scf.yield %scan3A_312 : i32
    }
    %scan3A_114 = arith.constant 25 : i32
    %dma_wait3A = arith.constant 124 : i32
    %dma_wait3A_115 = arith.constant 0 : i32
    %dma_wait3A_116 = tpu.memref_slice %arg9[%dma_wait3A, %dma_wait3A_115] : memref<125x80xi32, #tpu.memory_space<vmem>> -> memref<1x80xi32, #tpu.memory_space<vmem>>
    %dma_wait3A_117 = tpu.memref_squeeze %dma_wait3A_116 : memref<1x80xi32, #tpu.memory_space<vmem>> -> memref<80xi32, #tpu.memory_space<vmem>>
    %dma_wait3A_118 = arith.constant 0 : i32
    %dma_wait3A_119 = arith.constant 0 : i32
    %dma_wait3A_120 = tpu.memref_slice %arg20[%dma_wait3A_118, %dma_wait3A_119] : memref<10000x128xbf16, #tpu.memory_space<vmem_shared>> -> memref<10000x128xbf16, #tpu.memory_space<vmem_shared>>
    tpu.wait_indirect_dma semaphore(%arg31 : memref<!tpu.dma_semaphore, #tpu.memory_space<semaphore_mem>>) src(%arg17 : memref<80x128xbf16, #tpu.memory_space<vmem>>) dst(%dma_wait3A_120 : memref<10000x128xbf16, #tpu.memory_space<vmem_shared>>)
    %barrier3A_121 = arith.constant 0 : index
    tpu.barrier barrier_id(%barrier3A_121)
    %lt3A_122 = arith.constant 10 : i32
    %lt3A_123 = arith.cmpi slt, %arg1, %lt3A_122 : i32
    %convert_element_type3A_124 = arith.extui %lt3A_123 : i1 to i32
    %cond3A_125 = arith.constant 0 : i32
    %cond3A_126 = arith.cmpi ne, %convert_element_type3A_124, %cond3A_125 : i32
    scf.if %cond3A_126 {
      %mul3A_127 = arith.constant 1000 : i32
      %mul3A_128 = arith.muli %arg1, %mul3A_127 : i32
      %mul3A_129 = arith.constant 1000 : i32
      %mul3A_130 = arith.muli %arg1, %mul3A_129 : i32
      %add3A_131 = arith.addi %mul3A_0, %mul3A_130 : i32
      "tpu.region"() ({
        %run_scoped3A = tpu.sem_alloc : memref<!tpu.dma_semaphore, #tpu.memory_space<semaphore_mem>>
        %dma_start3A_132 = arith.constant 0 : i32
        %dma_start3A_133 = tpu.memref_slice %arg7[%add3A_131, %dma_start3A_132] : memref<20000x128xbf16, #tpu.memory_space<hbm>> -> memref<1000x128xbf16, #tpu.memory_space<hbm>>
        %dma_start3A_134 = arith.constant 0 : i32
        %dma_start3A_135 = tpu.memref_slice %arg20[%mul3A_128, %dma_start3A_134] : memref<10000x128xbf16, #tpu.memory_space<vmem_shared>> -> memref<1000x128xbf16, #tpu.memory_space<vmem_shared>>
        tpu.enqueue_dma source(%dma_start3A_135 : memref<1000x128xbf16, #tpu.memory_space<vmem_shared>>) target(%dma_start3A_133 : memref<1000x128xbf16, #tpu.memory_space<hbm>>) target_semaphore(%run_scoped3A : memref<!tpu.dma_semaphore, #tpu.memory_space<semaphore_mem>>)
        %dma_wait3A_136 = arith.constant 0 : i32
        %dma_wait3A_137 = tpu.memref_slice %arg7[%add3A_131, %dma_wait3A_136] : memref<20000x128xbf16, #tpu.memory_space<hbm>> -> memref<1000x128xbf16, #tpu.memory_space<hbm>>
        %dma_wait3A_138 = arith.constant 0 : i32
        %dma_wait3A_139 = tpu.memref_slice %arg20[%mul3A_128, %dma_wait3A_138] : memref<10000x128xbf16, #tpu.memory_space<vmem_shared>> -> memref<1000x128xbf16, #tpu.memory_space<vmem_shared>>
        tpu.wait_dma2 semaphore(%run_scoped3A : memref<!tpu.dma_semaphore, #tpu.memory_space<semaphore_mem>>) src(%dma_wait3A_139 : memref<1000x128xbf16, #tpu.memory_space<vmem_shared>>) dst(%dma_wait3A_137 : memref<1000x128xbf16, #tpu.memory_space<hbm>>)
        tpu.yield
      }) : () -> ()
    } else {
    }
    return
  }
}

module attributes {stable_mosaic.version = 14 : i64} {
  func.func @body(%arg0: i32, %arg1: i32, %arg2: memref<1000x128xf32, #tpu.memory_space<vmem>>, %arg3: memref<128x2xf32, #tpu.memory_space<vmem>>, %arg4: memref<1000x128xbf16, #tpu.memory_space<vmem>>, %arg5: memref<1000x2xf32, #tpu.memory_space<vmem>>) attributes {dimension_semantics = [#tpu.dimension_semantics<arbitrary>, #tpu.dimension_semantics<arbitrary>], iteration_bounds = array<i64: 10, 2>, scalar_prefetch = 0 : i64, scratch_operands = 0 : i64, tpu.core_type = #tpu.core_type<tc>, window_params = [{transform_indices = @transform_0, window_bounds = array<i64: 1000, 128>}, {transform_indices = @transform_1, window_bounds = array<i64: 128, 2>}, {transform_indices = @transform_2, window_bounds = array<i64: 1000, 128>}, {transform_indices = @transform_3, window_bounds = array<i64: 1000, 2>}]} {
    %get3A = arith.constant 0 : index
    %get3A_0 = arith.constant 0 : index
    %get3A_1 = vector.load %arg2[%get3A, %get3A_0] : memref<1000x128xf32, #tpu.memory_space<vmem>>, vector<1000x128xf32>
    %convert_element_type3A = arith.truncf %get3A_1 : vector<1000x128xf32> to vector<1000x128xbf16>
    %swap3A = arith.constant 0 : index
    %swap3A_2 = arith.constant 0 : index
    %swap3A_3 = vector.load %arg4[%swap3A, %swap3A_2] : memref<1000x128xbf16, #tpu.memory_space<vmem>>, vector<1000x128xbf16>
    tpu.vector_store %arg4[%swap3A, %swap3A_2], %convert_element_type3A {strides = array<i32>} : memref<1000x128xbf16, #tpu.memory_space<vmem>>, vector<1000x128xbf16>,
    %get3A_4 = arith.constant 0 : index
    %get3A_5 = arith.constant 0 : index
    %get3A_6 = vector.load %arg3[%get3A_4, %get3A_5] : memref<128x2xf32, #tpu.memory_space<vmem>>, vector<128x2xf32>
    %dot_general3A = arith.constant dense<0.000000e+00> : vector<1000x2xf32>
    %dot_general3A_7 = tpu.matmul %get3A_1, %get3A_6, %dot_general3A {dimension_numbers = #tpu.dot_dimension_numbers<[1], [0], [0], [1], [0, 0, 1, 1], [], []>, transpose_lhs_hint = false} : vector<1000x128xf32>, vector<128x2xf32>, vector<1000x2xf32> -> vector<1000x2xf32>
    %eq3A = arith.constant 0 : i32
    %eq3A_8 = arith.cmpi eq, %arg1, %eq3A : i32
    %convert_element_type3A_9 = arith.extui %eq3A_8 : i1 to i32
    %cond3A = arith.constant 0 : i32
    %cond3A_10 = arith.cmpi ne, %convert_element_type3A_9, %cond3A : i32
    scf.if %cond3A_10 {
      %swap3A_16 = arith.constant 0 : index
      %swap3A_17 = arith.constant 0 : index
      %swap3A_18 = vector.load %arg5[%swap3A_16, %swap3A_17] : memref<1000x2xf32, #tpu.memory_space<vmem>>, vector<1000x2xf32>
      tpu.vector_store %arg5[%swap3A_16, %swap3A_17], %dot_general3A_7 {strides = array<i32>} : memref<1000x2xf32, #tpu.memory_space<vmem>>, vector<1000x2xf32>,
    } else {
    }
    %eq3A_11 = arith.constant 1 : i32
    %eq3A_12 = arith.cmpi eq, %arg1, %eq3A_11 : i32
    %convert_element_type3A_13 = arith.extui %eq3A_12 : i1 to i32
    %cond3A_14 = arith.constant 0 : i32
    %cond3A_15 = arith.cmpi ne, %convert_element_type3A_13, %cond3A_14 : i32
    scf.if %cond3A_15 {
      %get3A_16 = arith.constant 0 : index
      %get3A_17 = arith.constant 0 : index
      %get3A_18 = vector.load %arg5[%get3A_16, %get3A_17] : memref<1000x2xf32, #tpu.memory_space<vmem>>, vector<1000x2xf32>
      %add3A = arith.addf %get3A_18, %dot_general3A_7 : vector<1000x2xf32>
      %swap3A_19 = arith.constant 0 : index
      %swap3A_20 = arith.constant 0 : index
      %swap3A_21 = vector.load %arg5[%swap3A_19, %swap3A_20] : memref<1000x2xf32, #tpu.memory_space<vmem>>, vector<1000x2xf32>
      tpu.vector_store %arg5[%swap3A_19, %swap3A_20], %add3A {strides = array<i32>} : memref<1000x2xf32, #tpu.memory_space<vmem>>, vector<1000x2xf32>,
    } else {
    }
    return
  }
  func.func @transform_0(%arg0: i32, %arg1: i32) -> (i32, i32) {
    %c0_i32 = arith.constant 0 : i32
    return %arg0, %arg1 : i32, i32
  }
  func.func @transform_1(%arg0: i32, %arg1: i32) -> (i32, i32) {
    %c0_i32 = arith.constant 0 : i32
    %c0_i32_0 = arith.constant 0 : i32
    return %arg1, %c0_i32 : i32, i32
  }
  func.func @transform_2(%arg0: i32, %arg1: i32) -> (i32, i32) {
    %mul3A = arith.constant 10 : i32
    %mul3A_0 = arith.muli %arg1, %mul3A : i32
    %add3A = arith.addi %mul3A_0, %arg0 : i32
    %c0_i32 = arith.constant 0 : i32
    %c0_i32_1 = arith.constant 0 : i32
    return %add3A, %c0_i32 : i32, i32
  }
  func.func @transform_3(%arg0: i32, %arg1: i32) -> (i32, i32) {
    %c0_i32 = arith.constant 0 : i32
    %c0_i32_0 = arith.constant 0 : i32
    return %arg0, %c0_i32 : i32, i32
  }
}

module attributes {stable_mosaic.version = 14 : i64} {
  func.func @body(%arg0: i32, %arg1: memref<400x128xbf16, #tpu.memory_space<vmem>>, %arg2: memref<400x128xbf16, #tpu.memory_space<vmem>>, %arg3: memref<256x256xf32, #tpu.memory_space<vmem>>, %arg4: memref<8x256xf32, #tpu.memory_space<vmem>>, %arg5: memref<400x256xf32, #tpu.memory_space<vmem>>, %arg6: memref<400x256xf32, #tpu.memory_space<vmem>>) attributes {dimension_semantics = [#tpu.dimension_semantics<arbitrary>], iteration_bounds = array<i64: 25>, scalar_prefetch = 0 : i64, scratch_operands = 0 : i64, tpu.core_type = #tpu.core_type<tc>, window_params = [{transform_indices = @transform_0, window_bounds = array<i64: 400, 128>}, {transform_indices = @transform_1, window_bounds = array<i64: 400, 128>}, {pipeline_mode = #tpu.pipeline_mode<synchronous>, transform_indices = @transform_2, window_bounds = array<i64: 256, 256>}, {pipeline_mode = #tpu.pipeline_mode<synchronous>, transform_indices = @transform_3, window_bounds = array<i64: 8, 256>}, {transform_indices = @transform_4, window_bounds = array<i64: 400, 256>}, {transform_indices = @transform_5, window_bounds = array<i64: 400, 256>}]} {
    %get3A = arith.constant 0 : index
    %get3A_0 = arith.constant 0 : index
    %get3A_1 = vector.load %arg1[%get3A, %get3A_0] : memref<400x128xbf16, #tpu.memory_space<vmem>>, vector<400x128xbf16>
    %convert_element_type3A = arith.extf %get3A_1 : vector<400x128xbf16> to vector<400x128xf32>
    %get3A_2 = arith.constant 0 : index
    %get3A_3 = arith.constant 0 : index
    %get3A_4 = vector.load %arg3[%get3A_2, %get3A_3] : memref<256x256xf32, #tpu.memory_space<vmem>>, vector<256x128xf32>
    %dot_general3A = arith.constant dense<0.000000e+00> : vector<400x256xf32>
    %dot_general3A_5 = tpu.matmul %convert_element_type3A, %get3A_4, %dot_general3A {dimension_numbers = #tpu.dot_dimension_numbers<[1], [1], [0], [0], [0, 0, 1, 0], [], []>, transpose_lhs_hint = false} : vector<400x128xf32>, vector<256x128xf32>, vector<400x256xf32> -> vector<400x256xf32>
    %get3A_6 = arith.constant 0 : index
    %get3A_7 = arith.constant 0 : index
    %get3A_8 = vector.load %arg2[%get3A_6, %get3A_7] : memref<400x128xbf16, #tpu.memory_space<vmem>>, vector<400x128xbf16>
    %convert_element_type3A_9 = arith.extf %get3A_8 : vector<400x128xbf16> to vector<400x128xf32>
    %get3A_10 = arith.constant 0 : index
    %get3A_11 = arith.constant 128 : index
    %get3A_12 = vector.load %arg3[%get3A_10, %get3A_11] : memref<256x256xf32, #tpu.memory_space<vmem>>, vector<256x128xf32>
    %dot_general3A_13 = arith.constant dense<0.000000e+00> : vector<400x256xf32>
    %dot_general3A_14 = tpu.matmul %convert_element_type3A_9, %get3A_12, %dot_general3A_13 {dimension_numbers = #tpu.dot_dimension_numbers<[1], [1], [0], [0], [0, 0, 1, 0], [], []>, transpose_lhs_hint = false} : vector<400x128xf32>, vector<256x128xf32>, vector<400x256xf32> -> vector<400x256xf32>
    %add3A = arith.addf %dot_general3A_5, %dot_general3A_14 : vector<400x256xf32>
    %get3A_15 = arith.constant 0 : index
    %get3A_16 = arith.constant 0 : index
    %get3A_17 = vector.load %arg4[%get3A_15, %get3A_16] : memref<8x256xf32, #tpu.memory_space<vmem>>, vector<1x256xf32>
    %add3A_18 = vector.broadcast %get3A_17 : vector<1x256xf32> to vector<400x256xf32>
    %add3A_19 = arith.addf %add3A, %add3A_18 : vector<400x256xf32>
    %get3A_20 = arith.constant 0 : index
    %get3A_21 = arith.constant 0 : index
    %get3A_22 = vector.load %arg5[%get3A_20, %get3A_21] : memref<400x256xf32, #tpu.memory_space<vmem>>, vector<400x256xf32>
    %add3A_23 = arith.addf %add3A_19, %get3A_22 : vector<400x256xf32>
    %swap3A = arith.constant 0 : index
    %swap3A_24 = arith.constant 0 : index
    %swap3A_25 = vector.load %arg6[%swap3A, %swap3A_24] : memref<400x256xf32, #tpu.memory_space<vmem>>, vector<400x256xf32>
    tpu.vector_store %arg6[%swap3A, %swap3A_24], %add3A_23 {strides = array<i32>} : memref<400x256xf32, #tpu.memory_space<vmem>>, vector<400x256xf32>,
    return
  }
  func.func @transform_0(%arg0: i32) -> (i32, i32) {
    %c0_i32 = arith.constant 0 : i32
    %c0_i32_0 = arith.constant 0 : i32
    return %arg0, %c0_i32 : i32, i32
  }
  func.func @transform_1(%arg0: i32) -> (i32, i32) {
    %add3A = arith.constant 25 : i32
    %add3A_0 = arith.addi %add3A, %arg0 : i32
    %c0_i32 = arith.constant 0 : i32
    %c0_i32_1 = arith.constant 0 : i32
    return %add3A_0, %c0_i32 : i32, i32
  }
  func.func @transform_2(%arg0: i32) -> (i32, i32) {
    %c0_i32 = arith.constant 0 : i32
    %c0_i32_0 = arith.constant 0 : i32
    %c0_i32_1 = arith.constant 0 : i32
    return %c0_i32, %c0_i32_0 : i32, i32
  }
  func.func @transform_3(%arg0: i32) -> (i32, i32) {
    %c0_i32 = arith.constant 0 : i32
    %c0_i32_0 = arith.constant 0 : i32
    %c0_i32_1 = arith.constant 0 : i32
    return %c0_i32, %c0_i32_0 : i32, i32
  }
  func.func @transform_4(%arg0: i32) -> (i32, i32) {
    %c0_i32 = arith.constant 0 : i32
    %c0_i32_0 = arith.constant 0 : i32
    return %arg0, %c0_i32 : i32, i32
  }
  func.func @transform_5(%arg0: i32) -> (i32, i32) {
    %c0_i32 = arith.constant 0 : i32
    %c0_i32_0 = arith.constant 0 : i32
    return %arg0, %c0_i32 : i32, i32
  }
}

</mosaic_0001>

<sc_bundles>
// kernel: kernel.5.cloned.1.call-start
scs
__scs_entry_jumppad:
0x0: {  	(pc) =	sbr.rel $0x88, $3  }
0x1: {  	(tag) =	ssettag $0x0;
	lr =	simm.s32 $0x1  }
0x2: {  	[smem:$0x3F9B] =	sst lr;
	_ =	strace $0xD0000000  }
0x3: {  	_ = 	snop  }
0x4: {  	_ = 	snop  }
0x5: {  	_ = 	snop  }
0x6: {  	_ = 	snop  }
0x7: {  	_ = 	snop  }
__scs_overlays_trampoline_lowered:
0x8: {  	[smem:$0x3FAA] =	sst s0  }
0x9: {  	[smem:$0x3FAB] =	sst s1  }
0xa: {  	[smem:$0x3FAC] =	sst s2  }
0xb: {  	[smem:$0x3FAD] =	sst s3  }
0xc: {  	[smem:$0x3FAE] =	sst s4  }
0xd: {  	[smem:$0x3FAF] =	sst s5  }
0xe: {  	[smem:$0x3FB0] =	sst s6  }
0xf: {  	[smem:$0x3FB1] =	sst s7  }
0x10: {  	[smem:$0x3FB2] =	sst s8  }
0x11: {  	[smem:$0x3FB3] =	sst s9;
	s0 =	simm.s32 @!p0 $0x0  }
0x12: {  	s1 =	sld [smem:$0x3F99];
	s0 =	simm.s32 @p0 $0x1  }
0x13: {  	[smem:$0x3FB4] =	sst s0;
	s0 =	simm.s32 @!p1 $0x0  }
0x14: {  	s2 =	sld [smem:$0x3F98];
	s0 =	simm.s32 @p1 $0x1  }
0x15: {  	[smem:$0x3FB5] =	sst s0;
	s0 =	simm.s32 @!p2 $0x0  }
0x16: {  	s3 =	sld [smem:$0x3FDB];
	s0 =	simm.s32 @p2 $0x1  }
0x17: {  	s4 =	simm.s32 $0x1BF5;
	[smem:$0x3FB7] =	sst s0  }
0x18: {  	s0 =	sld [smem:$0x3F9A];
	_ =	swait.ge [sflag:s4], $0x0  }
0x19: {  	s7 =	sld [smem:$0x3F9B]  }
0x1a: {  	s8 =	sadd.s32 $0xFFFFE003, lr  }
0x1b: {  	s9 =	sadd.s32 $0xFFFFFEF7, lr;
	s5 =	simm.s32 $0xFFFFFFFF;
	p2 =	slt.u32 s8, $0xFFFFF086  }
0x1c: {  	p1 =	slt.u32 s9, $0xF7A;
	s5 =	simm.s32 @!p2 $0x0  }
0x1d: {  	s5 =	simm.s32 @p1 $0x1;
	p0 =	seq.s32 s7, s2  }
0x1e: {  	s7 =	smul.u32 @!p0 $0xF7A, s2;
	p2 =	seq.s32 @!p0 s5, $0x0  }
0x1f: {  	s9 =	smul.u32 $0xF7A, s1;
	s8 =	simm.s32 @!p0 $0x1BF5;
	p2 =	por !p2, p0  }
0x20: {  	[sflag:s8] =	ssyncset.s32 @!p0 $0xFFFFF086;
	s6 =	sadd.s32 @!p0 s3, s7;
	s7 =	simm.s32 @!p0 $0x108  }
0x21: {  	s3 =	sadd.s32 s3, s9;
	s6 =	sadd.s32 @!p0 $0x88, s6;
	s7 =	simm.s32 @p2 $0x1082  }
0x22: {  	[simem:s7], [sflag:s8] =	dma.local @!p0 [hbm:s6], $0xF7A  }
0x23: {  	s9 =	sor.u32 $0xD0000000, s2;
	s6 =	simm.s32 $0x108;
	_ =	swait.ge @!p0 [sflag:s8], $0x0  }
0x24: {  	s3 =	sadd.s32 $0x88, s3;
	s6 =	simm.s32 @!p1 $0x1082;
	[sflag:s4] =	ssyncset.s32 $0xFFFFF086  }
0x25: {  	[simem:s6], [sflag:s4] =	dma.local [hbm:s3], $0xF7A  }
0x26: {  	[smem:$0x3F9B] =	sst s1;
	(tag) =	ssettag s2;
	_ =	strace s9  }
0x27: {  	s1 =	sld [smem:$0x3FAB]  }
0x28: {  	s2 =	sld [smem:$0x3FAC]  }
0x29: {  	s4 =	sld [smem:$0x3FAE]  }
0x2a: {  	p0 =	seq.s32 s5, $0x0;
	s5 =	sld [smem:$0x3FAF]  }
0x2b: {  	s6 =	sld [smem:$0x3FB0]  }
0x2c: {  	s7 =	sld [smem:$0x3FB1]  }
0x2d: {  	s3 =	simm.s32 $0x108;
	s8 =	sld [smem:$0x3FB2]  }
0x2e: {  	s3 =	simm.s32 @!p0 $0x1082;
	s9 =	sld [smem:$0x3FB3]  }
0x2f: {  	lr =	sadd.s32 s0, s3;
	s0 =	sld [smem:$0x3FAA]  }
0x30: {  	s3 =	sld [smem:$0x3FAD]  }
0x31: {  	[smem:$0x3FB6] =	sst s10  }
0x32: {  	s10 =	sld [smem:$0x3FB4];
	_ =	sdelay $0x3  }
0x33: {  	p0 =	seq.s32 s10, $0x1;
	s10 =	sld [smem:$0x3FB6];
	_ =	sdelay $0x3  }
0x34: {  	[smem:$0x3FB6] =	sst s10  }
0x35: {  	s10 =	sld [smem:$0x3FB5];
	_ =	sdelay $0x3  }
0x36: {  	p1 =	seq.s32 s10, $0x1;
	s10 =	sld [smem:$0x3FB6];
	_ =	sdelay $0x3  }
0x37: {  	[smem:$0x3FB6] =	sst s10  }
0x38: {  	s10 =	sld [smem:$0x3FB7]  }
0x39: {  	_ = 	snop;
	(pc) =	sbr.ind lr, $3  }
0x3a: {  	_ = 	snop  }
0x3b: {  	_ = 	snop  }
0x3c: {  	p2 =	seq.s32 s10, $0x1;
	s10 =	sld [smem:$0x3FB6]  }
0x3d: {  	_ =	shalt  }
0x3e: {  	_ =	shalt  }
0x3f: {  	_ =	shalt  }
0x40: {  	_ =	shalt  }
0x41: {  	_ =	shalt  }
0x42: {  	_ =	shalt  }
0x43: {  	_ =	shalt  }
0x44: {  	_ =	shalt  }
0x45: {  	_ =	shalt  }
0x46: {  	_ =	shalt  }
0x47: {  	_ =	shalt  }
0x48: {  	_ =	shalt  }
0x49: {  	_ =	shalt  }
0x4a: {  	_ =	shalt  }
0x4b: {  	_ =	shalt  }
0x4c: {  	_ =	shalt  }
0x4d: {  	_ =	shalt  }
0x4e: {  	_ =	shalt  }
0x4f: {  	_ =	shalt  }
0x50: {  	_ =	shalt  }
0x51: {  	_ =	shalt  }
0x52: {  	_ =	shalt  }
0x53: {  	_ =	shalt  }
0x54: {  	_ =	shalt  }
0x55: {  	_ =	shalt  }
0x56: {  	_ =	shalt  }
0x57: {  	_ =	shalt  }
0x58: {  	_ =	shalt  }
0x59: {  	_ =	shalt  }
0x5a: {  	_ =	shalt  }
0x5b: {  	_ =	shalt  }
0x5c: {  	_ =	shalt  }
0x5d: {  	_ =	shalt  }
0x5e: {  	_ =	shalt  }
0x5f: {  	_ =	shalt  }
0x60: {  	_ =	shalt  }
0x61: {  	_ =	shalt  }
0x62: {  	_ =	shalt  }
0x63: {  	_ =	shalt  }
0x64: {  	_ =	shalt  }
0x65: {  	_ =	shalt  }
0x66: {  	_ =	shalt  }
0x67: {  	_ =	shalt  }
0x68: {  	_ =	shalt  }
0x69: {  	_ =	shalt  }
0x6a: {  	_ =	shalt  }
0x6b: {  	_ =	shalt  }
0x6c: {  	_ =	shalt  }
0x6d: {  	_ =	shalt  }
0x6e: {  	_ =	shalt  }
0x6f: {  	_ =	shalt  }
0x70: {  	_ =	shalt  }
0x71: {  	_ =	shalt  }
0x72: {  	_ =	shalt  }
0x73: {  	_ =	shalt  }
0x74: {  	_ =	shalt  }
0x75: {  	_ =	shalt  }
0x76: {  	_ =	shalt  }
0x77: {  	_ =	shalt  }
0x78: {  	_ =	shalt  }
0x79: {  	_ =	shalt  }
0x7a: {  	_ =	shalt  }
0x7b: {  	_ =	shalt  }
0x7c: {  	_ =	shalt  }
0x7d: {  	_ =	shalt  }
0x7e: {  	_ =	shalt  }
0x7f: {  	_ =	shalt  }
0x80: {  	_ =	shalt  }
0x81: {  	_ =	shalt  }
0x82: {  	_ =	shalt  }
0x83: {  	_ =	shalt  }
0x84: {  	_ =	shalt  }
0x85: {  	_ =	shalt  }
0x86: {  	_ =	shalt  }
0x87: {  	_ =	shalt  }
.Lfunc_end0:
.L_simem_size_0:
called_computation_lowered:
.L_overlay_start_0:
0x88: {  	s2 =	sld [smem:$0x3FD9]  }
0x89: {  	s3 =	sld [smem:$0x3FFE];
	_ =	sdelay $0x1  }
0x8a: {  	s1 =	srdreg.scid  }
0x8b: {  	s0 =	sand.u32 $0x1, s1  }
0x8c: {  	s17 =	sshll.u32 s0, $0xA;
	s2 =	sadd.s32 s3, s2  }
0x8d: {  	s2 =	sadd.s32 s2, s17  }
0x8e: {  	[smem:$0x3FC2] =	sst s2  }
0x8f: {  	_ = 	snop  }
0x90: {  	s2 =	sld [smem:$0x3FD0];
	(tm) =	ssettm $0x1  }
0x91: {  	s18 =	sld [smem:$0x3FFB];
	_ =	sdelay $0x3  }
0x92: {  	_ =	strace s18  }
0x93: {  	s3 =	sld [smem:$0x3FFC];
	_ =	sdelay $0x3  }
0x94: {  	_ =	strace s3  }
0x95: {  	s3 =	sld [smem:$0x3FFD];
	_ =	sdelay $0x3  }
0x96: {  	_ =	strace s3  }
0x97: {  	_ =	strace $0x8FFFFFFF  }
0x98: {  	s19 =	sld [smem:$0x3FDB];
	_ =	sdelay $0x1  }
0x99: {  	s4 =	simm.s32 $_scs_section_size  }
0x9a: {  	s5 =	simm.s32 $_size__tile_overlayer_lowered;
	s6 =	simm.s32 $_tile_overlayer_lowered  }
0x9b: {  	s22 =	simm.s32 $0x1BFF;
	s21 =	sshll.u32 s6, $0x1;
	s3 =	sadd.s32 s4, s19  }
0x9c: {  	s7 =	simm.s32 $0x0;
	s20 =	sshll.u32 s5, $0x1;
	s5 =	sadd.s32 s21, s3  }
0x9d: {  	[timem:s7], [sflag:s22] =	dma.local [hbm:s5], s20  }
0x9e: {  	_ =	swait.ge [sflag:s22], s20  }
0x9f: {  	s4 =	ssub.s32 $0x0, s20;
	[sflag:s22] =	ssyncset.done $0x0  }
0xa0: {  	[sflag:s22] =	ssyncadd.s32 s4;
	_ =	sdelay $0x1  }
0xa1: {  	s23 =	simm.s32 $0x1B8B  }
0xa2: {  	_ =	swait.ge [sflag:s23], $0x1  }
0xa3: {  	[sflag:s23] =	ssyncset.done $0x0  }
0xa4: {  	s25 =	simm.s32 $0x1B8E;
	s24 =	sld [smem:$0x3FFE];
	[sflag:s23] =	ssyncadd.s32 $0xFFFFFFFF  }
0xa5: {  	s26 =	simm.s32 $execute0_lowered;
	[smem:$0x3FD2] =	sst s25  }
0xa6: {  	s5 =	sshll.u32 s26, $0x1;
	_ =	strace $0x80000046;
	[dreg:$0x1] =	wrdreg $0xFFFFFFFF  }
0xa7: {  	s28 =	simm.s32 $_size_execute0_lowered;
	s3 =	sadd.s32 s3, s5;
	[dreg:$0x0] =	wrdreg $0x0  }
0xa8: {  	s5 =	sshll.u32 s28, $0x1;
	[dreg:$0x2] =	wrdreg s3  }
0xa9: {  	[dreg:$0x3] =	wrdreg s5  }
0xaa: {  	[dreg:$0x4] =	wrdreg $0xC0  }
0xab: {  	_ =	task [dreg:s7], $0x5FFFF  }
0xac: {  	[dreg:$0x1] =	wrdreg $0xFFFFFFFF  }
0xad: {  	[dreg:$0x0] =	wrdreg $0x60  }
0xae: {  	[dreg:$0x2] =	wrdreg s2  }
0xaf: {  	[dreg:$0x3] =	wrdreg s24  }
0xb0: {  	[dreg:$0x4] =	wrdreg $0x150700  }
0xb1: {  	[dreg:$0x5] =	wrdreg $0x1ECB00  }
0xb2: {  	[dreg:$0x6] =	wrdreg $0x9  }
0xb3: {  	_ =	task.clear_ibuf [dreg:s7], $0x7FFFF;
	_ =	strace $0x90000046  }
0xb4: {  	s29 =	simm.s32 $0x9;
	_ =	strace $0x80000048  }
0xb5: {  	_ =	swait.ge [sflag:s29], $0x1  }
0xb6: {  	[sflag:s29] =	ssyncadd.s32 $0xFFFFFFFF  }
0xb7: {  	_ =	strace $0x90000048  }
0xb8: {  	_ =	sfence  }
0xb9: {  	s30 =	sld [smem:$0x0];
	_ =	sdelay $0x2  }
0xba: {  	s31 =	sshll.u32 s1, $0xD;
	s1 =	sshrl.u32 s1, $0x2  }
0xbb: {  	s3 =	sand.u32 $0x4000, s31;
	s1 =	sadd.s32 s1, s30  }
0xbc: {  	s0 =	sor.u32 s3, s0;
	s1 =	sshll.u32 s1, $0x11  }
0xbd: {  	s0 =	sor.u32 s1, s0  }
0xbe: {  	s0 =	sadd.s32 $0x8F2B, s0  }
0xbf: {  	[sflag:s0] =	ssyncadd.remote.s32 $0x1  }
0xc0: {  	_ =	sfence.sel $0xFFFF  }
0xc1: {  	[dreg:$0x0] =	wrdreg $0xFFFFFFFF;
	(pc) =	sbr.abs _section_cstart, $3  }
0xc2: {  	[dreg:$0x1] =	wrdreg $0xFFFFFFFF  }
0xc3: {  	_ =	task.clear_ibuf [dreg:s7], $0x2FFFF;
	_ =	strace $0x9FFFFFFF  }
0xc4: {  	(tm) =	ssettm $0x7FFFFFFF  }
0xc5: {  	_ =	shalt  }
tec
execute0_lowered:
.L_overlay_start_1:
0x0: {  	(tag) =	ssettag $0x1  }
0x1: {  	s1 =	rddreg [dreg:$0x0]  }
0x2: {  	s0 =	rddreg [dreg:$0x1]  }
0x3: {  	s3 =	rddreg [dreg:$0x2];
	s8 =	stileid.u32  }
0x4: {  	s2 =	srdreg.scid;
	s11 =	rddreg [dreg:$0x3];
	s6 =	simm.s32 $0x0  }
0x5: {  	s15 =	simm.s32 $0x9C40;
	s16 =	simm.s32 $0xB;
	s12 =	simm.s32 $0x14E60  }
0x6: {  	s29 =	simm.s32 $0x12660;
	s14 =	simm.s32 $0x14E70;
	s31 =	simm.s32 $0x1  }
0x7: {  	s28 =	simm.s32 $0x4;
	s9 =	simm.s32 $0x0;
	s4 =	smul.u32 $0x2710, s8  }
0x8: {  	s2 =	sand.u32 $0x1, s2;
	[smem:$0x7FF] =	sst s6;
	s19 =	smul.u32 $0x3E8, s8  }
0x9: {  	s7 =	sadd.s32 $0x1000, s0;
	s20 =	sadd.s32 $0xDA00, s0;
	s21 =	sadd.s32 $0xB800, s0  }
0xa: {  	s23 =	smul.u32 $0x3E800, s8;
	_ =	strace $0x80000047;
	[dreg:$0x5] =	wrdreg s7  }
0xb: {  	s25 =	sshll.u32 s8, $0x4;
	p0 =	sgt.u32 s8, $0x9;
	[dreg:$0x6] =	wrdreg s20  }
0xc: {  	s5 =	smul.u32 $0x2710, s2;
	[dreg:$0x7] =	wrdreg s21;
	s2 =	ssub.s32 $0x2, s2  }
0xd: {  	s20 =	simm.s32 $0x50;
	s21 =	simm.s32 $0x2;
	s7 =	simm.s32 $0x9  }
0xe: {  	s4 =	sshrl.u32 s4, $0x3;
	s22 =	sshrl.u32 s2, $0x1;
	s26 =	sshrl.u32 s23, $0x2  }
0xf: {  	s23 =	simm.s32 $0x6;
	s4 =	sadd.s32 s4, s0;
	s6 =	sadd.s32 s19, s5  }
0x10: {  	s2 =	ssub.s32 s2, s22;
	s22 =	simm.s32 $0xEA60;
	s6 =	sshll.u32 s6, $0x3  }
0x11: {  	s24 =	sadd.s32 $0x1A00, s4;
	s4 =	sadd.s32 $0x6820, s4;
	s30 =	smax.u32 s2, $0x1  }
0x12: {  	s2 =	simm.s32 $0x7530;
	s0 =	sadd.s32 s6, s0;
	[dreg:$0x8] =	wrdreg s24  }
0x13: {  	[dreg:$0x9] =	wrdreg s4;
	s6 =	sadd.s32 s25, s11;
	s4 =	sadd.s32 s26, s3  }
0x14: {  	[dreg:$0xd] =	wrdreg s30;
	s24 =	simm.s32 $0xFE60;
	s26 =	simm.s32 $0x11260  }
.Ltmp0:
0x15: {  	[dreg:$0xa] =	wrdreg s6;
	s6 =	sadd.s32 $0x100, s6;
	(pc) =	sbr.rel .LBB2_1-.Ltmp0, $4  }
0x16: {  	s25 =	simm.s32 $0x7;
	s0 =	sadd.s32 $0xDC00, s0;
	[dreg:$0xb] =	wrdreg s6  }
0x17: {  	s13 =	sshrl.u32 @!p0 s4, $0x3;
	[dreg:$0xc] =	wrdreg s0;
	s0 =	sshll.u32 @!p0 s8, $0x6  }
0x18: {  	s4 =	simm.s32 $0x8;
	[dreg:$0xf] =	wrdreg s13;
	s10 =	sor.u32 @!p0 $0x1C0B, s0  }
0x19: {  	v0 =	vmov s5;
	s6 =	simm.s32 $0x5;
	s0 =	simm.s32 $0x13A60;
	[dreg:$0xe] =	wrdreg s10  }
.LBB2_22:
0x1a: {  	s5 =	simm.s32 $0xA  }
0x1b: {  	_ =	swait.ge [sflag:s5], $0x1400  }
0x1c: {  	[sflag:s5] =	ssyncset.done $0x0  }
0x1d: {  	[sflag:s5] =	ssyncadd.s32 $0xFFFFEC00  }
0x1e: {  	[bflag:$0x0] =	sbarrier.arrive $0xFFFF  }
0x1f: {  	s5 =	rddreg [dreg:$0xc]  }
0x20: {  	s10 =	rddreg [dreg:$0xe]  }
0x21: {  	s13 =	rddreg [dreg:$0xf]  }
0x22: {  	[hbm:s5], [sflag:s10] =	dma.local @!p0 [spmem:s13], $0x1F40  }
0x23: {  	s5 =	simm.s32 @!p0 $0xB  }
0x24: {  	_ =	swait.ge @!p0 [sflag:s5], $0x1F40  }
0x25: {  	s9 =	rddreg [dreg:$0x10]  }
0x26: {  	s8 =	rddreg [dreg:$0xd];
	s9 =	sadd.s32 $0x1, s9  }
0x27: {  	p1 =	sne.s32 s9, s8  }
.Ltmp1:
0x28: {  	_ = 	snop;
	(pc) =	sbr.rel @!p1 .LBB2_23-.Ltmp1, $4  }
0x29: {  	_ = 	snop  }
0x2a: {  	[sflag:s5] =	ssyncset.done @!p0 $0x0  }
0x2b: {  	[sflag:s5] =	ssyncadd.s32 @!p0 $0xFFFFE0C0  }
0x2c: {  	s12 =	simm.s32 $0x14E60;
	s14 =	simm.s32 $0x14E70;
	s11 =	rddreg [dreg:$0x3]  }
.LBB2_1:
0x2d: {  	[dreg:$0x10] =	wrdreg s9  }
0x2e: {  	s5 =	simm.s32 $0x0;
	s8 =	rddreg [dreg:$0x5]  }
0x2f: {  	[tilespmem:s15], [sflag:$0xB] =	stream.linear.gather [hbm4b:s8+s5], $0x4E20, $0x38;
	[tilespmem:$0x1ECD0] =	vst v63  }
0x30: {  	_ =	swait.ge [sflag:s16], $0x4E20  }
0x31: {  	[sflag:s16] =	ssyncset.done $0x0  }
0x32: {  	s19 =	rddreg [dreg:$0x6];
	[sflag:s16] =	ssyncadd.s32 $0xFFFFB1E0  }
0x33: {  	[tilespmem:s12], [sflag:$0xB] =	stream.linear.gather [hbm4b:s19+s5], $0x10, $0x38;
	[tilespmem:$0x1ECD0] =	vst v63  }
0x34: {  	_ =	swait.ge [sflag:s16], $0x10  }
0x35: {  	[sflag:s16] =	ssyncset.done $0x0  }
0x36: {  	s30 =	rddreg [dreg:$0x8];
	[sflag:s16] =	ssyncadd.s32 $0xFFFFFFF0  }
0x37: {  	v1 =	vld [tilespmem:$0x14E60];
	[tilespmem:s5], [sflag:$0xB] =	stream.linear.gather [hbm4b:s30+s5], $0x2710, $0x38  }
0x38: {  	_ =	swait.ge [sflag:s16], $0x2710  }
0x39: {  	[sflag:s16] =	ssyncset.done $0x0  }
0x3a: {  	s5 =	simm.s32 $0x0;
	[sflag:s16] =	ssyncadd.s32 $0xFFFFD8F0  }
0x3b: {  	v2 =	vld [tilespmem:s5+$0x40]  }
0x3c: {  	v3 =	vld [tilespmem:s5+$0x0]  }
0x3d: {  	v4 =	vld [tilespmem:s5+$0x10]  }
0x3e: {  	v5 =	vld [tilespmem:s5+$0x20]  }
0x3f: {  	s8 =	simm.s32 $0x140;
	v6 =	vld [tilespmem:s5+$0x30]  }
.LBB2_2:
0x40: {  	s9 =	sshra.s32 s8, $0x2;
	p1 =	sne.s32 s8, $0x9B00;
	s8 =	sadd.s32 $0x140, s8;
	[tilespmem:s5+$0x2750] =	vst v2  }
.Ltmp2:
0x41: {  	v2 =	vld [tilespmem:s9+$0x40];
	[tilespmem:s5+$0x2710] =	vst v3;
	(pc) =	sbr.rel @p1 .LBB2_2-.Ltmp2, $4  }
0x42: {  	v3 =	vld [tilespmem:s9+$0x0];
	[tilespmem:s5+$0x2720] =	vst v4  }
0x43: {  	v4 =	vld [tilespmem:s9+$0x10];
	[tilespmem:s5+$0x2730] =	vst v5  }
0x44: {  	v5 =	vld [tilespmem:s9+$0x20];
	[tilespmem:s5+$0x2740] =	vst v6;
	s5 =	smov.u32 s9  }
0x45: {  	v6 =	vld [tilespmem:s5+$0x30]  }
0x46: {  	[tilespmem:s5+$0x2750] =	vst v2  }
0x47: {  	[tilespmem:s5+$0x2710] =	vst v3  }
0x48: {  	[tilespmem:s5+$0x2720] =	vst v4  }
0x49: {  	[tilespmem:s5+$0x2730] =	vst v5  }
0x4a: {  	s30 =	simm.s32 $0x0;
	s8 =	rddreg [dreg:$0x9];
	[tilespmem:s5+$0x2740] =	vst v6  }
0x4b: {  	[tilespmem:s30], [sflag:$0xB] =	stream.linear.gather [hbm4b:s8+s30], $0x2710, $0x38;
	[tilespmem:$0x1ECD0] =	vst v63  }
0x4c: {  	_ =	swait.ge [sflag:s16], $0x2710  }
0x4d: {  	[sflag:s16] =	ssyncset.done $0x0  }
0x4e: {  	s5 =	simm.s32 $0x0;
	[sflag:s16] =	ssyncadd.s32 $0xFFFFD8F0  }
0x4f: {  	v2 =	vld [tilespmem:s5+$0x40]  }
0x50: {  	v3 =	vld [tilespmem:s5+$0x0]  }
0x51: {  	v4 =	vld [tilespmem:s5+$0x10]  }
0x52: {  	v5 =	vld [tilespmem:s5+$0x20]  }
0x53: {  	s8 =	simm.s32 $0x140;
	v6 =	vld [tilespmem:s5+$0x30]  }
.LBB2_4:
0x54: {  	s9 =	sshra.s32 s8, $0x2;
	p1 =	sne.s32 s8, $0x9B00;
	s8 =	sadd.s32 $0x140, s8;
	[tilespmem:s5+$0x4E60] =	vst v2  }
.Ltmp3:
0x55: {  	v2 =	vld [tilespmem:s9+$0x40];
	[tilespmem:s5+$0x4E20] =	vst v3;
	(pc) =	sbr.rel @p1 .LBB2_4-.Ltmp3, $4  }
0x56: {  	v3 =	vld [tilespmem:s9+$0x0];
	[tilespmem:s5+$0x4E30] =	vst v4  }
0x57: {  	v4 =	vld [tilespmem:s9+$0x10];
	[tilespmem:s5+$0x4E40] =	vst v5  }
0x58: {  	v5 =	vld [tilespmem:s9+$0x20];
	[tilespmem:s5+$0x4E50] =	vst v6;
	s5 =	smov.u32 s9  }
0x59: {  	v6 =	vld [tilespmem:s5+$0x30]  }
0x5a: {  	[tilespmem:s5+$0x4E60] =	vst v2  }
0x5b: {  	[tilespmem:s5+$0x4E20] =	vst v3  }
0x5c: {  	[tilespmem:s5+$0x4E30] =	vst v4  }
0x5d: {  	[tilespmem:s5+$0x4E40] =	vst v5  }
0x5e: {  	[tilespmem:s5+$0x4E50] =	vst v6;
	s5 =	rddreg [dreg:$0x7]  }
0x5f: {  	[spmem:s13], [sflag:s10] =	dma.local @!p0 [hbm:s5], $0x1F40  }
0x60: {  	s5 =	simm.s32 @!p0 $0xB  }
0x61: {  	_ =	swait.ge @!p0 [sflag:s5], $0x1F40  }
0x62: {  	[sflag:s5] =	ssyncset.done @!p0 $0x0  }
0x63: {  	[sflag:s5] =	ssyncadd.s32 @!p0 $0xFFFFE0C0;
	s5 =	simm.s32 $0x0  }
0x64: {  	v2 =	vld [tilespmem:s5+$0x4E20]  }
0x65: {  	v3 =	vld [tilespmem:s5+$0x2710];
	_ =	sdelay $0x4  }
0x66: {  	v4 =	vshll.u32 v2, $0x1;
	v3 =	vshll.u32 v3, $0x1  }
0x67: {  	v4 =	vor.u32 $0x1, v4;
	_ =	sdelay $0x3  }
0x68: {  	v3 =	vld.idx.msk [tilespmem:v3+s15+$0x0], $0xffff  }
0x69: {  	v4 =	vld.idx.msk [tilespmem:v4+s15+$0x0], $0xffff;
	_ =	sdelay $0x1  }
0x6a: {  	v5 =	vld [tilespmem:s5+$0x2720]  }
0x6b: {  	v6 =	vld [tilespmem:s5+$0x4E30];
	_ =	sdelay $0x1  }
0x6c: {  	v3 =	vadd.f32 v4, v3;
	_ =	sdelay $0x1  }
0x6d: {  	v3 =	vadd.f32 v3, v1  }
0x6e: {  	v5 =	vshll.u32 v5, $0x1;
	v7 =	vshll.u32 v6, $0x1  }
0x6f: {  	v7 =	vor.u32 $0x1, v7;
	v9 =	vmul.f32 $9.999999770e-03, v3  }
0x70: {  	v2 =	vadd.s32 v0, v2;
	vm0 =	vge.f32 v3, $0.0e+00  }
0x71: {  	[tilespmem:s5+$0x4E20] =	vst v2;
	v3 =	vsel vm0, v3, v9  }
0x72: {  	[tilespmem:s5+$0x7530] =	vst v3  }
0x73: {  	v2 =	vld.idx.msk [tilespmem:v5+s15+$0x0], $0xffff  }
0x74: {  	v5 =	vld.idx.msk [tilespmem:v7+s15+$0x0], $0xffff;
	_ =	sdelay $0x1  }
0x75: {  	v4 =	vld [tilespmem:s5+$0x2730]  }
0x76: {  	v7 =	vld [tilespmem:s5+$0x4E40];
	_ =	sdelay $0x1  }
0x77: {  	v2 =	vadd.f32 v5, v2;
	_ =	sdelay $0x1  }
0x78: {  	v2 =	vadd.f32 v2, v1  }
0x79: {  	v4 =	vshll.u32 v4, $0x1;
	v5 =	vshll.u32 v7, $0x1  }
0x7a: {  	v5 =	vor.u32 $0x1, v5;
	v9 =	vmul.f32 $9.999999770e-03, v2  }
0x7b: {  	v6 =	vadd.s32 v0, v6;
	vm13 =	vge.f32 v2, $0.0e+00  }
0x7c: {  	[tilespmem:s5+$0x4E30] =	vst v6;
	v2 =	vsel vm13, v2, v9  }
0x7d: {  	[tilespmem:s5+$0x7540] =	vst v2  }
0x7e: {  	v4 =	vld.idx.msk [tilespmem:v4+s15+$0x0], $0xffff  }
0x7f: {  	v5 =	vld.idx.msk [tilespmem:v5+s15+$0x0], $0xffff;
	_ =	sdelay $0x1  }
0x80: {  	v8 =	vld [tilespmem:s5+$0x2740];
	v6 =	vadd.s32 v0, v7  }
0x81: {  	[tilespmem:s5+$0x4E40] =	vst v6;
	v6 =	vld [tilespmem:s5+$0x4E50];
	_ =	sdelay $0x1  }
0x82: {  	v4 =	vadd.f32 v5, v4;
	_ =	sdelay $0x1  }
0x83: {  	v4 =	vadd.f32 v4, v1  }
0x84: {  	v5 =	vshll.u32 v8, $0x1;
	v7 =	vshll.u32 v6, $0x1  }
0x85: {  	v7 =	vor.u32 $0x1, v7;
	v8 =	vmul.f32 $9.999999770e-03, v4  }
0x86: {  	vm14 =	vge.f32 v4, $0.0e+00  }
0x87: {  	v4 =	vsel vm14, v4, v8  }
0x88: {  	[tilespmem:s5+$0x7550] =	vst v4  }
0x89: {  	v5 =	vld.idx.msk [tilespmem:v5+s15+$0x0], $0xffff  }
0x8a: {  	v7 =	vld.idx.msk [tilespmem:v7+s15+$0x0], $0xffff;
	_ =	sdelay $0x1  }
0x8b: {  	v10 =	vld [tilespmem:s5+$0x2750]  }
0x8c: {  	v8 =	vld [tilespmem:s5+$0x4E60];
	_ =	sdelay $0x1  }
0x8d: {  	v5 =	vadd.f32 v7, v5;
	_ =	sdelay $0x1  }
0x8e: {  	v6 =	vadd.s32 v0, v6;
	v5 =	vadd.f32 v5, v1  }
0x8f: {  	[tilespmem:s5+$0x4E50] =	vst v6;
	v6 =	vshll.u32 v8, $0x1;
	v7 =	vshll.u32 v10, $0x1  }
0x90: {  	v9 =	vor.u32 $0x1, v6;
	v6 =	vmul.f32 $9.999999770e-03, v5  }
0x91: {  	vm15 =	vge.f32 v5, $0.0e+00  }
0x92: {  	v6 =	vsel vm15, v5, v6  }
0x93: {  	[tilespmem:s5+$0x7560] =	vst v6  }
0x94: {  	v5 =	vld.idx.msk [tilespmem:v7+s15+$0x0], $0xffff  }
0x95: {  	v11 =	vld.idx.msk [tilespmem:v9+s15+$0x0], $0xffff;
	v7 =	vadd.s32 v0, v8  }
0x96: {  	s10 =	simm.s32 $0x50;
	[tilespmem:s5+$0x4E60] =	vst v7  }
0x97: {  	v8 =	vld [tilespmem:s10+$0x4E20]  }
0x98: {  	v10 =	vld [tilespmem:s10+$0x2710]  }
0x99: {  	v9 =	vld [tilespmem:s10+$0x2720]  }
0x9a: {  	v12 =	vimm.f32 $-Inf;
	v7 =	vld [tilespmem:s10+$0x2730];
	v11 =	vadd.f32 v11, v5  }
0x9b: {  	s9 =	simm.s32 $0x280;
	v3 =	vmax.f32 v12, v3;
	v5 =	vld [tilespmem:s10+$0x2740]  }
.LBB2_6:
0x9c: {  	p1 =	sne.s32 s9, $0x9B00;
	v12 =	vshll.u32 v8, $0x1;
	v13 =	vld [tilespmem:s10+$0x2750];
	v11 =	vadd.f32 v11, v1;
	s8 =	smov.u32 s9;
	s9 =	sadd.s32 $0x140, s9  }
0x9d: {  	v2 =	vmax.f32 v3, v2;
	v10 =	vshll.u32 v10, $0x1;
	v12 =	vor.u32 $0x1, v12  }
0x9e: {  	v2 =	vmax.f32 v2, v4;
	vm0 =	vge.f32 v11, $0.0e+00;
	v3 =	vmul.f32 $9.999999770e-03, v11  }
0x9f: {  	v2 =	vmax.f32 v2, v6  }
0xa0: {  	v3 =	vsel vm0, v11, v3  }
0xa1: {  	v2 =	vmax.f32 v2, v3;
	[tilespmem:s5+$0x7570] =	vst v3;
	s5 =	smov.u32 s10  }
0xa2: {  	v3 =	vld.idx.msk [tilespmem:v12+s15+$0x0], $0xffff  }
0xa3: {  	v4 =	vld.idx.msk [tilespmem:v10+s15+$0x0], $0xffff;
	_ =	sdelay $0x3  }
0xa4: {  	v6 =	vld [tilespmem:s5+$0x4E30];
	_ =	sdelay $0x1  }
0xa5: {  	v3 =	vadd.f32 v3, v4;
	_ =	sdelay $0x1  }
0xa6: {  	v3 =	vadd.f32 v3, v1  }
0xa7: {  	v4 =	vshll.u32 v9, $0x1;
	v9 =	vshll.u32 v6, $0x1  }
0xa8: {  	v10 =	vmul.f32 $9.999999770e-03, v3;
	v9 =	vor.u32 $0x1, v9  }
0xa9: {  	v8 =	vadd.s32 v0, v8;
	vm0 =	vge.f32 v3, $0.0e+00  }
0xaa: {  	v10 =	vsel vm0, v3, v10;
	[tilespmem:s5+$0x4E20] =	vst v8  }
0xab: {  	v3 =	vmax.f32 v2, v10;
	[tilespmem:s5+$0x7530] =	vst v10  }
0xac: {  	v2 =	vld.idx.msk [tilespmem:v4+s15+$0x0], $0xffff  }
0xad: {  	v4 =	vld.idx.msk [tilespmem:v9+s15+$0x0], $0xffff;
	_ =	sdelay $0x3  }
0xae: {  	v8 =	vld [tilespmem:s5+$0x4E40];
	_ =	sdelay $0x1  }
0xaf: {  	v2 =	vadd.f32 v4, v2;
	_ =	sdelay $0x1  }
0xb0: {  	v2 =	vadd.f32 v2, v1  }
0xb1: {  	v4 =	vshll.u32 v7, $0x1;
	v7 =	vshll.u32 v8, $0x1  }
0xb2: {  	v9 =	vmul.f32 $9.999999770e-03, v2;
	v7 =	vor.u32 $0x1, v7  }
0xb3: {  	v6 =	vadd.s32 v0, v6;
	vm0 =	vge.f32 v2, $0.0e+00  }
0xb4: {  	v2 =	vsel vm0, v2, v9;
	[tilespmem:s5+$0x4E30] =	vst v6  }
0xb5: {  	[tilespmem:s5+$0x7540] =	vst v2  }
0xb6: {  	v4 =	vld.idx.msk [tilespmem:v4+s15+$0x0], $0xffff  }
0xb7: {  	v6 =	vld.idx.msk [tilespmem:v7+s15+$0x0], $0xffff;
	v7 =	vadd.s32 v0, v8  }
0xb8: {  	[tilespmem:s5+$0x4E40] =	vst v7;
	_ =	sdelay $0x2  }
0xb9: {  	v7 =	vld [tilespmem:s5+$0x4E50];
	_ =	sdelay $0x1  }
0xba: {  	v4 =	vadd.f32 v6, v4;
	_ =	sdelay $0x1  }
0xbb: {  	v4 =	vadd.f32 v4, v1  }
0xbc: {  	v5 =	vshll.u32 v5, $0x1;
	v6 =	vshll.u32 v7, $0x1  }
0xbd: {  	v8 =	vmul.f32 $9.999999770e-03, v4;
	v6 =	vor.u32 $0x1, v6  }
0xbe: {  	vm0 =	vge.f32 v4, $0.0e+00  }
0xbf: {  	v4 =	vsel vm0, v4, v8  }
0xc0: {  	[tilespmem:s5+$0x7550] =	vst v4  }
0xc1: {  	v5 =	vld.idx.msk [tilespmem:v5+s15+$0x0], $0xffff  }
0xc2: {  	v7 =	vadd.s32 v0, v7;
	v6 =	vld.idx.msk [tilespmem:v6+s15+$0x0], $0xffff  }
0xc3: {  	[tilespmem:s5+$0x4E50] =	vst v7;
	_ =	sdelay $0x1  }
0xc4: {  	v7 =	vld [tilespmem:s5+$0x4E60];
	_ =	sdelay $0x2  }
0xc5: {  	v5 =	vadd.f32 v6, v5;
	_ =	sdelay $0x1  }
0xc6: {  	v5 =	vadd.f32 v5, v1;
	v6 =	vshll.u32 v7, $0x1  }
0xc7: {  	v8 =	vshll.u32 v13, $0x1;
	v9 =	vor.u32 $0x1, v6  }
0xc8: {  	v6 =	vmul.f32 $9.999999770e-03, v5  }
0xc9: {  	vm0 =	vge.f32 v5, $0.0e+00  }
0xca: {  	v6 =	vsel vm0, v5, v6  }
0xcb: {  	[tilespmem:s5+$0x7560] =	vst v6  }
0xcc: {  	v5 =	vld.idx.msk [tilespmem:v8+s15+$0x0], $0xffff  }
0xcd: {  	v7 =	vadd.s32 v0, v7;
	v11 =	vld.idx.msk [tilespmem:v9+s15+$0x0], $0xffff  }
0xce: {  	[tilespmem:s5+$0x4E60] =	vst v7  }
0xcf: {  	s10 =	sshra.s32 s8, $0x2  }
.Ltmp4:
0xd0: {  	v8 =	vld [tilespmem:s10+$0x4E20];
	(pc) =	sbr.rel @p1 .LBB2_6-.Ltmp4, $4  }
0xd1: {  	v10 =	vld [tilespmem:s10+$0x2710]  }
0xd2: {  	v9 =	vld [tilespmem:s10+$0x2720]  }
0xd3: {  	v11 =	vadd.f32 v11, v5;
	v7 =	vld [tilespmem:s10+$0x2730]  }
0xd4: {  	v5 =	vld [tilespmem:s10+$0x2740]  }
0xd5: {  	v12 =	vshll.u32 v8, $0x1;
	v11 =	vadd.f32 v11, v1  }
0xd6: {  	v12 =	vor.u32 $0x1, v12  }
0xd7: {  	v10 =	vshll.u32 v10, $0x1;
	v13 =	vmul.f32 $9.999999770e-03, v11  }
0xd8: {  	vm0 =	vge.f32 v11, $0.0e+00  }
0xd9: {  	v11 =	vsel vm0, v11, v13  }
0xda: {  	v14 =	vld [tilespmem:s10+$0x2750];
	[tilespmem:s5+$0x7570] =	vst v11  }
0xdb: {  	v12 =	vld.idx.msk [tilespmem:v12+s15+$0x0], $0xffff  }
0xdc: {  	v10 =	vld.idx.msk [tilespmem:v10+s15+$0x0], $0xffff;
	_ =	sdelay $0x2  }
0xdd: {  	v38 =	vld [tilespmem:s10+$0x4E30];
	_ =	sdelay $0x1  }
0xde: {  	v10 =	vadd.f32 v12, v10;
	_ =	sdelay $0x1  }
0xdf: {  	v10 =	vadd.f32 v10, v1  }
0xe0: {  	v9 =	vshll.u32 v9, $0x1;
	v39 =	vshll.u32 v38, $0x1  }
0xe1: {  	v12 =	vor.u32 $0x1, v39;
	v15 =	vmul.f32 $9.999999770e-03, v10  }
0xe2: {  	v40 =	vadd.s32 v0, v8;
	vm11 =	vge.f32 v10, $0.0e+00  }
0xe3: {  	[tilespmem:s10+$0x4E20] =	vst v40;
	v10 =	vsel vm11, v10, v15  }
0xe4: {  	[tilespmem:s10+$0x7530] =	vst v10  }
0xe5: {  	v8 =	vld.idx.msk [tilespmem:v9+s15+$0x0], $0xffff  }
0xe6: {  	v41 =	vld.idx.msk [tilespmem:v12+s15+$0x0], $0xffff;
	_ =	sdelay $0x2  }
0xe7: {  	v42 =	vld [tilespmem:s10+$0x4E40];
	_ =	sdelay $0x1  }
0xe8: {  	v8 =	vadd.f32 v41, v8;
	_ =	sdelay $0x1  }
0xe9: {  	v8 =	vadd.f32 v8, v1  }
0xea: {  	v7 =	vshll.u32 v7, $0x1;
	v43 =	vshll.u32 v42, $0x1  }
0xeb: {  	v9 =	vor.u32 $0x1, v43;
	v44 =	vmul.f32 $9.999999770e-03, v8  }
0xec: {  	v13 =	vadd.s32 v0, v38;
	vm12 =	vge.f32 v8, $0.0e+00  }
0xed: {  	[tilespmem:s10+$0x4E30] =	vst v13;
	v8 =	vsel vm12, v8, v44  }
0xee: {  	[tilespmem:s10+$0x7540] =	vst v8  }
0xef: {  	v7 =	vld.idx.msk [tilespmem:v7+s15+$0x0], $0xffff  }
0xf0: {  	v9 =	vld.idx.msk [tilespmem:v9+s15+$0x0], $0xffff;
	_ =	sdelay $0x2  }
0xf1: {  	v45 =	vld [tilespmem:s10+$0x4E50];
	_ =	sdelay $0x1  }
0xf2: {  	v7 =	vadd.f32 v9, v7;
	_ =	sdelay $0x1  }
0xf3: {  	v7 =	vadd.f32 v7, v1  }
0xf4: {  	v5 =	vshll.u32 v5, $0x1;
	v46 =	vshll.u32 v45, $0x1  }
0xf5: {  	v9 =	vor.u32 $0x1, v46;
	v47 =	vmul.f32 $9.999999770e-03, v7  }
0xf6: {  	v12 =	vadd.s32 v0, v42;
	vm13 =	vge.f32 v7, $0.0e+00  }
0xf7: {  	[tilespmem:s10+$0x4E40] =	vst v12;
	v7 =	vsel vm13, v7, v47  }
0xf8: {  	[tilespmem:s10+$0x7550] =	vst v7  }
0xf9: {  	v5 =	vld.idx.msk [tilespmem:v5+s15+$0x0], $0xffff  }
0xfa: {  	v9 =	vld.idx.msk [tilespmem:v9+s15+$0x0], $0xffff;
	_ =	sdelay $0x2  }
0xfb: {  	v48 =	vld [tilespmem:s10+$0x4E60];
	_ =	sdelay $0x1  }
0xfc: {  	v5 =	vadd.f32 v9, v5;
	_ =	sdelay $0x1  }
0xfd: {  	v5 =	vadd.f32 v5, v1  }
0xfe: {  	v50 =	vshll.u32 v14, $0x1;
	v49 =	vshll.u32 v48, $0x1  }
0xff: {  	v9 =	vor.u32 $0x1, v49;
	v51 =	vmul.f32 $9.999999770e-03, v5  }
0x100: {  	v12 =	vadd.s32 v0, v45;
	vm14 =	vge.f32 v5, $0.0e+00  }
0x101: {  	[tilespmem:s10+$0x4E50] =	vst v12;
	v5 =	vsel vm14, v5, v51  }
0x102: {  	[tilespmem:s10+$0x7560] =	vst v5  }
0x103: {  	v13 =	vld.idx.msk [tilespmem:v50+s15+$0x0], $0xffff  }
0x104: {  	v9 =	vld.idx.msk [tilespmem:v9+s15+$0x0], $0xffff;
	_ =	sdelay $0x3  }
0x105: {  	v2 =	vmax.f32 v3, v2  }
0x106: {  	v2 =	vmax.f32 v2, v4;
	v3 =	vadd.f32 v9, v13  }
0x107: {  	v2 =	vmax.f32 v2, v6  }
0x108: {  	v2 =	vmax.f32 v2, v11;
	v1 =	vadd.f32 v3, v1  }
0x109: {  	v2 =	vmax.f32 v2, v10  }
0x10a: {  	v2 =	vmax.f32 v2, v8;
	v3 =	vmul.f32 $9.999999770e-03, v1  }
0x10b: {  	v2 =	vmax.f32 v2, v7;
	vm15 =	vge.f32 v1, $0.0e+00  }
0x10c: {  	v2 =	vmax.f32 v2, v5;
	v1 =	vsel vm15, v1, v3  }
0x10d: {  	v3 =	vadd.s32 v0, v48;
	v2 =	vmax.f32 v2, v1  }
0x10e: {  	[tilespmem:s10+$0x4E60] =	vst v3;
	(xrf0) =	vmax.scan.msk.f32 $0xffff, v2  }
0x10f: {  	s13 =	simm.s32 $0x4E20;
	[tilespmem:s10+$0x7570] =	vst v1  }
0x110: {  	[tilespmem:s22], [sflag:$0x1] =	stream.indirect.gather [hbm4b:s1+s20], $0x40, s13, s20, $0xb8;
	[tilespmem:$0x1ECD0] =	vst v63  }
0x111: {  	s17 =	simm.s32 $0x4E70  }
0x112: {  	[tilespmem:s24], [sflag:$0x2] =	stream.indirect.gather [hbm4b:s1+s20], $0x40, s17, s20, $0xb8;
	[tilespmem:$0x1ECD0] =	vst v63  }
0x113: {  	s18 =	simm.s32 $0x4EC0  }
0x114: {  	[tilespmem:s26], [sflag:$0x3] =	stream.indirect.gather [hbm4b:s1+s20], $0x40, s18, s20, $0xb8;
	v1, _, _ =	vpop (xrf0);
	[tilespmem:$0x1ECD0] =	vst v63  }
0x115: {  	s19 =	simm.s32 $0x4F10;
	v1 =	vbroadcast v1, $0xF  }
0x116: {  	[tilespmem:s29], [sflag:$0x4] =	stream.indirect.gather [hbm4b:s1+s20], $0x40, s19, s20, $0xb8;
	[tilespmem:$0x1ECD0] =	vst v63  }
0x117: {  	s30 =	rddreg [dreg:$0xa];
	[tilespmem:$0x14E60] =	vst v1  }
0x118: {  	[spmem:s30] =	stream.linear.scatter [tilespmem:s12], [sflag:$0xB], $0x10, $0x38;
	[tilespmem:$0x1ECD0] =	vst v63  }
0x119: {  	_ =	swait.ge [sflag:s16], $0x10  }
0x11a: {  	[sflag:s16] =	ssyncset.done $0x0  }
0x11b: {  	[sflag:s16] =	ssyncadd.s32 $0xFFFFFFF0  }
0x11c: {  	[bflag:$0x0] =	sbarrier.arrive $0xFFFF  }
0x11d: {  	[tilespmem:s14], [sflag:$0xB] =	stream.linear.gather [spmem:s11], $0x200, $0x38;
	[tilespmem:$0x1ECD0] =	vst v63  }
0x11e: {  	_ =	swait.ge [sflag:s16], $0x200  }
0x11f: {  	[sflag:s16] =	ssyncset.done $0x0  }
0x120: {  	[sflag:s16] =	ssyncadd.s32 $0xFFFFFE00  }
0x121: {  	v1 =	vld [tilespmem:$0x14E70]  }
0x122: {  	v2 =	vld [tilespmem:$0x14E80]  }
0x123: {  	v3 =	vld [tilespmem:$0x14E90]  }
0x124: {  	v52 =	vld [tilespmem:$0x14EA0]  }
0x125: {  	v53 =	vld [tilespmem:$0x14EB0]  }
0x126: {  	v54 =	vld [tilespmem:$0x14EC0]  }
0x127: {  	v1 =	vmax.f32 v1, v2;
	v2 =	vld [tilespmem:$0x14ED0]  }
0x128: {  	v1 =	vmax.f32 v1, v3;
	v3 =	vld [tilespmem:$0x14EE0]  }
0x129: {  	v55 =	vld [tilespmem:$0x14EF0];
	v1 =	vmax.f32 v1, v52  }
0x12a: {  	v56 =	vld [tilespmem:$0x14F00];
	v1 =	vmax.f32 v1, v53  }
0x12b: {  	v57 =	vld [tilespmem:$0x14F10];
	v1 =	vmax.f32 v1, v54  }
0x12c: {  	v1 =	vmax.f32 v1, v2;
	v2 =	vld [tilespmem:$0x14F20]  }
0x12d: {  	v1 =	vmax.f32 v1, v3;
	v3 =	vld [tilespmem:$0x14F30]  }
0x12e: {  	v58 =	vld [tilespmem:$0x14F40];
	v1 =	vmax.f32 v1, v55  }
0x12f: {  	v59 =	vld [tilespmem:$0x14F50];
	v1 =	vmax.f32 v1, v56  }
0x130: {  	v60 =	vld [tilespmem:$0x14F60];
	v1 =	vmax.f32 v1, v57  }
0x131: {  	v1 =	vmax.f32 v1, v2  }
0x132: {  	v1 =	vmax.f32 v1, v3  }
0x133: {  	v1 =	vmax.f32 v1, v58  }
0x134: {  	v1 =	vmax.f32 v1, v59  }
0x135: {  	v1 =	vmax.f32 v1, v60  }
0x136: {  	(xrf0) =	vmax.scan.msk.f32 $0xffff, v1;
	_ =	sdelay $0x2  }
0x137: {  	s5 =	simm.s32 $0x0  }
0x138: {  	v2 =	vld [tilespmem:s5+$0x7530];
	_ =	sdelay $0x1  }
0x139: {  	v1, _, _ =	vpop (xrf0)  }
0x13a: {  	v3 =	vld [tilespmem:s5+$0x7540];
	v1 =	vbroadcast v1, $0xF;
	_ =	sdelay $0x1  }
0x13b: {  	v61 =	vld [tilespmem:s5+$0x7550];
	v2 =	vsub.f32 v2, v1;
	_ =	sdelay $0x1  }
0x13c: {  	v62 =	vld [tilespmem:s5+$0x7560];
	v2 =	vmul.f32 $1.442695020e+00, v2  }
0x13d: {  	v3 =	vsub.f32 v3, v1  }
0x13e: {  	(erf) = vpow2.f32 v2;
	v2 =	vld [tilespmem:s5+$0x7570]  }
0x13f: {  	v4 =	vsub.f32 v61, v1;
	v3 =	vmul.f32 $1.442695020e+00, v3;
	_ =	sdelay $0x1  }
0x140: {  	v5 =	vsub.f32 v62, v1;
	v4 =	vmul.f32 $1.442695020e+00, v4;
	(erf) = vpow2.f32 v3;
	_ =	sdelay $0x1  }
0x141: {  	v3 =	vmul.f32 $1.442695020e+00, v5;
	(erf) = vpow2.f32 v4;
	v2 =	vsub.f32 v2, v1;
	_ =	sdelay $0x1  }
0x142: {  	(erf) = vpow2.f32 v3;
	v2 =	vmul.f32 $1.442695020e+00, v2;
	_ =	sdelay $0x1  }
0x143: {  	v3 =	vpop (erf);
	(erf) = vpow2.f32 v2  }
0x144: {  	v63 =	vimm.f32 $0.0e+00  }
0x145: {  	s8 =	simm.s32 $0x50;
	s9 =	simm.s32 $0x280;
	[tilespmem:s5+$0x7530] =	vst v3;
	v2 =	vadd.f32 v3, v63  }
.LBB2_8:
0x146: {  	p1 =	sne.s32 s9, $0x9B00;
	v3 =	vld [tilespmem:s8+$0x7530];
	v4 =	vpop (erf)  }
0x147: {  	[tilespmem:s5+$0x7540] =	vst v4;
	v2 =	vadd.f32 v4, v2  }
0x148: {  	v4 =	vld [tilespmem:s8+$0x7540];
	v5 =	vpop (erf)  }
0x149: {  	[tilespmem:s5+$0x7550] =	vst v5;
	v2 =	vadd.f32 v5, v2  }
0x14a: {  	v5 =	vld [tilespmem:s8+$0x7550];
	v6 =	vpop (erf)  }
0x14b: {  	v3 =	vsub.f32 v3, v1;
	[tilespmem:s5+$0x7560] =	vst v6;
	v2 =	vadd.f32 v6, v2  }
0x14c: {  	v6 =	vld [tilespmem:s8+$0x7560];
	v7 =	vpop (erf)  }
0x14d: {  	v3 =	vmul.f32 $1.442695020e+00, v3;
	v4 =	vsub.f32 v4, v1;
	[tilespmem:s5+$0x7570] =	vst v7;
	v2 =	vadd.f32 v7, v2;
	s5 =	smov.u32 s8  }
0x14e: {  	v7 =	vld [tilespmem:s5+$0x7570]  }
0x14f: {  	v4 =	vmul.f32 $1.442695020e+00, v4;
	v5 =	vsub.f32 v5, v1;
	(erf) = vpow2.f32 v3;
	_ =	sdelay $0x1  }
0x150: {  	v3 =	vmul.f32 $1.442695020e+00, v5;
	v5 =	vsub.f32 v6, v1;
	(erf) = vpow2.f32 v4;
	_ =	sdelay $0x1  }
0x151: {  	v4 =	vmul.f32 $1.442695020e+00, v5;
	v5 =	vsub.f32 v7, v1;
	(erf) = vpow2.f32 v3;
	_ =	sdelay $0x1  }
.Ltmp5:
0x152: {  	v5 =	vmul.f32 $1.442695020e+00, v5;
	(erf) = vpow2.f32 v4;
	(pc) =	sbr.rel @p1 .LBB2_8-.Ltmp5, $4  }
0x153: {  	_ = 	snop  }
0x154: {  	(erf) = vpow2.f32 v5  }
0x155: {  	v3 =	vpop (erf)  }
0x156: {  	s8 =	sshra.s32 s9, $0x2;
	s9 =	sadd.s32 $0x140, s9;
	[tilespmem:s5+$0x7530] =	vst v3;
	v2 =	vadd.f32 v3, v2  }
0x157: {  	_ = 	snop  }
0x158: {  	v3 =	vld [tilespmem:s8+$0x7530];
	v4 =	vpop (erf)  }
0x159: {  	[tilespmem:s5+$0x7540] =	vst v4  }
0x15a: {  	v5 =	vld [tilespmem:s8+$0x7540];
	v6 =	vpop (erf)  }
0x15b: {  	[tilespmem:s5+$0x7550] =	vst v6  }
0x15c: {  	v7 =	vld [tilespmem:s8+$0x7550];
	v8 =	vpop (erf)  }
0x15d: {  	v3 =	vsub.f32 v3, v1;
	[tilespmem:s5+$0x7560] =	vst v8;
	v10 =	vpop (erf)  }
0x15e: {  	v9 =	vld [tilespmem:s8+$0x7560];
	[tilespmem:s5+$0x7570] =	vst v10  }
0x15f: {  	v3 =	vmul.f32 $1.442695020e+00, v3;
	v5 =	vsub.f32 v5, v1;
	v11 =	vld [tilespmem:s8+$0x7570];
	_ =	sdelay $0x1  }
0x160: {  	(erf) = vpow2.f32 v3;
	v3 =	vmul.f32 $1.442695020e+00, v5;
	v54 =	vsub.f32 v7, v1  }
0x161: {  	v2 =	vadd.f32 v4, v2  }
0x162: {  	(erf) = vpow2.f32 v3;
	v3 =	vmul.f32 $1.442695020e+00, v54;
	v55 =	vsub.f32 v9, v1  }
0x163: {  	v1 =	vsub.f32 v11, v1  }
0x164: {  	v2 =	vadd.f32 v6, v2;
	v4 =	vmul.f32 $1.442695020e+00, v55;
	(erf) = vpow2.f32 v3  }
0x165: {  	v1 =	vmul.f32 $1.442695020e+00, v1  }
0x166: {  	v2 =	vadd.f32 v8, v2;
	(erf) = vpow2.f32 v4;
	_ =	sdelay $0x1  }
0x167: {  	v2 =	vadd.f32 v10, v2;
	(erf) = vpow2.f32 v1  }
0x168: {  	v1 =	vpop (erf)  }
0x169: {  	v2 =	vadd.f32 v1, v2  }
0x16a: {  	v3 =	vpop (erf)  }
0x16b: {  	v2 =	vadd.f32 v3, v2  }
0x16c: {  	v56 =	vpop (erf)  }
0x16d: {  	v2 =	vadd.f32 v56, v2  }
0x16e: {  	v57 =	vpop (erf)  }
0x16f: {  	v2 =	vadd.f32 v57, v2  }
0x170: {  	v58 =	vpop (erf)  }
0x171: {  	v2 =	vadd.f32 v58, v2;
	_ =	sdelay $0x1  }
0x172: {  	(xrf2) =	vadd.scan.msk.f32 $0xffff, v2;
	_ =	sdelay $0x7  }
0x173: {  	[tilespmem:s8+$0x7530] =	vst v1  }
0x174: {  	[tilespmem:s8+$0x7540] =	vst v3  }
0x175: {  	[tilespmem:s8+$0x7550] =	vst v56;
	v1, _, _ =	vpop (xrf2)  }
0x176: {  	[tilespmem:s8+$0x7560] =	vst v57;
	v1 =	vbroadcast v1, $0xF  }
0x177: {  	[tilespmem:s8+$0x7570] =	vst v58  }
0x178: {  	s30 =	rddreg [dreg:$0xb];
	[tilespmem:$0x14E60] =	vst v1  }
0x179: {  	[spmem:s30] =	stream.linear.scatter [tilespmem:s12], [sflag:$0xB], $0x10, $0x38;
	[tilespmem:$0x1ECD0] =	vst v63  }
0x17a: {  	_ =	swait.ge [sflag:s16], $0x10  }
0x17b: {  	[sflag:s16] =	ssyncset.done $0x0  }
0x17c: {  	[sflag:s16] =	ssyncadd.s32 $0xFFFFFFF0  }
0x17d: {  	[bflag:$0x0] =	sbarrier.arrive $0xFFFF  }
0x17e: {  	[tilespmem:s14], [sflag:$0xB] =	stream.linear.gather [spmem:s11], $0x200, $0x38;
	[tilespmem:$0x1ECD0] =	vst v63  }
0x17f: {  	_ =	swait.ge [sflag:s16], $0x200  }
0x180: {  	[sflag:s16] =	ssyncset.done $0x0  }
0x181: {  	[sflag:s16] =	ssyncadd.s32 $0xFFFFFE00  }
0x182: {  	v1 =	vld [tilespmem:$0x14F70];
	_ =	sdelay $0x1  }
0x183: {  	v2 =	vld [tilespmem:$0x14F80];
	_ =	sdelay $0x1  }
0x184: {  	v3 =	vld [tilespmem:$0x14F90]  }
0x185: {  	v1 =	vadd.f32 $0.0e+00, v1  }
0x186: {  	v59 =	vld [tilespmem:$0x14FA0]  }
0x187: {  	v1 =	vadd.f32 v2, v1  }
0x188: {  	v2 =	vld [tilespmem:$0x14FB0]  }
0x189: {  	v1 =	vadd.f32 v3, v1  }
0x18a: {  	v3 =	vld [tilespmem:$0x14FC0]  }
0x18b: {  	v1 =	vadd.f32 v59, v1  }
0x18c: {  	v60 =	vld [tilespmem:$0x14FD0]  }
0x18d: {  	v1 =	vadd.f32 v2, v1  }
0x18e: {  	v2 =	vld [tilespmem:$0x14FE0]  }
0x18f: {  	v1 =	vadd.f32 v3, v1  }
0x190: {  	v3 =	vld [tilespmem:$0x14FF0]  }
0x191: {  	v1 =	vadd.f32 v60, v1  }
0x192: {  	v61 =	vld [tilespmem:$0x15000]  }
0x193: {  	v1 =	vadd.f32 v2, v1  }
0x194: {  	v2 =	vld [tilespmem:$0x15010]  }
0x195: {  	v1 =	vadd.f32 v3, v1  }
0x196: {  	v3 =	vld [tilespmem:$0x15020]  }
0x197: {  	v1 =	vadd.f32 v61, v1  }
0x198: {  	v62 =	vld [tilespmem:$0x15030]  }
0x199: {  	v1 =	vadd.f32 v2, v1  }
0x19a: {  	v2 =	vld [tilespmem:$0x15040]  }
0x19b: {  	v1 =	vadd.f32 v3, v1  }
0x19c: {  	v3 =	vld [tilespmem:$0x15050]  }
0x19d: {  	v1 =	vadd.f32 v62, v1  }
0x19e: {  	v63 =	vld [tilespmem:$0x15060]  }
0x19f: {  	v1 =	vadd.f32 v2, v1;
	_ =	sdelay $0x1  }
0x1a0: {  	v1 =	vadd.f32 v3, v1;
	_ =	sdelay $0x1  }
0x1a1: {  	v1 =	vadd.f32 v63, v1;
	_ =	sdelay $0x1  }
0x1a2: {  	(xrf2) =	vadd.scan.msk.f32 $0xffff, v1;
	_ =	sdelay $0x9  }
0x1a3: {  	v1, _, _ =	vpop (xrf2)  }
0x1a4: {  	v1 =	vbroadcast v1, $0xF;
	_ =	sdelay $0x1  }
0x1a5: {  	(erf) = vrcp.f32 v1;
	_ =	sdelay $0x8  }
0x1a6: {  	s9 =	simm.s32 $0x0;
	v1 =	vpop (erf)  }
.LBB2_10:
0x1a7: {  	s14 =	smul.u32 $0x5, s9;
	_ =	sdelay $0x1  }
0x1a8: {  	v2 =	vmov s14  }
0x1a9: {  	v2 =	vmul.u32 $0x50, v2  }
0x1aa: {  	s5 =	simm.s32 $0x0  }
0x1ab: {  	v3 =	vmov s5;
	v2 =	vbroadcast v2, $0x0  }
0x1ac: {  	v4 =	vand.u32 $0x78, v3  }
0x1ad: {  	v3 =	vand.u32 $0x4, v3;
	v4 =	vadd.s32 v2, v4  }
0x1ae: {  	v3 =	vor.u32 v3, v4;
	_ =	sdelay $0x1  }
0x1af: {  	_ =	swait.ge [sflag:s31], $0x1400  }
0x1b0: {  	[sflag:s31] =	ssyncset.done $0x0  }
0x1b1: {  	[sflag:s31] =	ssyncadd.s32 $0xFFFFEC00  }
0x1b2: {  	v3 =	vld.idx.msk [tilespmem:v3+s2+$0x0], $0xffff;
	_ =	sdelay $0x1  }
0x1b3: {  	s12 =	simm.s32 $0xEAE0  }
0x1b4: {  	v4 =	vld [tilespmem:s12+$0xFFFFFFB0]  }
0x1b5: {  	v5 =	vld [tilespmem:s12+$0xFFFFFF80]  }
0x1b6: {  	s18 =	simm.s32 $0x1;
	v6 =	vld [tilespmem:s12+$0xFFFFFF90];
	v3 =	vmul.f32 v3, v1  }
0x1b7: {  	v8 =	vmov s18;
	v7 =	vld [tilespmem:s12+$0xFFFFFFA0]  }
0x1b8: {  	v9 =	vand.u32 $0x78, v8;
	v3 =	vpack.i.f32.bf16 v3, v3  }
0x1b9: {  	v8 =	vand.u32 $0x5, v8;
	v9 =	vadd.s32 v2, v9;
	v4 =	vmul.bf16 v4, v3  }
0x1ba: {  	v8 =	vor.u32 v8, v9;
	v5 =	vmul.bf16 v5, v3  }
0x1bb: {  	v6 =	vmul.bf16 v6, v3;
	[tilespmem:s12+$0xFFFFFFB0] =	vst v4  }
0x1bc: {  	v3 =	vmul.bf16 v7, v3;
	[tilespmem:s12+$0xFFFFFF80] =	vst v5  }
0x1bd: {  	[tilespmem:s12+$0xFFFFFF90] =	vst v6  }
0x1be: {  	[tilespmem:s12+$0xFFFFFFA0] =	vst v3  }
0x1bf: {  	v3 =	vld.idx.msk [tilespmem:v8+s2+$0x0], $0xffff;
	_ =	sdelay $0x2  }
0x1c0: {  	v4 =	vld [tilespmem:s12+$0xFFFFFFC0]  }
0x1c1: {  	v5 =	vld [tilespmem:s12+$0xFFFFFFF0]  }
0x1c2: {  	s19 =	simm.s32 $0x2;
	v56 =	vld [tilespmem:s12+$0xFFFFFFD0];
	v3 =	vmul.f32 v3, v1  }
0x1c3: {  	v58 =	vmov s19;
	v57 =	vld [tilespmem:s12+$0xFFFFFFE0]  }
0x1c4: {  	v59 =	vand.u32 $0x78, v58;
	v3 =	vpack.i.f32.bf16 v3, v3  }
0x1c5: {  	v9 =	vadd.s32 v2, v59;
	v8 =	vand.u32 $0x6, v58;
	v4 =	vmul.bf16 v4, v3  }
0x1c6: {  	v8 =	vor.u32 v8, v9;
	v5 =	vmul.bf16 v5, v3  }
0x1c7: {  	v6 =	vmul.bf16 v56, v3;
	[tilespmem:s12+$0xFFFFFFC0] =	vst v4  }
0x1c8: {  	v3 =	vmul.bf16 v57, v3;
	[tilespmem:s12+$0xFFFFFFF0] =	vst v5  }
0x1c9: {  	[tilespmem:s12+$0xFFFFFFD0] =	vst v6  }
0x1ca: {  	[tilespmem:s12+$0xFFFFFFE0] =	vst v3  }
0x1cb: {  	v3 =	vld.idx.msk [tilespmem:v8+s2+$0x0], $0xffff;
	_ =	sdelay $0x2  }
0x1cc: {  	v4 =	vld [tilespmem:s12+$0x0]  }
0x1cd: {  	v5 =	vld [tilespmem:s12+$0x30]  }
0x1ce: {  	s30 =	simm.s32 $0x3;
	v60 =	vld [tilespmem:s12+$0x20];
	v3 =	vmul.f32 v3, v1  }
0x1cf: {  	v62 =	vmov s30;
	v61 =	vld [tilespmem:s12+$0x10]  }
0x1d0: {  	v63 =	vand.u32 $0x78, v62;
	v3 =	vpack.i.f32.bf16 v3, v3  }
0x1d1: {  	v9 =	vadd.s32 v2, v63;
	v8 =	vand.u32 $0x7, v62;
	v4 =	vmul.bf16 v4, v3  }
0x1d2: {  	v8 =	vor.u32 v8, v9;
	v5 =	vmul.bf16 v5, v3  }
0x1d3: {  	v6 =	vmul.bf16 v60, v3;
	[tilespmem:s12+$0x0] =	vst v4  }
0x1d4: {  	v3 =	vmul.bf16 v61, v3;
	[tilespmem:s12+$0x30] =	vst v5  }
0x1d5: {  	[tilespmem:s12+$0x20] =	vst v6  }
0x1d6: {  	[tilespmem:s12+$0x10] =	vst v3  }
0x1d7: {  	s8 =	simm.s32 $0xEAE0;
	s5 =	simm.s32 $0x7;
	v3 =	vld.idx.msk [tilespmem:v8+s2+$0x0], $0xffff  }
.LBB2_11:
0x1d8: {  	p1 =	sne.s32 s5, $0x4F  }
0x1d9: {  	v4 =	vld [tilespmem:s12+$0x50];
	s8 =	sadd.s32 $0x100, s8;
	s10 =	smov.u32 s5;
	s5 =	sadd.s32 $0x4, s5  }
0x1da: {  	v5 =	vld [tilespmem:s12+$0x40]  }
0x1db: {  	v6 =	vld [tilespmem:s12+$0x70]  }
0x1dc: {  	v7 =	vld [tilespmem:s12+$0x60]  }
0x1dd: {  	s11 =	sadd.s32 $0xFFFFFFFD, s10;
	v3 =	vmul.f32 v3, v1  }
0x1de: {  	v8 =	vmov s11  }
0x1df: {  	v9 =	vand.u32 $0x78, v8;
	v3 =	vpack.i.f32.bf16 v3, v3  }
0x1e0: {  	v8 =	vand.u32 $0x4, v8;
	v9 =	vadd.s32 v2, v9;
	v5 =	vmul.bf16 v5, v3  }
0x1e1: {  	v8 =	vor.u32 v8, v9;
	v4 =	vmul.bf16 v4, v3;
	v7 =	vmul.bf16 v7, v3  }
0x1e2: {  	v3 =	vmul.bf16 v6, v3;
	[tilespmem:s12+$0x40] =	vst v5  }
0x1e3: {  	[tilespmem:s12+$0x50] =	vst v4  }
0x1e4: {  	[tilespmem:s12+$0x70] =	vst v3  }
0x1e5: {  	[tilespmem:s12+$0x60] =	vst v7;
	s12 =	smov.u32 s8  }
0x1e6: {  	v3 =	vld.idx.msk [tilespmem:v8+s2+$0x0], $0xffff;
	_ =	sdelay $0x1  }
0x1e7: {  	v4 =	vld [tilespmem:s8+$0xFFFFFFA0]  }
0x1e8: {  	v5 =	vld [tilespmem:s8+$0xFFFFFFB0]  }
0x1e9: {  	v6 =	vld [tilespmem:s8+$0xFFFFFF80]  }
0x1ea: {  	v7 =	vld [tilespmem:s8+$0xFFFFFF90]  }
0x1eb: {  	s11 =	sadd.s32 $0xFFFFFFFE, s10;
	v3 =	vmul.f32 v3, v1  }
0x1ec: {  	v8 =	vmov s11  }
0x1ed: {  	v9 =	vand.u32 $0x78, v8;
	v8 =	vand.u32 $0x5, v8;
	v3 =	vpack.i.f32.bf16 v3, v3  }
0x1ee: {  	v9 =	vadd.s32 v2, v9;
	v5 =	vmul.bf16 v5, v3;
	v6 =	vmul.bf16 v6, v3  }
0x1ef: {  	v7 =	vmul.bf16 v7, v3;
	v3 =	vmul.bf16 v4, v3;
	v4 =	vor.u32 v8, v9  }
0x1f0: {  	[tilespmem:s8+$0xFFFFFFB0] =	vst v5  }
0x1f1: {  	[tilespmem:s8+$0xFFFFFF80] =	vst v6  }
0x1f2: {  	[tilespmem:s8+$0xFFFFFF90] =	vst v7  }
0x1f3: {  	[tilespmem:s8+$0xFFFFFFA0] =	vst v3  }
0x1f4: {  	v3 =	vld.idx.msk [tilespmem:v4+s2+$0x0], $0xffff;
	_ =	sdelay $0x1  }
0x1f5: {  	v4 =	vld [tilespmem:s8+$0xFFFFFFF0]  }
0x1f6: {  	v5 =	vld [tilespmem:s8+$0xFFFFFFD0]  }
0x1f7: {  	v6 =	vld [tilespmem:s8+$0xFFFFFFC0]  }
0x1f8: {  	v7 =	vld [tilespmem:s8+$0xFFFFFFE0]  }
0x1f9: {  	s11 =	sadd.s32 $0xFFFFFFFF, s10;
	v3 =	vmul.f32 v3, v1  }
0x1fa: {  	v8 =	vmov s11  }
0x1fb: {  	v9 =	vand.u32 $0x78, v8;
	v8 =	vand.u32 $0x6, v8;
	v3 =	vpack.i.f32.bf16 v3, v3  }
0x1fc: {  	v9 =	vadd.s32 v2, v9;
	v5 =	vmul.bf16 v5, v3;
	v6 =	vmul.bf16 v6, v3  }
0x1fd: {  	v7 =	vmul.bf16 v7, v3;
	v3 =	vmul.bf16 v4, v3;
	v4 =	vor.u32 v8, v9  }
0x1fe: {  	[tilespmem:s8+$0xFFFFFFC0] =	vst v6  }
0x1ff: {  	[tilespmem:s8+$0xFFFFFFF0] =	vst v3  }
0x200: {  	[tilespmem:s8+$0xFFFFFFD0] =	vst v5  }
0x201: {  	[tilespmem:s8+$0xFFFFFFE0] =	vst v7  }
0x202: {  	v3 =	vld.idx.msk [tilespmem:v4+s2+$0x0], $0xffff;
	_ =	sdelay $0x1  }
0x203: {  	v4 =	vld [tilespmem:s8+$0x30]  }
0x204: {  	v5 =	vld [tilespmem:s8+$0x10]  }
0x205: {  	v6 =	vld [tilespmem:s8+$0x0]  }
0x206: {  	v7 =	vld [tilespmem:s8+$0x20]  }
0x207: {  	v3 =	vmul.f32 v3, v1  }
0x208: {  	v8 =	vmov s10  }
0x209: {  	v9 =	vand.u32 $0x78, v8;
	v8 =	vand.u32 $0x7, v8;
	v3 =	vpack.i.f32.bf16 v3, v3  }
0x20a: {  	v9 =	vadd.s32 v2, v9;
	v5 =	vmul.bf16 v5, v3;
	v6 =	vmul.bf16 v6, v3  }
0x20b: {  	v7 =	vmul.bf16 v7, v3;
	v3 =	vmul.bf16 v4, v3;
	v4 =	vor.u32 v8, v9  }
.Ltmp6:
0x20c: {  	[tilespmem:s8+$0x0] =	vst v6;
	(pc) =	sbr.rel @p1 .LBB2_11-.Ltmp6, $4  }
0x20d: {  	[tilespmem:s8+$0x30] =	vst v3  }
0x20e: {  	[tilespmem:s8+$0x20] =	vst v7  }
0x20f: {  	[tilespmem:s8+$0x10] =	vst v5  }
0x210: {  	v3 =	vld.idx.msk [tilespmem:v4+s2+$0x0], $0xffff  }
0x211: {  	_ =	sdelay $0x1  }
0x212: {  	v2 =	vld [tilespmem:s12+$0x40];
	_ =	sdelay $0x1  }
0x213: {  	v5 =	vld [tilespmem:s12+$0x70];
	v3 =	vmul.f32 v3, v1  }
0x214: {  	v4 =	vld [tilespmem:s12+$0x50]  }
0x215: {  	v6 =	vld [tilespmem:s12+$0x60];
	v3 =	vpack.i.f32.bf16 v3, v3  }
0x216: {  	v2 =	vmul.bf16 v2, v3;
	_ =	sdelay $0x1  }
0x217: {  	[tilespmem:s12+$0x40] =	vst v2;
	v2 =	vmul.bf16 v5, v3  }
0x218: {  	s11 =	smul.u32 $0x640, s9;
	s5 =	sadd.s32 $0x1, s14;
	v4 =	vmul.bf16 v4, v3  }
0x219: {  	p1 =	seq.s32 s9, $0x0;
	v3 =	vmul.bf16 v6, v3;
	[tilespmem:s12+$0x70] =	vst v2;
	v2 =	vmov s5  }
0x21a: {  	s13 =	sadd.s32 $0x4, s14;
	s19 =	simm.s32 $0x0;
	s10 =	sshra.s32 s11, $0x2;
	[tilespmem:s12+$0x50] =	vst v4;
	v2 =	vmul.u32 $0x50, v2  }
0x21b: {  	s17 =	simm.s32 @!p1 $0xA;
	s30 =	smul.u32 $0x140, s13;
	s8 =	sadd.s32 $0x2710, s10;
	[tilespmem:s12+$0x60] =	vst v3  }
0x21c: {  	v3 =	vmov s19;
	[spmem:s3] =	stream.indirect.scatter.add.bf16 [tilespmem:s22], [sflag:$0x6], $0x40, s8, s20, $0xb8;
	v2 =	vbroadcast v2, $0x0;
	[tilespmem:$0x1ECD0] =	vst v63  }
0x21d: {  	v4 =	vand.u32 $0x78, v3;
	_ =	swait.ge @!p1 [sflag:s17], $0x1400  }
0x21e: {  	s12 =	sshra.s32 s30, $0x2;
	v3 =	vand.u32 $0x4, v3;
	[sflag:s17] =	ssyncset.done @!p1 $0x0;
	v4 =	vadd.s32 v2, v4  }
0x21f: {  	[sflag:s17] =	ssyncadd.s32 @!p1 $0xFFFFEC00;
	s17 =	sadd.s32 $0x4E20, s12;
	v3 =	vor.u32 v3, v4  }
0x220: {  	[tilespmem:s0], [sflag:$0x5] =	stream.indirect.gather [hbm4b:s1+s20], $0x40, s17, s20, $0xb8;
	[tilespmem:$0x1ECD0] =	vst v63  }
0x221: {  	_ =	swait.ge [sflag:s21], $0x1400  }
0x222: {  	[sflag:s21] =	ssyncset.done $0x0  }
0x223: {  	[sflag:s21] =	ssyncadd.s32 $0xFFFFEC00  }
0x224: {  	v3 =	vld.idx.msk [tilespmem:v3+s2+$0x0], $0xffff;
	_ =	sdelay $0x1  }
0x225: {  	s17 =	simm.s32 $0xFEE0  }
0x226: {  	v4 =	vld [tilespmem:s17+$0xFFFFFFB0]  }
0x227: {  	v5 =	vld [tilespmem:s17+$0xFFFFFF80]  }
0x228: {  	s18 =	simm.s32 $0x1;
	v55 =	vld [tilespmem:s17+$0xFFFFFF90];
	v3 =	vmul.f32 v3, v1  }
0x229: {  	v8 =	vmov s18;
	v7 =	vld [tilespmem:s17+$0xFFFFFFA0]  }
0x22a: {  	v9 =	vand.u32 $0x78, v8;
	v3 =	vpack.i.f32.bf16 v3, v3  }
0x22b: {  	v8 =	vand.u32 $0x5, v8;
	v9 =	vadd.s32 v2, v9;
	v4 =	vmul.bf16 v4, v3  }
0x22c: {  	v8 =	vor.u32 v8, v9;
	v5 =	vmul.bf16 v5, v3  }
0x22d: {  	v6 =	vmul.bf16 v55, v3;
	[tilespmem:s17+$0xFFFFFFB0] =	vst v4  }
0x22e: {  	v3 =	vmul.bf16 v7, v3;
	[tilespmem:s17+$0xFFFFFF80] =	vst v5  }
0x22f: {  	[tilespmem:s17+$0xFFFFFF90] =	vst v6  }
0x230: {  	[tilespmem:s17+$0xFFFFFFA0] =	vst v3  }
0x231: {  	v3 =	vld.idx.msk [tilespmem:v8+s2+$0x0], $0xffff;
	_ =	sdelay $0x2  }
0x232: {  	v4 =	vld [tilespmem:s17+$0xFFFFFFC0]  }
0x233: {  	v5 =	vld [tilespmem:s17+$0xFFFFFFF0]  }
0x234: {  	s19 =	simm.s32 $0x2;
	v56 =	vld [tilespmem:s17+$0xFFFFFFD0];
	v3 =	vmul.f32 v3, v1  }
0x235: {  	v58 =	vmov s19;
	v57 =	vld [tilespmem:s17+$0xFFFFFFE0]  }
0x236: {  	v59 =	vand.u32 $0x78, v58;
	v3 =	vpack.i.f32.bf16 v3, v3  }
0x237: {  	v9 =	vadd.s32 v2, v59;
	v8 =	vand.u32 $0x6, v58;
	v4 =	vmul.bf16 v4, v3  }
0x238: {  	v8 =	vor.u32 v8, v9;
	v5 =	vmul.bf16 v5, v3  }
0x239: {  	v6 =	vmul.bf16 v56, v3;
	[tilespmem:s17+$0xFFFFFFC0] =	vst v4  }
0x23a: {  	v3 =	vmul.bf16 v57, v3;
	[tilespmem:s17+$0xFFFFFFF0] =	vst v5  }
0x23b: {  	[tilespmem:s17+$0xFFFFFFD0] =	vst v6  }
0x23c: {  	[tilespmem:s17+$0xFFFFFFE0] =	vst v3  }
0x23d: {  	v3 =	vld.idx.msk [tilespmem:v8+s2+$0x0], $0xffff;
	_ =	sdelay $0x2  }
0x23e: {  	v4 =	vld [tilespmem:s17+$0x0]  }
0x23f: {  	v5 =	vld [tilespmem:s17+$0x30]  }
0x240: {  	s30 =	simm.s32 $0x3;
	v60 =	vld [tilespmem:s17+$0x20];
	v3 =	vmul.f32 v3, v1  }
0x241: {  	v62 =	vmov s30;
	v61 =	vld [tilespmem:s17+$0x10]  }
0x242: {  	v63 =	vand.u32 $0x78, v62;
	v3 =	vpack.i.f32.bf16 v3, v3  }
0x243: {  	v9 =	vadd.s32 v2, v63;
	v8 =	vand.u32 $0x7, v62;
	v4 =	vmul.bf16 v4, v3  }
0x244: {  	v8 =	vor.u32 v8, v9;
	v5 =	vmul.bf16 v5, v3  }
0x245: {  	v6 =	vmul.bf16 v60, v3;
	[tilespmem:s17+$0x0] =	vst v4  }
0x246: {  	v3 =	vmul.bf16 v61, v3;
	[tilespmem:s17+$0x30] =	vst v5  }
0x247: {  	[tilespmem:s17+$0x20] =	vst v6  }
0x248: {  	[tilespmem:s17+$0x10] =	vst v3  }
0x249: {  	s18 =	simm.s32 $0xFEE0;
	s8 =	simm.s32 $0x7;
	v3 =	vld.idx.msk [tilespmem:v8+s2+$0x0], $0xffff  }
.LBB2_13:
0x24a: {  	p1 =	sne.s32 s8, $0x4F  }
0x24b: {  	v4 =	vld [tilespmem:s17+$0x50];
	s18 =	sadd.s32 $0x100, s18;
	s19 =	smov.u32 s8;
	s8 =	sadd.s32 $0x4, s8  }
0x24c: {  	v5 =	vld [tilespmem:s17+$0x40]  }
0x24d: {  	v6 =	vld [tilespmem:s17+$0x70]  }
0x24e: {  	v7 =	vld [tilespmem:s17+$0x60]  }
0x24f: {  	s30 =	sadd.s32 $0xFFFFFFFD, s19;
	v3 =	vmul.f32 v3, v1  }
0x250: {  	v8 =	vmov s30  }
0x251: {  	v9 =	vand.u32 $0x78, v8;
	v3 =	vpack.i.f32.bf16 v3, v3  }
0x252: {  	v8 =	vand.u32 $0x4, v8;
	v9 =	vadd.s32 v2, v9;
	v5 =	vmul.bf16 v5, v3  }
0x253: {  	v8 =	vor.u32 v8, v9;
	v4 =	vmul.bf16 v4, v3;
	v7 =	vmul.bf16 v7, v3  }
0x254: {  	v3 =	vmul.bf16 v6, v3;
	[tilespmem:s17+$0x40] =	vst v5  }
0x255: {  	[tilespmem:s17+$0x50] =	vst v4  }
0x256: {  	[tilespmem:s17+$0x70] =	vst v3  }
0x257: {  	[tilespmem:s17+$0x60] =	vst v7;
	s17 =	smov.u32 s18  }
0x258: {  	v3 =	vld.idx.msk [tilespmem:v8+s2+$0x0], $0xffff;
	_ =	sdelay $0x1  }
0x259: {  	v4 =	vld [tilespmem:s18+$0xFFFFFFA0]  }
0x25a: {  	v5 =	vld [tilespmem:s18+$0xFFFFFFB0]  }
0x25b: {  	v6 =	vld [tilespmem:s18+$0xFFFFFF80]  }
0x25c: {  	v7 =	vld [tilespmem:s18+$0xFFFFFF90]  }
0x25d: {  	s30 =	sadd.s32 $0xFFFFFFFE, s19;
	v3 =	vmul.f32 v3, v1  }
0x25e: {  	v8 =	vmov s30  }
0x25f: {  	v9 =	vand.u32 $0x78, v8;
	v8 =	vand.u32 $0x5, v8;
	v3 =	vpack.i.f32.bf16 v3, v3  }
0x260: {  	v9 =	vadd.s32 v2, v9;
	v5 =	vmul.bf16 v5, v3;
	v6 =	vmul.bf16 v6, v3  }
0x261: {  	v7 =	vmul.bf16 v7, v3;
	v3 =	vmul.bf16 v4, v3;
	v4 =	vor.u32 v8, v9  }
0x262: {  	[tilespmem:s18+$0xFFFFFFB0] =	vst v5  }
0x263: {  	[tilespmem:s18+$0xFFFFFF80] =	vst v6  }
0x264: {  	[tilespmem:s18+$0xFFFFFF90] =	vst v7  }
0x265: {  	[tilespmem:s18+$0xFFFFFFA0] =	vst v3  }
0x266: {  	v3 =	vld.idx.msk [tilespmem:v4+s2+$0x0], $0xffff;
	_ =	sdelay $0x1  }
0x267: {  	v4 =	vld [tilespmem:s18+$0xFFFFFFF0]  }
0x268: {  	v5 =	vld [tilespmem:s18+$0xFFFFFFD0]  }
0x269: {  	v6 =	vld [tilespmem:s18+$0xFFFFFFC0]  }
0x26a: {  	v7 =	vld [tilespmem:s18+$0xFFFFFFE0]  }
0x26b: {  	s30 =	sadd.s32 $0xFFFFFFFF, s19;
	v3 =	vmul.f32 v3, v1  }
0x26c: {  	v8 =	vmov s30  }
0x26d: {  	v9 =	vand.u32 $0x78, v8;
	v8 =	vand.u32 $0x6, v8;
	v3 =	vpack.i.f32.bf16 v3, v3  }
0x26e: {  	v9 =	vadd.s32 v2, v9;
	v5 =	vmul.bf16 v5, v3;
	v6 =	vmul.bf16 v6, v3  }
0x26f: {  	v7 =	vmul.bf16 v7, v3;
	v3 =	vmul.bf16 v4, v3;
	v4 =	vor.u32 v8, v9  }
0x270: {  	[tilespmem:s18+$0xFFFFFFC0] =	vst v6  }
0x271: {  	[tilespmem:s18+$0xFFFFFFF0] =	vst v3  }
0x272: {  	[tilespmem:s18+$0xFFFFFFD0] =	vst v5  }
0x273: {  	[tilespmem:s18+$0xFFFFFFE0] =	vst v7  }
0x274: {  	v3 =	vld.idx.msk [tilespmem:v4+s2+$0x0], $0xffff;
	_ =	sdelay $0x1  }
0x275: {  	v4 =	vld [tilespmem:s18+$0x30]  }
0x276: {  	v5 =	vld [tilespmem:s18+$0x10]  }
0x277: {  	v6 =	vld [tilespmem:s18+$0x0]  }
0x278: {  	v7 =	vld [tilespmem:s18+$0x20]  }
0x279: {  	v3 =	vmul.f32 v3, v1  }
0x27a: {  	v8 =	vmov s19  }
0x27b: {  	v9 =	vand.u32 $0x78, v8;
	v8 =	vand.u32 $0x7, v8;
	v3 =	vpack.i.f32.bf16 v3, v3  }
0x27c: {  	v9 =	vadd.s32 v2, v9;
	v5 =	vmul.bf16 v5, v3;
	v6 =	vmul.bf16 v6, v3  }
0x27d: {  	v7 =	vmul.bf16 v7, v3;
	v3 =	vmul.bf16 v4, v3;
	v4 =	vor.u32 v8, v9  }
.Ltmp7:
0x27e: {  	[tilespmem:s18+$0x0] =	vst v6;
	(pc) =	sbr.rel @p1 .LBB2_13-.Ltmp7, $4  }
0x27f: {  	[tilespmem:s18+$0x30] =	vst v3  }
0x280: {  	[tilespmem:s18+$0x20] =	vst v7  }
0x281: {  	[tilespmem:s18+$0x10] =	vst v5  }
0x282: {  	v3 =	vld.idx.msk [tilespmem:v4+s2+$0x0], $0xffff  }
0x283: {  	_ =	sdelay $0x1  }
0x284: {  	v2 =	vld [tilespmem:s17+$0x40]  }
0x285: {  	v4 =	vld [tilespmem:s17+$0x50]  }
0x286: {  	v5 =	vld [tilespmem:s17+$0x70];
	v3 =	vmul.f32 v3, v1  }
0x287: {  	v6 =	vld [tilespmem:s17+$0x60]  }
0x288: {  	v3 =	vpack.i.f32.bf16 v3, v3  }
0x289: {  	v2 =	vmul.bf16 v2, v3  }
0x28a: {  	s5 =	smul.u32 $0x140, s5;
	v4 =	vmul.bf16 v4, v3  }
0x28b: {  	[tilespmem:s17+$0x40] =	vst v2;
	v2 =	vmul.bf16 v5, v3  }
0x28c: {  	s8 =	sshra.s32 s5, $0x2;
	s5 =	sadd.s32 $0x2, s14;
	v3 =	vmul.bf16 v6, v3;
	[tilespmem:s17+$0x50] =	vst v4  }
0x28d: {  	[tilespmem:s17+$0x70] =	vst v2;
	v2 =	vmov s5  }
0x28e: {  	s18 =	simm.s32 $0x0;
	s8 =	sadd.s32 $0x2710, s8;
	[tilespmem:s17+$0x60] =	vst v3;
	v2 =	vmul.u32 $0x50, v2  }
0x28f: {  	[spmem:s3] =	stream.indirect.scatter.add.bf16 [tilespmem:s24], [sflag:$0x7], $0x40, s8, s20, $0xb8;
	[tilespmem:$0x1ECD0] =	vst v63  }
0x290: {  	p1 =	seq.s32 s9, $0x18;
	v3 =	vmov s18;
	_ =	swait.ge [sflag:s23], $0x1400;
	v2 =	vbroadcast v2, $0x0  }
0x291: {  	s11 =	sshra.s32 @!p1 s11, $0x2;
	s17 =	simm.s32 @!p1 $0x50;
	v4 =	vand.u32 $0x78, v3;
	[sflag:s23] =	ssyncset.done $0x0  }
0x292: {  	s18 =	simm.s32 @!p1 $0xEA60;
	s8 =	sadd.s32 @!p1 $0x4FB0, s11;
	v3 =	vand.u32 $0x4, v3;
	[sflag:s23] =	ssyncadd.s32 $0xFFFFEC00;
	v4 =	vadd.s32 v2, v4  }
0x293: {  	[tilespmem:s18], [sflag:$0x1] =	stream.indirect.gather @!p1 [hbm4b:s1+s17], $0x40, s8, s17, $0xb8;
	v3 =	vor.u32 v3, v4;
	[tilespmem:$0x1ECD0] =	vst v63  }
0x294: {  	s8 =	simm.s32 $0x3  }
0x295: {  	_ =	swait.ge [sflag:s8], $0x1400  }
0x296: {  	[sflag:s8] =	ssyncset.done $0x0  }
0x297: {  	[sflag:s8] =	ssyncadd.s32 $0xFFFFEC00  }
0x298: {  	v3 =	vld.idx.msk [tilespmem:v3+s2+$0x0], $0xffff;
	_ =	sdelay $0x1  }
0x299: {  	s17 =	simm.s32 $0x112E0  }
0x29a: {  	v4 =	vld [tilespmem:s17+$0xFFFFFFB0]  }
0x29b: {  	v5 =	vld [tilespmem:s17+$0xFFFFFF80]  }
0x29c: {  	s19 =	simm.s32 $0x1;
	v55 =	vld [tilespmem:s17+$0xFFFFFF90];
	v3 =	vmul.f32 v3, v1  }
0x29d: {  	v8 =	vmov s19;
	v7 =	vld [tilespmem:s17+$0xFFFFFFA0]  }
0x29e: {  	v9 =	vand.u32 $0x78, v8;
	v3 =	vpack.i.f32.bf16 v3, v3  }
0x29f: {  	v8 =	vand.u32 $0x5, v8;
	v9 =	vadd.s32 v2, v9;
	v4 =	vmul.bf16 v4, v3  }
0x2a0: {  	v8 =	vor.u32 v8, v9;
	v5 =	vmul.bf16 v5, v3  }
0x2a1: {  	v6 =	vmul.bf16 v55, v3;
	[tilespmem:s17+$0xFFFFFFB0] =	vst v4  }
0x2a2: {  	v3 =	vmul.bf16 v7, v3;
	[tilespmem:s17+$0xFFFFFF80] =	vst v5  }
0x2a3: {  	[tilespmem:s17+$0xFFFFFF90] =	vst v6  }
0x2a4: {  	[tilespmem:s17+$0xFFFFFFA0] =	vst v3  }
0x2a5: {  	v3 =	vld.idx.msk [tilespmem:v8+s2+$0x0], $0xffff;
	_ =	sdelay $0x2  }
0x2a6: {  	v4 =	vld [tilespmem:s17+$0xFFFFFFC0]  }
0x2a7: {  	v5 =	vld [tilespmem:s17+$0xFFFFFFF0]  }
0x2a8: {  	s30 =	simm.s32 $0x2;
	v56 =	vld [tilespmem:s17+$0xFFFFFFD0];
	v3 =	vmul.f32 v3, v1  }
0x2a9: {  	v58 =	vmov s30;
	v57 =	vld [tilespmem:s17+$0xFFFFFFE0]  }
0x2aa: {  	v59 =	vand.u32 $0x78, v58;
	v3 =	vpack.i.f32.bf16 v3, v3  }
0x2ab: {  	v9 =	vadd.s32 v2, v59;
	v8 =	vand.u32 $0x6, v58;
	v4 =	vmul.bf16 v4, v3  }
0x2ac: {  	v8 =	vor.u32 v8, v9;
	v5 =	vmul.bf16 v5, v3  }
0x2ad: {  	v6 =	vmul.bf16 v56, v3;
	[tilespmem:s17+$0xFFFFFFC0] =	vst v4  }
0x2ae: {  	v3 =	vmul.bf16 v57, v3;
	[tilespmem:s17+$0xFFFFFFF0] =	vst v5  }
0x2af: {  	[tilespmem:s17+$0xFFFFFFD0] =	vst v6  }
0x2b0: {  	[tilespmem:s17+$0xFFFFFFE0] =	vst v3  }
0x2b1: {  	v3 =	vld.idx.msk [tilespmem:v8+s2+$0x0], $0xffff;
	_ =	sdelay $0x2  }
0x2b2: {  	v4 =	vld [tilespmem:s17+$0x0]  }
0x2b3: {  	v5 =	vld [tilespmem:s17+$0x30]  }
0x2b4: {  	v60 =	vld [tilespmem:s17+$0x20];
	v3 =	vmul.f32 v3, v1  }
0x2b5: {  	v62 =	vmov s8;
	v61 =	vld [tilespmem:s17+$0x10]  }
0x2b6: {  	v63 =	vand.u32 $0x78, v62;
	v3 =	vpack.i.f32.bf16 v3, v3  }
0x2b7: {  	v9 =	vadd.s32 v2, v63;
	v8 =	vand.u32 $0x7, v62;
	v4 =	vmul.bf16 v4, v3  }
0x2b8: {  	v8 =	vor.u32 v8, v9;
	v5 =	vmul.bf16 v5, v3  }
0x2b9: {  	v6 =	vmul.bf16 v60, v3;
	[tilespmem:s17+$0x0] =	vst v4  }
0x2ba: {  	v3 =	vmul.bf16 v61, v3;
	[tilespmem:s17+$0x30] =	vst v5  }
0x2bb: {  	[tilespmem:s17+$0x20] =	vst v6  }
0x2bc: {  	[tilespmem:s17+$0x10] =	vst v3  }
0x2bd: {  	s18 =	simm.s32 $0x112E0;
	s8 =	simm.s32 $0x7;
	v3 =	vld.idx.msk [tilespmem:v8+s2+$0x0], $0xffff  }
.LBB2_15:
0x2be: {  	p2 =	sne.s32 s8, $0x4F  }
0x2bf: {  	v4 =	vld [tilespmem:s17+$0x50];
	s18 =	sadd.s32 $0x100, s18;
	s19 =	smov.u32 s8;
	s8 =	sadd.s32 $0x4, s8  }
0x2c0: {  	v5 =	vld [tilespmem:s17+$0x40]  }
0x2c1: {  	v6 =	vld [tilespmem:s17+$0x70]  }
0x2c2: {  	v7 =	vld [tilespmem:s17+$0x60]  }
0x2c3: {  	s30 =	sadd.s32 $0xFFFFFFFD, s19;
	v3 =	vmul.f32 v3, v1  }
0x2c4: {  	v8 =	vmov s30  }
0x2c5: {  	v9 =	vand.u32 $0x78, v8;
	v3 =	vpack.i.f32.bf16 v3, v3  }
0x2c6: {  	v8 =	vand.u32 $0x4, v8;
	v9 =	vadd.s32 v2, v9;
	v5 =	vmul.bf16 v5, v3  }
0x2c7: {  	v8 =	vor.u32 v8, v9;
	v4 =	vmul.bf16 v4, v3;
	v7 =	vmul.bf16 v7, v3  }
0x2c8: {  	v3 =	vmul.bf16 v6, v3;
	[tilespmem:s17+$0x40] =	vst v5  }
0x2c9: {  	[tilespmem:s17+$0x50] =	vst v4  }
0x2ca: {  	[tilespmem:s17+$0x70] =	vst v3  }
0x2cb: {  	[tilespmem:s17+$0x60] =	vst v7;
	s17 =	smov.u32 s18  }
0x2cc: {  	v3 =	vld.idx.msk [tilespmem:v8+s2+$0x0], $0xffff;
	_ =	sdelay $0x1  }
0x2cd: {  	v4 =	vld [tilespmem:s18+$0xFFFFFFA0]  }
0x2ce: {  	v5 =	vld [tilespmem:s18+$0xFFFFFFB0]  }
0x2cf: {  	v6 =	vld [tilespmem:s18+$0xFFFFFF80]  }
0x2d0: {  	v7 =	vld [tilespmem:s18+$0xFFFFFF90]  }
0x2d1: {  	s30 =	sadd.s32 $0xFFFFFFFE, s19;
	v3 =	vmul.f32 v3, v1  }
0x2d2: {  	v8 =	vmov s30  }
0x2d3: {  	v9 =	vand.u32 $0x78, v8;
	v8 =	vand.u32 $0x5, v8;
	v3 =	vpack.i.f32.bf16 v3, v3  }
0x2d4: {  	v9 =	vadd.s32 v2, v9;
	v5 =	vmul.bf16 v5, v3;
	v6 =	vmul.bf16 v6, v3  }
0x2d5: {  	v7 =	vmul.bf16 v7, v3;
	v3 =	vmul.bf16 v4, v3;
	v4 =	vor.u32 v8, v9  }
0x2d6: {  	[tilespmem:s18+$0xFFFFFFB0] =	vst v5  }
0x2d7: {  	[tilespmem:s18+$0xFFFFFF80] =	vst v6  }
0x2d8: {  	[tilespmem:s18+$0xFFFFFF90] =	vst v7  }
0x2d9: {  	[tilespmem:s18+$0xFFFFFFA0] =	vst v3  }
0x2da: {  	v3 =	vld.idx.msk [tilespmem:v4+s2+$0x0], $0xffff;
	_ =	sdelay $0x1  }
0x2db: {  	v4 =	vld [tilespmem:s18+$0xFFFFFFF0]  }
0x2dc: {  	v5 =	vld [tilespmem:s18+$0xFFFFFFD0]  }
0x2dd: {  	v6 =	vld [tilespmem:s18+$0xFFFFFFC0]  }
0x2de: {  	v7 =	vld [tilespmem:s18+$0xFFFFFFE0]  }
0x2df: {  	s30 =	sadd.s32 $0xFFFFFFFF, s19;
	v3 =	vmul.f32 v3, v1  }
0x2e0: {  	v8 =	vmov s30  }
0x2e1: {  	v9 =	vand.u32 $0x78, v8;
	v8 =	vand.u32 $0x6, v8;
	v3 =	vpack.i.f32.bf16 v3, v3  }
0x2e2: {  	v9 =	vadd.s32 v2, v9;
	v5 =	vmul.bf16 v5, v3;
	v6 =	vmul.bf16 v6, v3  }
0x2e3: {  	v7 =	vmul.bf16 v7, v3;
	v3 =	vmul.bf16 v4, v3;
	v4 =	vor.u32 v8, v9  }
0x2e4: {  	[tilespmem:s18+$0xFFFFFFC0] =	vst v6  }
0x2e5: {  	[tilespmem:s18+$0xFFFFFFF0] =	vst v3  }
0x2e6: {  	[tilespmem:s18+$0xFFFFFFD0] =	vst v5  }
0x2e7: {  	[tilespmem:s18+$0xFFFFFFE0] =	vst v7  }
0x2e8: {  	v3 =	vld.idx.msk [tilespmem:v4+s2+$0x0], $0xffff;
	_ =	sdelay $0x1  }
0x2e9: {  	v4 =	vld [tilespmem:s18+$0x30]  }
0x2ea: {  	v5 =	vld [tilespmem:s18+$0x10]  }
0x2eb: {  	v6 =	vld [tilespmem:s18+$0x0]  }
0x2ec: {  	v7 =	vld [tilespmem:s18+$0x20]  }
0x2ed: {  	v3 =	vmul.f32 v3, v1  }
0x2ee: {  	v8 =	vmov s19  }
0x2ef: {  	v9 =	vand.u32 $0x78, v8;
	v8 =	vand.u32 $0x7, v8;
	v3 =	vpack.i.f32.bf16 v3, v3  }
0x2f0: {  	v9 =	vadd.s32 v2, v9;
	v5 =	vmul.bf16 v5, v3;
	v6 =	vmul.bf16 v6, v3  }
0x2f1: {  	v7 =	vmul.bf16 v7, v3;
	v3 =	vmul.bf16 v4, v3;
	v4 =	vor.u32 v8, v9  }
.Ltmp8:
0x2f2: {  	[tilespmem:s18+$0x0] =	vst v6;
	(pc) =	sbr.rel @p2 .LBB2_15-.Ltmp8, $4  }
0x2f3: {  	[tilespmem:s18+$0x30] =	vst v3  }
0x2f4: {  	[tilespmem:s18+$0x20] =	vst v7  }
0x2f5: {  	[tilespmem:s18+$0x10] =	vst v5  }
0x2f6: {  	v3 =	vld.idx.msk [tilespmem:v4+s2+$0x0], $0xffff  }
0x2f7: {  	_ =	sdelay $0x1  }
0x2f8: {  	v2 =	vld [tilespmem:s17+$0x40];
	_ =	sdelay $0x1  }
0x2f9: {  	v5 =	vld [tilespmem:s17+$0x70];
	v3 =	vmul.f32 v3, v1  }
0x2fa: {  	v4 =	vld [tilespmem:s17+$0x50]  }
0x2fb: {  	v6 =	vld [tilespmem:s17+$0x60];
	v3 =	vpack.i.f32.bf16 v3, v3  }
0x2fc: {  	v2 =	vmul.bf16 v2, v3  }
0x2fd: {  	s5 =	smul.u32 $0x140, s5  }
0x2fe: {  	[tilespmem:s17+$0x40] =	vst v2;
	v2 =	vmul.bf16 v5, v3  }
0x2ff: {  	s8 =	sshra.s32 s5, $0x2;
	s5 =	sadd.s32 $0x3, s14;
	v4 =	vmul.bf16 v4, v3  }
0x300: {  	v3 =	vmul.bf16 v6, v3;
	[tilespmem:s17+$0x70] =	vst v2;
	v2 =	vmov s5  }
0x301: {  	[tilespmem:s17+$0x50] =	vst v4;
	v2 =	vmul.u32 $0x50, v2  }
0x302: {  	s8 =	sadd.s32 $0x2710, s8;
	[tilespmem:s17+$0x60] =	vst v3;
	s17 =	simm.s32 $0x0  }
0x303: {  	[spmem:s3] =	stream.indirect.scatter.add.bf16 [tilespmem:s26], [sflag:$0x8], $0x40, s8, s20, $0xb8;
	v3 =	vmov s17;
	v2 =	vbroadcast v2, $0x0;
	[tilespmem:$0x1ECD0] =	vst v63  }
0x304: {  	_ =	swait.ge [sflag:s25], $0x1400;
	v4 =	vand.u32 $0x78, v3  }
0x305: {  	s14 =	simm.s32 @!p1 $0x50;
	v3 =	vand.u32 $0x4, v3;
	[sflag:s25] =	ssyncset.done $0x0;
	v4 =	vadd.s32 v2, v4  }
0x306: {  	s8 =	sadd.s32 @!p1 $0x5000, s11;
	s17 =	simm.s32 @!p1 $0xFE60;
	[sflag:s25] =	ssyncadd.s32 $0xFFFFEC00;
	v3 =	vor.u32 v3, v4  }
0x307: {  	[tilespmem:s17], [sflag:$0x2] =	stream.indirect.gather @!p1 [hbm4b:s1+s14], $0x40, s8, s14, $0xb8;
	[tilespmem:$0x1ECD0] =	vst v63  }
0x308: {  	_ =	swait.ge [sflag:s28], $0x1400  }
0x309: {  	[sflag:s28] =	ssyncset.done $0x0  }
0x30a: {  	[sflag:s28] =	ssyncadd.s32 $0xFFFFEC00  }
0x30b: {  	v3 =	vld.idx.msk [tilespmem:v3+s2+$0x0], $0xffff;
	_ =	sdelay $0x1  }
0x30c: {  	s14 =	simm.s32 $0x126E0  }
0x30d: {  	v4 =	vld [tilespmem:s14+$0xFFFFFFB0]  }
0x30e: {  	v5 =	vld [tilespmem:s14+$0xFFFFFF80]  }
0x30f: {  	s18 =	simm.s32 $0x1;
	v55 =	vld [tilespmem:s14+$0xFFFFFF90];
	v3 =	vmul.f32 v3, v1  }
0x310: {  	v8 =	vmov s18;
	v7 =	vld [tilespmem:s14+$0xFFFFFFA0]  }
0x311: {  	v9 =	vand.u32 $0x78, v8;
	v3 =	vpack.i.f32.bf16 v3, v3  }
0x312: {  	v8 =	vand.u32 $0x5, v8;
	v9 =	vadd.s32 v2, v9;
	v4 =	vmul.bf16 v4, v3  }
0x313: {  	v8 =	vor.u32 v8, v9;
	v5 =	vmul.bf16 v5, v3  }
0x314: {  	v6 =	vmul.bf16 v55, v3;
	[tilespmem:s14+$0xFFFFFFB0] =	vst v4  }
0x315: {  	v3 =	vmul.bf16 v7, v3;
	[tilespmem:s14+$0xFFFFFF80] =	vst v5  }
0x316: {  	[tilespmem:s14+$0xFFFFFF90] =	vst v6  }
0x317: {  	[tilespmem:s14+$0xFFFFFFA0] =	vst v3  }
0x318: {  	v3 =	vld.idx.msk [tilespmem:v8+s2+$0x0], $0xffff;
	_ =	sdelay $0x2  }
0x319: {  	v4 =	vld [tilespmem:s14+$0xFFFFFFC0]  }
0x31a: {  	v5 =	vld [tilespmem:s14+$0xFFFFFFF0]  }
0x31b: {  	s19 =	simm.s32 $0x2;
	v56 =	vld [tilespmem:s14+$0xFFFFFFD0];
	v3 =	vmul.f32 v3, v1  }
0x31c: {  	v58 =	vmov s19;
	v57 =	vld [tilespmem:s14+$0xFFFFFFE0]  }
0x31d: {  	v59 =	vand.u32 $0x78, v58;
	v3 =	vpack.i.f32.bf16 v3, v3  }
0x31e: {  	v9 =	vadd.s32 v2, v59;
	v8 =	vand.u32 $0x6, v58;
	v4 =	vmul.bf16 v4, v3  }
0x31f: {  	v8 =	vor.u32 v8, v9;
	v5 =	vmul.bf16 v5, v3  }
0x320: {  	v6 =	vmul.bf16 v56, v3;
	[tilespmem:s14+$0xFFFFFFC0] =	vst v4  }
0x321: {  	v3 =	vmul.bf16 v57, v3;
	[tilespmem:s14+$0xFFFFFFF0] =	vst v5  }
0x322: {  	[tilespmem:s14+$0xFFFFFFD0] =	vst v6  }
0x323: {  	[tilespmem:s14+$0xFFFFFFE0] =	vst v3  }
0x324: {  	v3 =	vld.idx.msk [tilespmem:v8+s2+$0x0], $0xffff;
	_ =	sdelay $0x2  }
0x325: {  	v4 =	vld [tilespmem:s14+$0x0]  }
0x326: {  	v5 =	vld [tilespmem:s14+$0x30]  }
0x327: {  	s30 =	simm.s32 $0x3;
	v60 =	vld [tilespmem:s14+$0x20];
	v3 =	vmul.f32 v3, v1  }
0x328: {  	v62 =	vmov s30;
	v61 =	vld [tilespmem:s14+$0x10]  }
0x329: {  	v63 =	vand.u32 $0x78, v62;
	v3 =	vpack.i.f32.bf16 v3, v3  }
0x32a: {  	v9 =	vadd.s32 v2, v63;
	v8 =	vand.u32 $0x7, v62;
	v4 =	vmul.bf16 v4, v3  }
0x32b: {  	v8 =	vor.u32 v8, v9;
	v5 =	vmul.bf16 v5, v3  }
0x32c: {  	v6 =	vmul.bf16 v60, v3;
	[tilespmem:s14+$0x0] =	vst v4  }
0x32d: {  	v3 =	vmul.bf16 v61, v3;
	[tilespmem:s14+$0x30] =	vst v5  }
0x32e: {  	[tilespmem:s14+$0x20] =	vst v6  }
0x32f: {  	[tilespmem:s14+$0x10] =	vst v3  }
0x330: {  	s8 =	simm.s32 $0x7;
	s17 =	simm.s32 $0x126E0;
	v3 =	vld.idx.msk [tilespmem:v8+s2+$0x0], $0xffff  }
.LBB2_17:
0x331: {  	p2 =	sne.s32 s8, $0x4F  }
0x332: {  	v4 =	vld [tilespmem:s14+$0x50];
	s17 =	sadd.s32 $0x100, s17;
	s18 =	smov.u32 s8;
	s8 =	sadd.s32 $0x4, s8  }
0x333: {  	v5 =	vld [tilespmem:s14+$0x40]  }
0x334: {  	v6 =	vld [tilespmem:s14+$0x70]  }
0x335: {  	v7 =	vld [tilespmem:s14+$0x60]  }
0x336: {  	s19 =	sadd.s32 $0xFFFFFFFD, s18;
	v3 =	vmul.f32 v3, v1  }
0x337: {  	v8 =	vmov s19  }
0x338: {  	v9 =	vand.u32 $0x78, v8;
	v3 =	vpack.i.f32.bf16 v3, v3  }
0x339: {  	v8 =	vand.u32 $0x4, v8;
	v9 =	vadd.s32 v2, v9;
	v5 =	vmul.bf16 v5, v3  }
0x33a: {  	v8 =	vor.u32 v8, v9;
	v4 =	vmul.bf16 v4, v3;
	v7 =	vmul.bf16 v7, v3  }
0x33b: {  	v3 =	vmul.bf16 v6, v3;
	[tilespmem:s14+$0x40] =	vst v5  }
0x33c: {  	[tilespmem:s14+$0x50] =	vst v4  }
0x33d: {  	[tilespmem:s14+$0x70] =	vst v3  }
0x33e: {  	[tilespmem:s14+$0x60] =	vst v7;
	s14 =	smov.u32 s17  }
0x33f: {  	v3 =	vld.idx.msk [tilespmem:v8+s2+$0x0], $0xffff;
	_ =	sdelay $0x1  }
0x340: {  	v4 =	vld [tilespmem:s17+$0xFFFFFFA0]  }
0x341: {  	v5 =	vld [tilespmem:s17+$0xFFFFFFB0]  }
0x342: {  	v6 =	vld [tilespmem:s17+$0xFFFFFF80]  }
0x343: {  	v7 =	vld [tilespmem:s17+$0xFFFFFF90]  }
0x344: {  	s19 =	sadd.s32 $0xFFFFFFFE, s18;
	v3 =	vmul.f32 v3, v1  }
0x345: {  	v8 =	vmov s19  }
0x346: {  	v9 =	vand.u32 $0x78, v8;
	v8 =	vand.u32 $0x5, v8;
	v3 =	vpack.i.f32.bf16 v3, v3  }
0x347: {  	v9 =	vadd.s32 v2, v9;
	v5 =	vmul.bf16 v5, v3;
	v6 =	vmul.bf16 v6, v3  }
0x348: {  	v7 =	vmul.bf16 v7, v3;
	v3 =	vmul.bf16 v4, v3;
	v4 =	vor.u32 v8, v9  }
0x349: {  	[tilespmem:s17+$0xFFFFFFB0] =	vst v5  }
0x34a: {  	[tilespmem:s17+$0xFFFFFF80] =	vst v6  }
0x34b: {  	[tilespmem:s17+$0xFFFFFF90] =	vst v7  }
0x34c: {  	[tilespmem:s17+$0xFFFFFFA0] =	vst v3  }
0x34d: {  	v3 =	vld.idx.msk [tilespmem:v4+s2+$0x0], $0xffff;
	_ =	sdelay $0x1  }
0x34e: {  	v4 =	vld [tilespmem:s17+$0xFFFFFFF0]  }
0x34f: {  	v5 =	vld [tilespmem:s17+$0xFFFFFFD0]  }
0x350: {  	v6 =	vld [tilespmem:s17+$0xFFFFFFC0]  }
0x351: {  	v7 =	vld [tilespmem:s17+$0xFFFFFFE0]  }
0x352: {  	s19 =	sadd.s32 $0xFFFFFFFF, s18;
	v3 =	vmul.f32 v3, v1  }
0x353: {  	v8 =	vmov s19  }
0x354: {  	v9 =	vand.u32 $0x78, v8;
	v8 =	vand.u32 $0x6, v8;
	v3 =	vpack.i.f32.bf16 v3, v3  }
0x355: {  	v9 =	vadd.s32 v2, v9;
	v5 =	vmul.bf16 v5, v3;
	v6 =	vmul.bf16 v6, v3  }
0x356: {  	v7 =	vmul.bf16 v7, v3;
	v3 =	vmul.bf16 v4, v3;
	v4 =	vor.u32 v8, v9  }
0x357: {  	[tilespmem:s17+$0xFFFFFFC0] =	vst v6  }
0x358: {  	[tilespmem:s17+$0xFFFFFFF0] =	vst v3  }
0x359: {  	[tilespmem:s17+$0xFFFFFFD0] =	vst v5  }
0x35a: {  	[tilespmem:s17+$0xFFFFFFE0] =	vst v7  }
0x35b: {  	v3 =	vld.idx.msk [tilespmem:v4+s2+$0x0], $0xffff;
	_ =	sdelay $0x1  }
0x35c: {  	v4 =	vld [tilespmem:s17+$0x30]  }
0x35d: {  	v5 =	vld [tilespmem:s17+$0x10]  }
0x35e: {  	v6 =	vld [tilespmem:s17+$0x0]  }
0x35f: {  	v7 =	vld [tilespmem:s17+$0x20]  }
0x360: {  	v3 =	vmul.f32 v3, v1  }
0x361: {  	v8 =	vmov s18  }
0x362: {  	v9 =	vand.u32 $0x78, v8;
	v8 =	vand.u32 $0x7, v8;
	v3 =	vpack.i.f32.bf16 v3, v3  }
0x363: {  	v9 =	vadd.s32 v2, v9;
	v5 =	vmul.bf16 v5, v3;
	v6 =	vmul.bf16 v6, v3  }
0x364: {  	v7 =	vmul.bf16 v7, v3;
	v3 =	vmul.bf16 v4, v3;
	v4 =	vor.u32 v8, v9  }
.Ltmp9:
0x365: {  	[tilespmem:s17+$0x0] =	vst v6;
	(pc) =	sbr.rel @p2 .LBB2_17-.Ltmp9, $4  }
0x366: {  	[tilespmem:s17+$0x30] =	vst v3  }
0x367: {  	[tilespmem:s17+$0x20] =	vst v7  }
0x368: {  	[tilespmem:s17+$0x10] =	vst v5  }
0x369: {  	v3 =	vld.idx.msk [tilespmem:v4+s2+$0x0], $0xffff  }
0x36a: {  	_ =	sdelay $0x1  }
0x36b: {  	v2 =	vld [tilespmem:s14+$0x40];
	_ =	sdelay $0x1  }
0x36c: {  	v5 =	vld [tilespmem:s14+$0x70];
	v3 =	vmul.f32 v3, v1  }
0x36d: {  	v4 =	vld [tilespmem:s14+$0x50]  }
0x36e: {  	v6 =	vld [tilespmem:s14+$0x60];
	v3 =	vpack.i.f32.bf16 v3, v3  }
0x36f: {  	v2 =	vmul.bf16 v2, v3;
	_ =	sdelay $0x1  }
0x370: {  	[tilespmem:s14+$0x40] =	vst v2;
	v2 =	vmul.bf16 v5, v3  }
0x371: {  	s5 =	smul.u32 $0x140, s5;
	v4 =	vmul.bf16 v4, v3  }
0x372: {  	v3 =	vmul.bf16 v6, v3;
	[tilespmem:s14+$0x70] =	vst v2;
	v2 =	vmov s13  }
0x373: {  	s5 =	sshra.s32 s5, $0x2;
	[tilespmem:s14+$0x50] =	vst v4;
	v2 =	vmul.u32 $0x50, v2  }
0x374: {  	s17 =	simm.s32 $0x0;
	s5 =	sadd.s32 $0x2710, s5;
	[tilespmem:s14+$0x60] =	vst v3  }
0x375: {  	v3 =	vmov s17;
	[spmem:s3] =	stream.indirect.scatter.add.bf16 [tilespmem:s29], [sflag:$0x9], $0x40, s5, s20, $0xb8;
	v2 =	vbroadcast v2, $0x0;
	[tilespmem:$0x1ECD0] =	vst v63  }
0x376: {  	v4 =	vand.u32 $0x78, v3;
	_ =	swait.ge [sflag:s4], $0x1400  }
0x377: {  	s8 =	simm.s32 @!p1 $0x50;
	v3 =	vand.u32 $0x4, v3;
	[sflag:s4] =	ssyncset.done $0x0;
	v4 =	vadd.s32 v2, v4  }
0x378: {  	s5 =	sadd.s32 @!p1 $0x5050, s11;
	s11 =	simm.s32 @!p1 $0x11260;
	[sflag:s4] =	ssyncadd.s32 $0xFFFFEC00;
	v3 =	vor.u32 v3, v4  }
0x379: {  	[tilespmem:s11], [sflag:$0x3] =	stream.indirect.gather @!p1 [hbm4b:s1+s8], $0x40, s5, s8, $0xb8;
	[tilespmem:$0x1ECD0] =	vst v63  }
0x37a: {  	_ =	swait.ge [sflag:s6], $0x1400  }
0x37b: {  	[sflag:s6] =	ssyncset.done $0x0  }
0x37c: {  	[sflag:s6] =	ssyncadd.s32 $0xFFFFEC00  }
0x37d: {  	v3 =	vld.idx.msk [tilespmem:v3+s2+$0x0], $0xffff;
	_ =	sdelay $0x1  }
0x37e: {  	s5 =	simm.s32 $0x13AE0  }
0x37f: {  	v4 =	vld [tilespmem:s5+$0xFFFFFFB0]  }
0x380: {  	v5 =	vld [tilespmem:s5+$0xFFFFFF80]  }
0x381: {  	s18 =	simm.s32 $0x1;
	v55 =	vld [tilespmem:s5+$0xFFFFFF90];
	v3 =	vmul.f32 v3, v1  }
0x382: {  	v8 =	vmov s18;
	v7 =	vld [tilespmem:s5+$0xFFFFFFA0]  }
0x383: {  	v9 =	vand.u32 $0x78, v8;
	v3 =	vpack.i.f32.bf16 v3, v3  }
0x384: {  	v8 =	vand.u32 $0x5, v8;
	v9 =	vadd.s32 v2, v9;
	v4 =	vmul.bf16 v4, v3  }
0x385: {  	v8 =	vor.u32 v8, v9;
	v5 =	vmul.bf16 v5, v3  }
0x386: {  	v6 =	vmul.bf16 v55, v3;
	[tilespmem:s5+$0xFFFFFFB0] =	vst v4  }
0x387: {  	v3 =	vmul.bf16 v7, v3;
	[tilespmem:s5+$0xFFFFFF80] =	vst v5  }
0x388: {  	[tilespmem:s5+$0xFFFFFF90] =	vst v6  }
0x389: {  	[tilespmem:s5+$0xFFFFFFA0] =	vst v3  }
0x38a: {  	v3 =	vld.idx.msk [tilespmem:v8+s2+$0x0], $0xffff;
	_ =	sdelay $0x2  }
0x38b: {  	v4 =	vld [tilespmem:s5+$0xFFFFFFC0]  }
0x38c: {  	v5 =	vld [tilespmem:s5+$0xFFFFFFF0]  }
0x38d: {  	s19 =	simm.s32 $0x2;
	v56 =	vld [tilespmem:s5+$0xFFFFFFD0];
	v3 =	vmul.f32 v3, v1  }
0x38e: {  	v58 =	vmov s19;
	v57 =	vld [tilespmem:s5+$0xFFFFFFE0]  }
0x38f: {  	v59 =	vand.u32 $0x78, v58;
	v3 =	vpack.i.f32.bf16 v3, v3  }
0x390: {  	v9 =	vadd.s32 v2, v59;
	v8 =	vand.u32 $0x6, v58;
	v4 =	vmul.bf16 v4, v3  }
0x391: {  	v8 =	vor.u32 v8, v9;
	v5 =	vmul.bf16 v5, v3  }
0x392: {  	v6 =	vmul.bf16 v56, v3;
	[tilespmem:s5+$0xFFFFFFC0] =	vst v4  }
0x393: {  	v3 =	vmul.bf16 v57, v3;
	[tilespmem:s5+$0xFFFFFFF0] =	vst v5  }
0x394: {  	[tilespmem:s5+$0xFFFFFFD0] =	vst v6  }
0x395: {  	[tilespmem:s5+$0xFFFFFFE0] =	vst v3  }
0x396: {  	v3 =	vld.idx.msk [tilespmem:v8+s2+$0x0], $0xffff;
	_ =	sdelay $0x2  }
0x397: {  	v4 =	vld [tilespmem:s5+$0x0]  }
0x398: {  	v5 =	vld [tilespmem:s5+$0x30]  }
0x399: {  	s30 =	simm.s32 $0x3;
	v60 =	vld [tilespmem:s5+$0x20];
	v3 =	vmul.f32 v3, v1  }
0x39a: {  	v62 =	vmov s30;
	v61 =	vld [tilespmem:s5+$0x10]  }
0x39b: {  	v63 =	vand.u32 $0x78, v62;
	v3 =	vpack.i.f32.bf16 v3, v3  }
0x39c: {  	v9 =	vadd.s32 v2, v63;
	v8 =	vand.u32 $0x7, v62;
	v4 =	vmul.bf16 v4, v3  }
0x39d: {  	v8 =	vor.u32 v8, v9;
	v5 =	vmul.bf16 v5, v3  }
0x39e: {  	v6 =	vmul.bf16 v60, v3;
	[tilespmem:s5+$0x0] =	vst v4  }
0x39f: {  	v3 =	vmul.bf16 v61, v3;
	[tilespmem:s5+$0x30] =	vst v5  }
0x3a0: {  	[tilespmem:s5+$0x20] =	vst v6  }
0x3a1: {  	[tilespmem:s5+$0x10] =	vst v3  }
0x3a2: {  	s8 =	simm.s32 $0x7;
	s11 =	simm.s32 $0x13AE0;
	v3 =	vld.idx.msk [tilespmem:v8+s2+$0x0], $0xffff  }
.LBB2_19:
0x3a3: {  	p2 =	sne.s32 s8, $0x4F  }
0x3a4: {  	v4 =	vld [tilespmem:s5+$0x50];
	s11 =	sadd.s32 $0x100, s11;
	s13 =	smov.u32 s8;
	s8 =	sadd.s32 $0x4, s8  }
0x3a5: {  	v5 =	vld [tilespmem:s5+$0x40]  }
0x3a6: {  	v6 =	vld [tilespmem:s5+$0x70]  }
0x3a7: {  	v7 =	vld [tilespmem:s5+$0x60]  }
0x3a8: {  	s14 =	sadd.s32 $0xFFFFFFFD, s13;
	v3 =	vmul.f32 v3, v1  }
0x3a9: {  	v8 =	vmov s14  }
0x3aa: {  	v9 =	vand.u32 $0x78, v8;
	v3 =	vpack.i.f32.bf16 v3, v3  }
0x3ab: {  	v8 =	vand.u32 $0x4, v8;
	v9 =	vadd.s32 v2, v9;
	v5 =	vmul.bf16 v5, v3  }
0x3ac: {  	v8 =	vor.u32 v8, v9;
	v4 =	vmul.bf16 v4, v3;
	v7 =	vmul.bf16 v7, v3  }
0x3ad: {  	v3 =	vmul.bf16 v6, v3;
	[tilespmem:s5+$0x40] =	vst v5  }
0x3ae: {  	[tilespmem:s5+$0x50] =	vst v4  }
0x3af: {  	[tilespmem:s5+$0x70] =	vst v3  }
0x3b0: {  	[tilespmem:s5+$0x60] =	vst v7;
	s5 =	smov.u32 s11  }
0x3b1: {  	v3 =	vld.idx.msk [tilespmem:v8+s2+$0x0], $0xffff;
	_ =	sdelay $0x1  }
0x3b2: {  	v4 =	vld [tilespmem:s11+$0xFFFFFFA0]  }
0x3b3: {  	v5 =	vld [tilespmem:s11+$0xFFFFFFB0]  }
0x3b4: {  	v6 =	vld [tilespmem:s11+$0xFFFFFF80]  }
0x3b5: {  	v7 =	vld [tilespmem:s11+$0xFFFFFF90]  }
0x3b6: {  	s14 =	sadd.s32 $0xFFFFFFFE, s13;
	v3 =	vmul.f32 v3, v1  }
0x3b7: {  	v8 =	vmov s14  }
0x3b8: {  	v9 =	vand.u32 $0x78, v8;
	v8 =	vand.u32 $0x5, v8;
	v3 =	vpack.i.f32.bf16 v3, v3  }
0x3b9: {  	v9 =	vadd.s32 v2, v9;
	v5 =	vmul.bf16 v5, v3;
	v6 =	vmul.bf16 v6, v3  }
0x3ba: {  	v7 =	vmul.bf16 v7, v3;
	v3 =	vmul.bf16 v4, v3;
	v4 =	vor.u32 v8, v9  }
0x3bb: {  	[tilespmem:s11+$0xFFFFFFB0] =	vst v5  }
0x3bc: {  	[tilespmem:s11+$0xFFFFFF80] =	vst v6  }
0x3bd: {  	[tilespmem:s11+$0xFFFFFF90] =	vst v7  }
0x3be: {  	[tilespmem:s11+$0xFFFFFFA0] =	vst v3  }
0x3bf: {  	v3 =	vld.idx.msk [tilespmem:v4+s2+$0x0], $0xffff;
	_ =	sdelay $0x1  }
0x3c0: {  	v4 =	vld [tilespmem:s11+$0xFFFFFFF0]  }
0x3c1: {  	v5 =	vld [tilespmem:s11+$0xFFFFFFD0]  }
0x3c2: {  	v6 =	vld [tilespmem:s11+$0xFFFFFFC0]  }
0x3c3: {  	v7 =	vld [tilespmem:s11+$0xFFFFFFE0]  }
0x3c4: {  	s14 =	sadd.s32 $0xFFFFFFFF, s13;
	v3 =	vmul.f32 v3, v1  }
0x3c5: {  	v8 =	vmov s14  }
0x3c6: {  	v9 =	vand.u32 $0x78, v8;
	v8 =	vand.u32 $0x6, v8;
	v3 =	vpack.i.f32.bf16 v3, v3  }
0x3c7: {  	v9 =	vadd.s32 v2, v9;
	v5 =	vmul.bf16 v5, v3;
	v6 =	vmul.bf16 v6, v3  }
0x3c8: {  	v7 =	vmul.bf16 v7, v3;
	v3 =	vmul.bf16 v4, v3;
	v4 =	vor.u32 v8, v9  }
0x3c9: {  	[tilespmem:s11+$0xFFFFFFC0] =	vst v6  }
0x3ca: {  	[tilespmem:s11+$0xFFFFFFF0] =	vst v3  }
0x3cb: {  	[tilespmem:s11+$0xFFFFFFD0] =	vst v5  }
0x3cc: {  	[tilespmem:s11+$0xFFFFFFE0] =	vst v7  }
0x3cd: {  	v3 =	vld.idx.msk [tilespmem:v4+s2+$0x0], $0xffff;
	_ =	sdelay $0x1  }
0x3ce: {  	v4 =	vld [tilespmem:s11+$0x30]  }
0x3cf: {  	v5 =	vld [tilespmem:s11+$0x10]  }
0x3d0: {  	v6 =	vld [tilespmem:s11+$0x0]  }
0x3d1: {  	v7 =	vld [tilespmem:s11+$0x20]  }
0x3d2: {  	v3 =	vmul.f32 v3, v1  }
0x3d3: {  	v8 =	vmov s13  }
0x3d4: {  	v9 =	vand.u32 $0x78, v8;
	v8 =	vand.u32 $0x7, v8;
	v3 =	vpack.i.f32.bf16 v3, v3  }
0x3d5: {  	v9 =	vadd.s32 v2, v9;
	v5 =	vmul.bf16 v5, v3;
	v6 =	vmul.bf16 v6, v3  }
0x3d6: {  	v7 =	vmul.bf16 v7, v3;
	v3 =	vmul.bf16 v4, v3;
	v4 =	vor.u32 v8, v9  }
.Ltmp10:
0x3d7: {  	[tilespmem:s11+$0x0] =	vst v6;
	(pc) =	sbr.rel @p2 .LBB2_19-.Ltmp10, $4  }
0x3d8: {  	[tilespmem:s11+$0x30] =	vst v3  }
0x3d9: {  	[tilespmem:s11+$0x20] =	vst v7  }
0x3da: {  	[tilespmem:s11+$0x10] =	vst v5  }
0x3db: {  	v3 =	vld.idx.msk [tilespmem:v4+s2+$0x0], $0xffff  }
0x3dc: {  	_ =	sdelay $0x1  }
0x3dd: {  	v2 =	vld [tilespmem:s5+$0x40]  }
0x3de: {  	v4 =	vld [tilespmem:s5+$0x50]  }
0x3df: {  	v5 =	vld [tilespmem:s5+$0x70];
	v3 =	vmul.f32 v3, v1  }
0x3e0: {  	v6 =	vld [tilespmem:s5+$0x60]  }
0x3e1: {  	v3 =	vpack.i.f32.bf16 v3, v3  }
0x3e2: {  	v2 =	vmul.bf16 v2, v3  }
0x3e3: {  	v4 =	vmul.bf16 v4, v3  }
0x3e4: {  	[tilespmem:s5+$0x40] =	vst v2;
	v2 =	vmul.bf16 v5, v3  }
0x3e5: {  	v3 =	vmul.bf16 v6, v3;
	[tilespmem:s5+$0x50] =	vst v4  }
0x3e6: {  	[tilespmem:s5+$0x70] =	vst v2  }
.Ltmp11:
0x3e7: {  	s30 =	sadd.s32 $0x2710, s12;
	[tilespmem:s5+$0x60] =	vst v3;
	(pc) =	sbr.rel @p1 .LBB2_22-.Ltmp11, $4  }
0x3e8: {  	[spmem:s3] =	stream.indirect.scatter.add.bf16 [tilespmem:s0], [sflag:$0xA], $0x40, s30, s20, $0xb8;
	[tilespmem:$0x1ECD0] =	vst v63  }
0x3e9: {  	_ =	swait.ge [sflag:s7], $0x1400  }
0x3ea: {  	[sflag:s7] =	ssyncset.done $0x0  }
0x3eb: {  	[sflag:s7] =	ssyncadd.s32 $0xFFFFEC00  }
.Ltmp12:
0x3ec: {  	(pc) =	sbr.rel .LBB2_10-.Ltmp12, $3  }
0x3ed: {  	_ =	sdelay $0x1  }
0x3ee: {  	s5 =	sadd.s32 $0x50A0, s10;
	s9 =	sadd.s32 $0x1, s9  }
0x3ef: {  	[tilespmem:s29], [sflag:$0x4] =	stream.indirect.gather [hbm4b:s1+s20], $0x40, s5, s20, $0xb8;
	[tilespmem:$0x1ECD0] =	vst v63  }
.LBB2_23:
0x3f0: {  	_ =	sfence.sel $0x180000  }
0x3f1: {  	[bflag:$0x0] =	sbarrier.arrive $0xFFFF  }
0x3f2: {  	_ =	strace $0x90000047  }
0x3f3: {  	s0 =	stileid.u32;
	[bflag:$0x2] =	sbarrier.arrive $0xFFFF  }
0x3f4: {  	p0 =	sne.s32 s0, $0x0;
	s0 =	rddreg [dreg:$0x4]  }
0x3f5: {  	s0 =	sadd.s32 @!p0 $0x100000, s0  }
0x3f6: {  	[sflag:s0] =	ssyncadd.tile.s32 @!p0 $0x1;
	_ =	shalt  }
.Lfunc_end2:
_tile_overlayer_lowered:
.L_overlay_start_2:
0x3f7: {  	(tag) =	ssettag $0x2  }
0x3f8: {  	s0 =	rddreg [dreg:$0x0];
	s2 =	stileid.u32  }
0x3f9: {  	s1 =	rddreg [dreg:$0x1];
	p0 =	sne.s32 s2, $0x0  }
0x3fa: {  	s3 =	rddreg [dreg:$0x2];
	[bflag:$0x3] =	sbarrier.arrive $0xFFFF;
	s2 =	simm.s32 @!p0 $0x1C0B  }
0x3fb: {  	[timem:s3], [sflag:s2] =	dma.local @!p0 [hbm:s0], s1  }
0x3fc: {  	s0 =	simm.s32 @!p0 $0xB  }
0x3fd: {  	_ =	swait.ge @!p0 [sflag:s0], s1  }
0x3fe: {  	s1 =	ssub.s32 @!p0 $0x0, s1;
	[sflag:s0] =	ssyncset.done @!p0 $0x0  }
0x3ff: {  	[sflag:s0] =	ssyncadd.s32 @!p0 s1  }
0x400: {  	[bflag:$0x3] =	sbarrier.arrive $0xFFFF  }
0x401: {  	_ =	shalt  }

</sc_bundles>
